<compile_context>
chip_gen: v7x
topology: tpu7x:2x2x1
jax: 0.10.2.dev20260603
libtpu: 0.0.44.dev20260713+nightly
codegen_flags: <defaults>
</compile_context>

<pallas_src>
import functools

import jax
import jax.numpy as jnp
from jax import lax
from jax.experimental import pallas as pl
from jax.experimental.pallas import tpu as pltpu
from jax.experimental.pallas import tpu_sc as plsc

ROWS = 128
N = 8192
L = 16
NUM_WORKERS = 32
R = ROWS // NUM_WORKERS
CHUNKS = N // L
SEG = N + L
MAX_UNROLL = 8
C_UNROLL = 4
OUT_UNROLL = 8
MAX_PAIRS = 16

_mesh = plsc.VectorSubcoreMesh(core_axis_name="c", subcore_axis_name="s")


def _splat_sum(v):
    return jnp.full((L,), jnp.sum(v), jnp.float32)


def _sparsemax_body(x_hbm, out_hbm, xv, av, bv):
    wid = lax.axis_index("s") * 2 + lax.axis_index("c")
    base = wid * R
    pltpu.sync_copy(x_hbm.at[pl.ds(base, R)], xv)

    zero = jnp.zeros((L,), jnp.float32)
    lane = lax.iota(jnp.int32, L)
    neg = jnp.full((L,), -3.0e38, jnp.float32)

    def max_body(i, accs):
        out = []
        for r in range(R):
            vs = [xv[r, pl.ds((i * MAX_UNROLL + u) * L, L)]
                  for u in range(MAX_UNROLL)]
            while len(vs) > 1:
                vs = [jnp.maximum(vs[2 * j], vs[2 * j + 1])
                      for j in range(len(vs) // 2)]
            out.append(jnp.maximum(accs[r], vs[0]))
        return tuple(out)

    accs = lax.fori_loop(0, CHUNKS // MAX_UNROLL, max_body,
                         tuple(neg for _ in range(R)))
    taus = tuple(jnp.full((L,), jnp.max(accs[r]) - 1.0, jnp.float32)
                 for r in range(R))

    def compact_body(i, offs):
        offs = list(offs)
        vs = [[xv[r, pl.ds((i * C_UNROLL + u) * L, L)] for r in range(R)]
              for u in range(C_UNROLL)]
        for u in range(C_UNROLL):
            for r in range(R):
                v = vs[u][r]
                m = v > taus[r]
                any_m = plsc.all_reduce_population_count(m) > 0
                vf = jnp.where(m, v, neg)
                plsc.store_scatter(av, [offs[r] + lane], vf, mask=any_m)
                offs[r] = offs[r] + jnp.where(any_m, L, 0)
        return tuple(offs)

    offs = lax.fori_loop(
        0, CHUNKS // C_UNROLL, compact_body,
        tuple(jnp.full((L,), r * SEG, jnp.int32) for r in range(R)))
    cnt1 = tuple(jnp.max(offs[r]) - r * SEG for r in range(R))

    def dyn_pass(src, dst, taus, cnts):
        maxcnt = cnts[0]
        for r in range(1, R):
            maxcnt = jnp.maximum(maxcnt, cnts[r])
        nch = lax.shift_right_logical(maxcnt + (L - 1), 4)
        cnt_splats = tuple(jnp.full((L,), cnts[r]) for r in range(R))

        def body(i, carry):
            offs = list(carry[:R])
            s = list(carry[R:])
            pos = lane + i * L
            for r in range(R):
                v = src[pl.ds(i * L + r * SEG, L)]
                m = (v > taus[r]) & (pos < cnt_splats[r])
                s[r] = s[r] + jnp.where(m, v, zero)
                idx = offs[r] + plsc.cumsum(jnp.where(m, 1, 0)) - 1
                plsc.store_scatter(dst, [idx], v, mask=m)
                offs[r] = offs[r] + plsc.all_reduce_population_count(m)
            return tuple(offs) + tuple(s)

        carry = lax.fori_loop(
            0, nch, body,
            tuple(jnp.full((L,), r * SEG, jnp.int32) for r in range(R))
            + tuple(zero for _ in range(R)))
        new_cnts = tuple(jnp.max(carry[r]) - r * SEG for r in range(R))
        new_taus = tuple(
            (_splat_sum(carry[R + r]) - 1.0)
            / jnp.full((L,), new_cnts[r].astype(jnp.float32))
            for r in range(R))
        return new_taus, new_cnts

    taus, cnts = dyn_pass(av, bv, taus, cnt1)

    tiny_vs = tuple(bv[pl.ds(r * SEG, L)] for r in range(R))
    pred = cnts[0] <= L
    for r in range(1, R):
        pred = pred & (cnts[r] <= L)

    def tiny_path():
        outs = []
        for r in range(R):
            valid = lane < jnp.full((L,), cnts[r])
            v = tiny_vs[r]

            def it(_, tau, v=v, valid=valid):
                m = (v > tau) & valid
                s = _splat_sum(jnp.where(m, v, zero))
                k = plsc.all_reduce_population_count(m).astype(jnp.float32)
                return (s - 1.0) / k

            outs.append(lax.fori_loop(0, L, it, taus[r]))
        return tuple(outs)

    def general_path():
        def w_cond(carry):
            return (carry[0] < MAX_PAIRS) & jnp.logical_not(carry[1])

        def w_body(carry):
            t = carry[0]
            taus = carry[2:2 + R]
            cnts = carry[2 + R:2 + 2 * R]
            taus1, cnts1 = dyn_pass(bv, av, taus, cnts)
            taus2, cnts2 = dyn_pass(av, bv, taus1, cnts1)
            conv = jnp.bool_(True)
            for r in range(R):
                conv = conv & jnp.all(taus2[r] == taus1[r])
            return (t + 1, conv) + tuple(taus2) + tuple(cnts2)

        carry = (jnp.int32(0), jnp.bool_(False)) + tuple(taus) + tuple(cnts)
        carry = lax.while_loop(w_cond, w_body, carry)
        return tuple(carry[2:2 + R])

    taus = lax.cond(pred, tiny_path, general_path)

    def out_body(i, c):
        vs = [[xv[r, pl.ds((i * OUT_UNROLL + u) * L, L)] for r in range(R)]
              for u in range(OUT_UNROLL)]
        for u in range(OUT_UNROLL):
            for r in range(R):
                sl = pl.ds((i * OUT_UNROLL + u) * L, L)
                xv[r, sl] = jnp.maximum(vs[u][r] - taus[r], 0.0)
        return c

    lax.fori_loop(0, CHUNKS // OUT_UNROLL, out_body, 0)
    pltpu.sync_copy(xv, out_hbm.at[pl.ds(base, R)])


_sparsemax_sc = functools.partial(
    pl.kernel,
    mesh=_mesh,
    out_type=jax.ShapeDtypeStruct((ROWS, N), jnp.float32),
    scratch_types=[
        pltpu.VMEM((R, N), jnp.float32),
        pltpu.VMEM((R * SEG,), jnp.float32),
        pltpu.VMEM((R * SEG,), jnp.float32),
    ],
    compiler_params=pltpu.CompilerParams(needs_layout_passes=False),
)(_sparsemax_body)


def kernel(input):
    return _sparsemax_sc(input)

# --- scband reference (transcript-rebuilt; emitter-appended) ---
"""Pipeline reference for scband-sparsemax-21827023798713 (READ-ONLY COPY).

The authoritative reference and input builder live on the scoring server;
editing this copy changes nothing except your own understanding.
"""

import jax, jax.numpy as jnp
import numpy as np

DIM = 1

def setup_inputs(seed: int = 0) -> dict:
    key = jax.random.key(seed)
    x = jax.random.normal(key, (128, 8192), dtype=jnp.float32)
    return {"input": x}

def reference(input):
    dim = DIM
    x = input - jnp.mean(input, axis=dim, keepdims=True)
    # descending sort along dim
    z_sorted = -jnp.sort(-x, axis=dim)
    n = x.shape[dim]
    view_shape = tuple(-1 if i == dim else 1 for i in range(x.ndim))
    k = jnp.arange(1, n + 1, dtype=x.dtype).reshape(view_shape)
    z_cumsum = jnp.cumsum(z_sorted, axis=dim)
    k_thresh = (1 + k * z_sorted) > z_cumsum
    k_max = jnp.sum(k_thresh.astype(jnp.int32), axis=dim, keepdims=True)
    z_cumsum_k = jnp.take_along_axis(z_cumsum, k_max - 1, axis=dim)
    tau = (z_cumsum_k - 1.0) / k_max.astype(x.dtype)
    output = jnp.maximum(x - tau, 0.0)
    return output

if __name__ == "__main__":
    import jax
    _d = setup_inputs()
    print(jax.jit(kernel)(*tuple(_d.values())))

</pallas_src>

<mosaic_0001>
#map = affine_map<(d0, d1) -> (0, 0)>
module attributes {stable_mosaic.version = 14 : i64} {
  func.func @_sparsemax_body(%arg0: i32, %arg1: i32, %arg2: memref<128x8192xf32, #tpu.memory_space<hbm>>, %arg3: memref<128x8192xf32, #tpu.memory_space<hbm>>, %arg4: memref<4x8192xf32, #tpu.memory_space<vmem>>, %arg5: memref<32832xf32, #tpu.memory_space<vmem>>, %arg6: memref<32832xf32, #tpu.memory_space<vmem>>) attributes {dimension_semantics = [#tpu.dimension_semantics<core_parallel>, #tpu.dimension_semantics<subcore_parallel>], iteration_bounds = array<i64: 2, 16>, scalar_prefetch = 0 : i64, scratch_operands = 3 : i64, tpu.core_type = #tpu.core_type<sc_vector_subcore>, window_params = [{transform_indices = #map}, {transform_indices = #map}]} {
    %mul3A = arith.constant 2 : i32
    %mul3A_0 = arith.muli %arg1, %mul3A : i32
    %add3A = arith.addi %mul3A_0, %arg0 : i32
    %mul3A_1 = arith.constant 4 : i32
    %mul3A_2 = arith.muli %add3A, %mul3A_1 : i32
    "tpu.region"() ({
      %run_scoped3A = tpu.sem_alloc : memref<!tpu.dma_semaphore, #tpu.memory_space<semaphore_mem>>
      %dma_start3A = arith.constant 0 : i32
      %dma_start3A_224 = tpu.memref_slice %arg2[%mul3A_2, %dma_start3A] : memref<128x8192xf32, #tpu.memory_space<hbm>> -> memref<4x8192xf32, #tpu.memory_space<hbm>>
      %dma_start3A_225 = arith.constant 0 : i32
      %dma_start3A_226 = tpu.memref_slice %arg2[%mul3A_2, %dma_start3A_225] : memref<128x8192xf32, #tpu.memory_space<hbm>> -> memref<4x8192xf32, #tpu.memory_space<hbm>>
      tpu.enqueue_dma source(%dma_start3A_226 : memref<4x8192xf32, #tpu.memory_space<hbm>>) target(%arg4 : memref<4x8192xf32, #tpu.memory_space<vmem>>) target_semaphore(%run_scoped3A : memref<!tpu.dma_semaphore, #tpu.memory_space<semaphore_mem>>)
      %dma_wait3A = arith.constant 0 : i32
      %dma_wait3A_227 = tpu.memref_slice %arg2[%mul3A_2, %dma_wait3A] : memref<128x8192xf32, #tpu.memory_space<hbm>> -> memref<4x8192xf32, #tpu.memory_space<hbm>>
      %dma_wait3A_228 = arith.constant 0 : i32
      %dma_wait3A_229 = tpu.memref_slice %arg2[%mul3A_2, %dma_wait3A_228] : memref<128x8192xf32, #tpu.memory_space<hbm>> -> memref<4x8192xf32, #tpu.memory_space<hbm>>
      tpu.wait_dma2 semaphore(%run_scoped3A : memref<!tpu.dma_semaphore, #tpu.memory_space<semaphore_mem>>) src(%dma_wait3A_229 : memref<4x8192xf32, #tpu.memory_space<hbm>>) dst(%arg4 : memref<4x8192xf32, #tpu.memory_space<vmem>>)
      tpu.yield
    }) : () -> ()
    %broadcast_in_dim3A = arith.constant 0.000000e+00 : f32
    %broadcast_in_dim3A_3 = vector.broadcast %broadcast_in_dim3A : f32 to vector<16xf32>
    %iota3A = tpu.iota {dimensions = array<i32: 0>} : vector<16xi32>
    %broadcast_in_dim3A_4 = arith.constant -3.000000e+38 : f32
    %broadcast_in_dim3A_5 = vector.broadcast %broadcast_in_dim3A_4 : f32 to vector<16xf32>
    %scan3A = arith.constant 0 : i32
    %scan3A_6 = arith.constant 64 : i32
    %scan3A_7 = arith.addi %scan3A, %scan3A_6 : i32
    %scan3A_8 = arith.constant 1 : i32
    %scan3A_9:4 = scf.for %scan3A_224 = %scan3A to %scan3A_7 step %scan3A_8 iter_args(%scan3A_225 = %broadcast_in_dim3A_5, %scan3A_226 = %broadcast_in_dim3A_5, %scan3A_227 = %broadcast_in_dim3A_5, %scan3A_228 = %broadcast_in_dim3A_5) -> (vector<16xf32>, vector<16xf32>, vector<16xf32>, vector<16xf32>)  : i32 {
      %mul3A_229 = arith.constant 8 : i32
      %mul3A_230 = arith.muli %scan3A_224, %mul3A_229 : i32
      %add3A_231 = arith.constant 0 : i32
      %add3A_232 = arith.addi %mul3A_230, %add3A_231 : i32
      %mul3A_233 = arith.constant 16 : i32
      %mul3A_234 = arith.muli %add3A_232, %mul3A_233 : i32
      %get3A_235 = arith.constant 0 : i32
      %get3A_236 = arith.index_cast %get3A_235 : i32 to index
      %get3A_237 = arith.index_cast %mul3A_234 : i32 to index
      %get3A_238 = tpu.vector_load %arg4[%get3A_236, %get3A_237] {strides = array<i32>} : memref<4x8192xf32, #tpu.memory_space<vmem>>, vector<16xf32>,
      %mul3A_239 = arith.constant 8 : i32
      %mul3A_240 = arith.muli %scan3A_224, %mul3A_239 : i32
      %add3A_241 = arith.constant 1 : i32
      %add3A_242 = arith.addi %mul3A_240, %add3A_241 : i32
      %mul3A_243 = arith.constant 16 : i32
      %mul3A_244 = arith.muli %add3A_242, %mul3A_243 : i32
      %get3A_245 = arith.constant 0 : i32
      %get3A_246 = arith.index_cast %get3A_245 : i32 to index
      %get3A_247 = arith.index_cast %mul3A_244 : i32 to index
      %get3A_248 = tpu.vector_load %arg4[%get3A_246, %get3A_247] {strides = array<i32>} : memref<4x8192xf32, #tpu.memory_space<vmem>>, vector<16xf32>,
      %mul3A_249 = arith.constant 8 : i32
      %mul3A_250 = arith.muli %scan3A_224, %mul3A_249 : i32
      %add3A_251 = arith.constant 2 : i32
      %add3A_252 = arith.addi %mul3A_250, %add3A_251 : i32
      %mul3A_253 = arith.constant 16 : i32
      %mul3A_254 = arith.muli %add3A_252, %mul3A_253 : i32
      %get3A_255 = arith.constant 0 : i32
      %get3A_256 = arith.index_cast %get3A_255 : i32 to index
      %get3A_257 = arith.index_cast %mul3A_254 : i32 to index
      %get3A_258 = tpu.vector_load %arg4[%get3A_256, %get3A_257] {strides = array<i32>} : memref<4x8192xf32, #tpu.memory_space<vmem>>, vector<16xf32>,
      %mul3A_259 = arith.constant 8 : i32
      %mul3A_260 = arith.muli %scan3A_224, %mul3A_259 : i32
      %add3A_261 = arith.constant 3 : i32
      %add3A_262 = arith.addi %mul3A_260, %add3A_261 : i32
      %mul3A_263 = arith.constant 16 : i32
      %mul3A_264 = arith.muli %add3A_262, %mul3A_263 : i32
      %get3A_265 = arith.constant 0 : i32
      %get3A_266 = arith.index_cast %get3A_265 : i32 to index
      %get3A_267 = arith.index_cast %mul3A_264 : i32 to index
      %get3A_268 = tpu.vector_load %arg4[%get3A_266, %get3A_267] {strides = array<i32>} : memref<4x8192xf32, #tpu.memory_space<vmem>>, vector<16xf32>,
      %mul3A_269 = arith.constant 8 : i32
      %mul3A_270 = arith.muli %scan3A_224, %mul3A_269 : i32
      %add3A_271 = arith.constant 4 : i32
      %add3A_272 = arith.addi %mul3A_270, %add3A_271 : i32
      %mul3A_273 = arith.constant 16 : i32
      %mul3A_274 = arith.muli %add3A_272, %mul3A_273 : i32
      %get3A_275 = arith.constant 0 : i32
      %get3A_276 = arith.index_cast %get3A_275 : i32 to index
      %get3A_277 = arith.index_cast %mul3A_274 : i32 to index
      %get3A_278 = tpu.vector_load %arg4[%get3A_276, %get3A_277] {strides = array<i32>} : memref<4x8192xf32, #tpu.memory_space<vmem>>, vector<16xf32>,
      %mul3A_279 = arith.constant 8 : i32
      %mul3A_280 = arith.muli %scan3A_224, %mul3A_279 : i32
      %add3A_281 = arith.constant 5 : i32
      %add3A_282 = arith.addi %mul3A_280, %add3A_281 : i32
      %mul3A_283 = arith.constant 16 : i32
      %mul3A_284 = arith.muli %add3A_282, %mul3A_283 : i32
      %get3A_285 = arith.constant 0 : i32
      %get3A_286 = arith.index_cast %get3A_285 : i32 to index
      %get3A_287 = arith.index_cast %mul3A_284 : i32 to index
      %get3A_288 = tpu.vector_load %arg4[%get3A_286, %get3A_287] {strides = array<i32>} : memref<4x8192xf32, #tpu.memory_space<vmem>>, vector<16xf32>,
      %mul3A_289 = arith.constant 8 : i32
      %mul3A_290 = arith.muli %scan3A_224, %mul3A_289 : i32
      %add3A_291 = arith.constant 6 : i32
      %add3A_292 = arith.addi %mul3A_290, %add3A_291 : i32
      %mul3A_293 = arith.constant 16 : i32
      %mul3A_294 = arith.muli %add3A_292, %mul3A_293 : i32
      %get3A_295 = arith.constant 0 : i32
      %get3A_296 = arith.index_cast %get3A_295 : i32 to index
      %get3A_297 = arith.index_cast %mul3A_294 : i32 to index
      %get3A_298 = tpu.vector_load %arg4[%get3A_296, %get3A_297] {strides = array<i32>} : memref<4x8192xf32, #tpu.memory_space<vmem>>, vector<16xf32>,
      %mul3A_299 = arith.constant 8 : i32
      %mul3A_300 = arith.muli %scan3A_224, %mul3A_299 : i32
      %add3A_301 = arith.constant 7 : i32
      %add3A_302 = arith.addi %mul3A_300, %add3A_301 : i32
      %mul3A_303 = arith.constant 16 : i32
      %mul3A_304 = arith.muli %add3A_302, %mul3A_303 : i32
      %get3A_305 = arith.constant 0 : i32
      %get3A_306 = arith.index_cast %get3A_305 : i32 to index
      %get3A_307 = arith.index_cast %mul3A_304 : i32 to index
      %get3A_308 = tpu.vector_load %arg4[%get3A_306, %get3A_307] {strides = array<i32>} : memref<4x8192xf32, #tpu.memory_space<vmem>>, vector<16xf32>,
      %max3A_309 = arith.maximumf %get3A_238, %get3A_248 : vector<16xf32>
      %max3A_310 = arith.maximumf %get3A_258, %get3A_268 : vector<16xf32>
      %max3A_311 = arith.maximumf %get3A_278, %get3A_288 : vector<16xf32>
      %max3A_312 = arith.maximumf %get3A_298, %get3A_308 : vector<16xf32>
      %max3A_313 = arith.maximumf %max3A_309, %max3A_310 : vector<16xf32>
      %max3A_314 = arith.maximumf %max3A_311, %max3A_312 : vector<16xf32>
      %max3A_315 = arith.maximumf %max3A_313, %max3A_314 : vector<16xf32>
      %max3A_316 = arith.maximumf %scan3A_225, %max3A_315 : vector<16xf32>
      %mul3A_317 = arith.constant 8 : i32
      %mul3A_318 = arith.muli %scan3A_224, %mul3A_317 : i32
      %add3A_319 = arith.constant 0 : i32
      %add3A_320 = arith.addi %mul3A_318, %add3A_319 : i32
      %mul3A_321 = arith.constant 16 : i32
      %mul3A_322 = arith.muli %add3A_320, %mul3A_321 : i32
      %get3A_323 = arith.constant 1 : i32
      %get3A_324 = arith.index_cast %get3A_323 : i32 to index
      %get3A_325 = arith.index_cast %mul3A_322 : i32 to index
      %get3A_326 = tpu.vector_load %arg4[%get3A_324, %get3A_325] {strides = array<i32>} : memref<4x8192xf32, #tpu.memory_space<vmem>>, vector<16xf32>,
      %mul3A_327 = arith.constant 8 : i32
      %mul3A_328 = arith.muli %scan3A_224, %mul3A_327 : i32
      %add3A_329 = arith.constant 1 : i32
      %add3A_330 = arith.addi %mul3A_328, %add3A_329 : i32
      %mul3A_331 = arith.constant 16 : i32
      %mul3A_332 = arith.muli %add3A_330, %mul3A_331 : i32
      %get3A_333 = arith.constant 1 : i32
      %get3A_334 = arith.index_cast %get3A_333 : i32 to index
      %get3A_335 = arith.index_cast %mul3A_332 : i32 to index
      %get3A_336 = tpu.vector_load %arg4[%get3A_334, %get3A_335] {strides = array<i32>} : memref<4x8192xf32, #tpu.memory_space<vmem>>, vector<16xf32>,
      %mul3A_337 = arith.constant 8 : i32
      %mul3A_338 = arith.muli %scan3A_224, %mul3A_337 : i32
      %add3A_339 = arith.constant 2 : i32
      %add3A_340 = arith.addi %mul3A_338, %add3A_339 : i32
      %mul3A_341 = arith.constant 16 : i32
      %mul3A_342 = arith.muli %add3A_340, %mul3A_341 : i32
      %get3A_343 = arith.constant 1 : i32
      %get3A_344 = arith.index_cast %get3A_343 : i32 to index
      %get3A_345 = arith.index_cast %mul3A_342 : i32 to index
      %get3A_346 = tpu.vector_load %arg4[%get3A_344, %get3A_345] {strides = array<i32>} : memref<4x8192xf32, #tpu.memory_space<vmem>>, vector<16xf32>,
      %mul3A_347 = arith.constant 8 : i32
      %mul3A_348 = arith.muli %scan3A_224, %mul3A_347 : i32
      %add3A_349 = arith.constant 3 : i32
      %add3A_350 = arith.addi %mul3A_348, %add3A_349 : i32
      %mul3A_351 = arith.constant 16 : i32
      %mul3A_352 = arith.muli %add3A_350, %mul3A_351 : i32
      %get3A_353 = arith.constant 1 : i32
      %get3A_354 = arith.index_cast %get3A_353 : i32 to index
      %get3A_355 = arith.index_cast %mul3A_352 : i32 to index
      %get3A_356 = tpu.vector_load %arg4[%get3A_354, %get3A_355] {strides = array<i32>} : memref<4x8192xf32, #tpu.memory_space<vmem>>, vector<16xf32>,
      %mul3A_357 = arith.constant 8 : i32
      %mul3A_358 = arith.muli %scan3A_224, %mul3A_357 : i32
      %add3A_359 = arith.constant 4 : i32
      %add3A_360 = arith.addi %mul3A_358, %add3A_359 : i32
      %mul3A_361 = arith.constant 16 : i32
      %mul3A_362 = arith.muli %add3A_360, %mul3A_361 : i32
      %get3A_363 = arith.constant 1 : i32
      %get3A_364 = arith.index_cast %get3A_363 : i32 to index
      %get3A_365 = arith.index_cast %mul3A_362 : i32 to index
      %get3A_366 = tpu.vector_load %arg4[%get3A_364, %get3A_365] {strides = array<i32>} : memref<4x8192xf32, #tpu.memory_space<vmem>>, vector<16xf32>,
      %mul3A_367 = arith.constant 8 : i32
      %mul3A_368 = arith.muli %scan3A_224, %mul3A_367 : i32
      %add3A_369 = arith.constant 5 : i32
      %add3A_370 = arith.addi %mul3A_368, %add3A_369 : i32
      %mul3A_371 = arith.constant 16 : i32
      %mul3A_372 = arith.muli %add3A_370, %mul3A_371 : i32
      %get3A_373 = arith.constant 1 : i32
      %get3A_374 = arith.index_cast %get3A_373 : i32 to index
      %get3A_375 = arith.index_cast %mul3A_372 : i32 to index
      %get3A_376 = tpu.vector_load %arg4[%get3A_374, %get3A_375] {strides = array<i32>} : memref<4x8192xf32, #tpu.memory_space<vmem>>, vector<16xf32>,
      %mul3A_377 = arith.constant 8 : i32
      %mul3A_378 = arith.muli %scan3A_224, %mul3A_377 : i32
      %add3A_379 = arith.constant 6 : i32
      %add3A_380 = arith.addi %mul3A_378, %add3A_379 : i32
      %mul3A_381 = arith.constant 16 : i32
      %mul3A_382 = arith.muli %add3A_380, %mul3A_381 : i32
      %get3A_383 = arith.constant 1 : i32
      %get3A_384 = arith.index_cast %get3A_383 : i32 to index
      %get3A_385 = arith.index_cast %mul3A_382 : i32 to index
      %get3A_386 = tpu.vector_load %arg4[%get3A_384, %get3A_385] {strides = array<i32>} : memref<4x8192xf32, #tpu.memory_space<vmem>>, vector<16xf32>,
      %mul3A_387 = arith.constant 8 : i32
      %mul3A_388 = arith.muli %scan3A_224, %mul3A_387 : i32
      %add3A_389 = arith.constant 7 : i32
      %add3A_390 = arith.addi %mul3A_388, %add3A_389 : i32
      %mul3A_391 = arith.constant 16 : i32
      %mul3A_392 = arith.muli %add3A_390, %mul3A_391 : i32
      %get3A_393 = arith.constant 1 : i32
      %get3A_394 = arith.index_cast %get3A_393 : i32 to index
      %get3A_395 = arith.index_cast %mul3A_392 : i32 to index
      %get3A_396 = tpu.vector_load %arg4[%get3A_394, %get3A_395] {strides = array<i32>} : memref<4x8192xf32, #tpu.memory_space<vmem>>, vector<16xf32>,
      %max3A_397 = arith.maximumf %get3A_326, %get3A_336 : vector<16xf32>
      %max3A_398 = arith.maximumf %get3A_346, %get3A_356 : vector<16xf32>
      %max3A_399 = arith.maximumf %get3A_366, %get3A_376 : vector<16xf32>
      %max3A_400 = arith.maximumf %get3A_386, %get3A_396 : vector<16xf32>
      %max3A_401 = arith.maximumf %max3A_397, %max3A_398 : vector<16xf32>
      %max3A_402 = arith.maximumf %max3A_399, %max3A_400 : vector<16xf32>
      %max3A_403 = arith.maximumf %max3A_401, %max3A_402 : vector<16xf32>
      %max3A_404 = arith.maximumf %scan3A_226, %max3A_403 : vector<16xf32>
      %mul3A_405 = arith.constant 8 : i32
      %mul3A_406 = arith.muli %scan3A_224, %mul3A_405 : i32
      %add3A_407 = arith.constant 0 : i32
      %add3A_408 = arith.addi %mul3A_406, %add3A_407 : i32
      %mul3A_409 = arith.constant 16 : i32
      %mul3A_410 = arith.muli %add3A_408, %mul3A_409 : i32
      %get3A_411 = arith.constant 2 : i32
      %get3A_412 = arith.index_cast %get3A_411 : i32 to index
      %get3A_413 = arith.index_cast %mul3A_410 : i32 to index
      %get3A_414 = tpu.vector_load %arg4[%get3A_412, %get3A_413] {strides = array<i32>} : memref<4x8192xf32, #tpu.memory_space<vmem>>, vector<16xf32>,
      %mul3A_415 = arith.constant 8 : i32
      %mul3A_416 = arith.muli %scan3A_224, %mul3A_415 : i32
      %add3A_417 = arith.constant 1 : i32
      %add3A_418 = arith.addi %mul3A_416, %add3A_417 : i32
      %mul3A_419 = arith.constant 16 : i32
      %mul3A_420 = arith.muli %add3A_418, %mul3A_419 : i32
      %get3A_421 = arith.constant 2 : i32
      %get3A_422 = arith.index_cast %get3A_421 : i32 to index
      %get3A_423 = arith.index_cast %mul3A_420 : i32 to index
      %get3A_424 = tpu.vector_load %arg4[%get3A_422, %get3A_423] {strides = array<i32>} : memref<4x8192xf32, #tpu.memory_space<vmem>>, vector<16xf32>,
      %mul3A_425 = arith.constant 8 : i32
      %mul3A_426 = arith.muli %scan3A_224, %mul3A_425 : i32
      %add3A_427 = arith.constant 2 : i32
      %add3A_428 = arith.addi %mul3A_426, %add3A_427 : i32
      %mul3A_429 = arith.constant 16 : i32
      %mul3A_430 = arith.muli %add3A_428, %mul3A_429 : i32
      %get3A_431 = arith.constant 2 : i32
      %get3A_432 = arith.index_cast %get3A_431 : i32 to index
      %get3A_433 = arith.index_cast %mul3A_430 : i32 to index
      %get3A_434 = tpu.vector_load %arg4[%get3A_432, %get3A_433] {strides = array<i32>} : memref<4x8192xf32, #tpu.memory_space<vmem>>, vector<16xf32>,
      %mul3A_435 = arith.constant 8 : i32
      %mul3A_436 = arith.muli %scan3A_224, %mul3A_435 : i32
      %add3A_437 = arith.constant 3 : i32
      %add3A_438 = arith.addi %mul3A_436, %add3A_437 : i32
      %mul3A_439 = arith.constant 16 : i32
      %mul3A_440 = arith.muli %add3A_438, %mul3A_439 : i32
      %get3A_441 = arith.constant 2 : i32
      %get3A_442 = arith.index_cast %get3A_441 : i32 to index
      %get3A_443 = arith.index_cast %mul3A_440 : i32 to index
      %get3A_444 = tpu.vector_load %arg4[%get3A_442, %get3A_443] {strides = array<i32>} : memref<4x8192xf32, #tpu.memory_space<vmem>>, vector<16xf32>,
      %mul3A_445 = arith.constant 8 : i32
      %mul3A_446 = arith.muli %scan3A_224, %mul3A_445 : i32
      %add3A_447 = arith.constant 4 : i32
      %add3A_448 = arith.addi %mul3A_446, %add3A_447 : i32
      %mul3A_449 = arith.constant 16 : i32
      %mul3A_450 = arith.muli %add3A_448, %mul3A_449 : i32
      %get3A_451 = arith.constant 2 : i32
      %get3A_452 = arith.index_cast %get3A_451 : i32 to index
      %get3A_453 = arith.index_cast %mul3A_450 : i32 to index
      %get3A_454 = tpu.vector_load %arg4[%get3A_452, %get3A_453] {strides = array<i32>} : memref<4x8192xf32, #tpu.memory_space<vmem>>, vector<16xf32>,
      %mul3A_455 = arith.constant 8 : i32
      %mul3A_456 = arith.muli %scan3A_224, %mul3A_455 : i32
      %add3A_457 = arith.constant 5 : i32
      %add3A_458 = arith.addi %mul3A_456, %add3A_457 : i32
      %mul3A_459 = arith.constant 16 : i32
      %mul3A_460 = arith.muli %add3A_458, %mul3A_459 : i32
      %get3A_461 = arith.constant 2 : i32
      %get3A_462 = arith.index_cast %get3A_461 : i32 to index
      %get3A_463 = arith.index_cast %mul3A_460 : i32 to index
      %get3A_464 = tpu.vector_load %arg4[%get3A_462, %get3A_463] {strides = array<i32>} : memref<4x8192xf32, #tpu.memory_space<vmem>>, vector<16xf32>,
      %mul3A_465 = arith.constant 8 : i32
      %mul3A_466 = arith.muli %scan3A_224, %mul3A_465 : i32
      %add3A_467 = arith.constant 6 : i32
      %add3A_468 = arith.addi %mul3A_466, %add3A_467 : i32
      %mul3A_469 = arith.constant 16 : i32
      %mul3A_470 = arith.muli %add3A_468, %mul3A_469 : i32
      %get3A_471 = arith.constant 2 : i32
      %get3A_472 = arith.index_cast %get3A_471 : i32 to index
      %get3A_473 = arith.index_cast %mul3A_470 : i32 to index
      %get3A_474 = tpu.vector_load %arg4[%get3A_472, %get3A_473] {strides = array<i32>} : memref<4x8192xf32, #tpu.memory_space<vmem>>, vector<16xf32>,
      %mul3A_475 = arith.constant 8 : i32
      %mul3A_476 = arith.muli %scan3A_224, %mul3A_475 : i32
      %add3A_477 = arith.constant 7 : i32
      %add3A_478 = arith.addi %mul3A_476, %add3A_477 : i32
      %mul3A_479 = arith.constant 16 : i32
      %mul3A_480 = arith.muli %add3A_478, %mul3A_479 : i32
      %get3A_481 = arith.constant 2 : i32
      %get3A_482 = arith.index_cast %get3A_481 : i32 to index
      %get3A_483 = arith.index_cast %mul3A_480 : i32 to index
      %get3A_484 = tpu.vector_load %arg4[%get3A_482, %get3A_483] {strides = array<i32>} : memref<4x8192xf32, #tpu.memory_space<vmem>>, vector<16xf32>,
      %max3A_485 = arith.maximumf %get3A_414, %get3A_424 : vector<16xf32>
      %max3A_486 = arith.maximumf %get3A_434, %get3A_444 : vector<16xf32>
      %max3A_487 = arith.maximumf %get3A_454, %get3A_464 : vector<16xf32>
      %max3A_488 = arith.maximumf %get3A_474, %get3A_484 : vector<16xf32>
      %max3A_489 = arith.maximumf %max3A_485, %max3A_486 : vector<16xf32>
      %max3A_490 = arith.maximumf %max3A_487, %max3A_488 : vector<16xf32>
      %max3A_491 = arith.maximumf %max3A_489, %max3A_490 : vector<16xf32>
      %max3A_492 = arith.maximumf %scan3A_227, %max3A_491 : vector<16xf32>
      %mul3A_493 = arith.constant 8 : i32
      %mul3A_494 = arith.muli %scan3A_224, %mul3A_493 : i32
      %add3A_495 = arith.constant 0 : i32
      %add3A_496 = arith.addi %mul3A_494, %add3A_495 : i32
      %mul3A_497 = arith.constant 16 : i32
      %mul3A_498 = arith.muli %add3A_496, %mul3A_497 : i32
      %get3A_499 = arith.constant 3 : i32
      %get3A_500 = arith.index_cast %get3A_499 : i32 to index
      %get3A_501 = arith.index_cast %mul3A_498 : i32 to index
      %get3A_502 = tpu.vector_load %arg4[%get3A_500, %get3A_501] {strides = array<i32>} : memref<4x8192xf32, #tpu.memory_space<vmem>>, vector<16xf32>,
      %mul3A_503 = arith.constant 8 : i32
      %mul3A_504 = arith.muli %scan3A_224, %mul3A_503 : i32
      %add3A_505 = arith.constant 1 : i32
      %add3A_506 = arith.addi %mul3A_504, %add3A_505 : i32
      %mul3A_507 = arith.constant 16 : i32
      %mul3A_508 = arith.muli %add3A_506, %mul3A_507 : i32
      %get3A_509 = arith.constant 3 : i32
      %get3A_510 = arith.index_cast %get3A_509 : i32 to index
      %get3A_511 = arith.index_cast %mul3A_508 : i32 to index
      %get3A_512 = tpu.vector_load %arg4[%get3A_510, %get3A_511] {strides = array<i32>} : memref<4x8192xf32, #tpu.memory_space<vmem>>, vector<16xf32>,
      %mul3A_513 = arith.constant 8 : i32
      %mul3A_514 = arith.muli %scan3A_224, %mul3A_513 : i32
      %add3A_515 = arith.constant 2 : i32
      %add3A_516 = arith.addi %mul3A_514, %add3A_515 : i32
      %mul3A_517 = arith.constant 16 : i32
      %mul3A_518 = arith.muli %add3A_516, %mul3A_517 : i32
      %get3A_519 = arith.constant 3 : i32
      %get3A_520 = arith.index_cast %get3A_519 : i32 to index
      %get3A_521 = arith.index_cast %mul3A_518 : i32 to index
      %get3A_522 = tpu.vector_load %arg4[%get3A_520, %get3A_521] {strides = array<i32>} : memref<4x8192xf32, #tpu.memory_space<vmem>>, vector<16xf32>,
      %mul3A_523 = arith.constant 8 : i32
      %mul3A_524 = arith.muli %scan3A_224, %mul3A_523 : i32
      %add3A_525 = arith.constant 3 : i32
      %add3A_526 = arith.addi %mul3A_524, %add3A_525 : i32
      %mul3A_527 = arith.constant 16 : i32
      %mul3A_528 = arith.muli %add3A_526, %mul3A_527 : i32
      %get3A_529 = arith.constant 3 : i32
      %get3A_530 = arith.index_cast %get3A_529 : i32 to index
      %get3A_531 = arith.index_cast %mul3A_528 : i32 to index
      %get3A_532 = tpu.vector_load %arg4[%get3A_530, %get3A_531] {strides = array<i32>} : memref<4x8192xf32, #tpu.memory_space<vmem>>, vector<16xf32>,
      %mul3A_533 = arith.constant 8 : i32
      %mul3A_534 = arith.muli %scan3A_224, %mul3A_533 : i32
      %add3A_535 = arith.constant 4 : i32
      %add3A_536 = arith.addi %mul3A_534, %add3A_535 : i32
      %mul3A_537 = arith.constant 16 : i32
      %mul3A_538 = arith.muli %add3A_536, %mul3A_537 : i32
      %get3A_539 = arith.constant 3 : i32
      %get3A_540 = arith.index_cast %get3A_539 : i32 to index
      %get3A_541 = arith.index_cast %mul3A_538 : i32 to index
      %get3A_542 = tpu.vector_load %arg4[%get3A_540, %get3A_541] {strides = array<i32>} : memref<4x8192xf32, #tpu.memory_space<vmem>>, vector<16xf32>,
      %mul3A_543 = arith.constant 8 : i32
      %mul3A_544 = arith.muli %scan3A_224, %mul3A_543 : i32
      %add3A_545 = arith.constant 5 : i32
      %add3A_546 = arith.addi %mul3A_544, %add3A_545 : i32
      %mul3A_547 = arith.constant 16 : i32
      %mul3A_548 = arith.muli %add3A_546, %mul3A_547 : i32
      %get3A_549 = arith.constant 3 : i32
      %get3A_550 = arith.index_cast %get3A_549 : i32 to index
      %get3A_551 = arith.index_cast %mul3A_548 : i32 to index
      %get3A_552 = tpu.vector_load %arg4[%get3A_550, %get3A_551] {strides = array<i32>} : memref<4x8192xf32, #tpu.memory_space<vmem>>, vector<16xf32>,
      %mul3A_553 = arith.constant 8 : i32
      %mul3A_554 = arith.muli %scan3A_224, %mul3A_553 : i32
      %add3A_555 = arith.constant 6 : i32
      %add3A_556 = arith.addi %mul3A_554, %add3A_555 : i32
      %mul3A_557 = arith.constant 16 : i32
      %mul3A_558 = arith.muli %add3A_556, %mul3A_557 : i32
      %get3A_559 = arith.constant 3 : i32
      %get3A_560 = arith.index_cast %get3A_559 : i32 to index
      %get3A_561 = arith.index_cast %mul3A_558 : i32 to index
      %get3A_562 = tpu.vector_load %arg4[%get3A_560, %get3A_561] {strides = array<i32>} : memref<4x8192xf32, #tpu.memory_space<vmem>>, vector<16xf32>,
      %mul3A_563 = arith.constant 8 : i32
      %mul3A_564 = arith.muli %scan3A_224, %mul3A_563 : i32
      %add3A_565 = arith.constant 7 : i32
      %add3A_566 = arith.addi %mul3A_564, %add3A_565 : i32
      %mul3A_567 = arith.constant 16 : i32
      %mul3A_568 = arith.muli %add3A_566, %mul3A_567 : i32
      %get3A_569 = arith.constant 3 : i32
      %get3A_570 = arith.index_cast %get3A_569 : i32 to index
      %get3A_571 = arith.index_cast %mul3A_568 : i32 to index
      %get3A_572 = tpu.vector_load %arg4[%get3A_570, %get3A_571] {strides = array<i32>} : memref<4x8192xf32, #tpu.memory_space<vmem>>, vector<16xf32>,
      %max3A_573 = arith.maximumf %get3A_502, %get3A_512 : vector<16xf32>
      %max3A_574 = arith.maximumf %get3A_522, %get3A_532 : vector<16xf32>
      %max3A_575 = arith.maximumf %get3A_542, %get3A_552 : vector<16xf32>
      %max3A_576 = arith.maximumf %get3A_562, %get3A_572 : vector<16xf32>
      %max3A_577 = arith.maximumf %max3A_573, %max3A_574 : vector<16xf32>
      %max3A_578 = arith.maximumf %max3A_575, %max3A_576 : vector<16xf32>
      %max3A_579 = arith.maximumf %max3A_577, %max3A_578 : vector<16xf32>
      %max3A_580 = arith.maximumf %scan3A_228, %max3A_579 : vector<16xf32>
      scf.yield %max3A_316, %max3A_404, %max3A_492, %max3A_580 : vector<16xf32>, vector<16xf32>, vector<16xf32>, vector<16xf32>
    }
    %scan3A_10 = arith.constant 64 : i32
    %reduce_max3A = arith.constant true
    %reduce_max3A_11 = vector.broadcast %reduce_max3A : i1 to vector<16xi1>
    %reduce_max3A_12 = tpu.scan <max>, %scan3A_9#0 masked %reduce_max3A_11 : vector<16xf32>, vector<16xi1> -> vector<16xf32>
    %reduce_max3A_13 = vector.extract %reduce_max3A_12[15] : f32 from vector<16xf32>
    %sub3A = arith.constant 1.000000e+00 : f32
    %sub3A_14 = arith.subf %reduce_max3A_13, %sub3A : f32
    %broadcast_in_dim3A_15 = vector.broadcast %sub3A_14 : f32 to vector<16xf32>
    %reduce_max3A_16 = arith.constant true
    %reduce_max3A_17 = vector.broadcast %reduce_max3A_16 : i1 to vector<16xi1>
    %reduce_max3A_18 = tpu.scan <max>, %scan3A_9#1 masked %reduce_max3A_17 : vector<16xf32>, vector<16xi1> -> vector<16xf32>
    %reduce_max3A_19 = vector.extract %reduce_max3A_18[15] : f32 from vector<16xf32>
    %sub3A_20 = arith.constant 1.000000e+00 : f32
    %sub3A_21 = arith.subf %reduce_max3A_19, %sub3A_20 : f32
    %broadcast_in_dim3A_22 = vector.broadcast %sub3A_21 : f32 to vector<16xf32>
    %reduce_max3A_23 = arith.constant true
    %reduce_max3A_24 = vector.broadcast %reduce_max3A_23 : i1 to vector<16xi1>
    %reduce_max3A_25 = tpu.scan <max>, %scan3A_9#2 masked %reduce_max3A_24 : vector<16xf32>, vector<16xi1> -> vector<16xf32>
    %reduce_max3A_26 = vector.extract %reduce_max3A_25[15] : f32 from vector<16xf32>
    %sub3A_27 = arith.constant 1.000000e+00 : f32
    %sub3A_28 = arith.subf %reduce_max3A_26, %sub3A_27 : f32
    %broadcast_in_dim3A_29 = vector.broadcast %sub3A_28 : f32 to vector<16xf32>
    %reduce_max3A_30 = arith.constant true
    %reduce_max3A_31 = vector.broadcast %reduce_max3A_30 : i1 to vector<16xi1>
    %reduce_max3A_32 = tpu.scan <max>, %scan3A_9#3 masked %reduce_max3A_31 : vector<16xf32>, vector<16xi1> -> vector<16xf32>
    %reduce_max3A_33 = vector.extract %reduce_max3A_32[15] : f32 from vector<16xf32>
    %sub3A_34 = arith.constant 1.000000e+00 : f32
    %sub3A_35 = arith.subf %reduce_max3A_33, %sub3A_34 : f32
    %broadcast_in_dim3A_36 = vector.broadcast %sub3A_35 : f32 to vector<16xf32>
    %broadcast_in_dim3A_37 = arith.constant 0 : i32
    %broadcast_in_dim3A_38 = vector.broadcast %broadcast_in_dim3A_37 : i32 to vector<16xi32>
    %broadcast_in_dim3A_39 = arith.constant 8208 : i32
    %broadcast_in_dim3A_40 = vector.broadcast %broadcast_in_dim3A_39 : i32 to vector<16xi32>
    %broadcast_in_dim3A_41 = arith.constant 16416 : i32
    %broadcast_in_dim3A_42 = vector.broadcast %broadcast_in_dim3A_41 : i32 to vector<16xi32>
    %broadcast_in_dim3A_43 = arith.constant 24624 : i32
    %broadcast_in_dim3A_44 = vector.broadcast %broadcast_in_dim3A_43 : i32 to vector<16xi32>
    %scan3A_45 = arith.constant 0 : i32
    %scan3A_46 = arith.constant 128 : i32
    %scan3A_47 = arith.addi %scan3A_45, %scan3A_46 : i32
    %scan3A_48 = arith.constant 1 : i32
    %scan3A_49:4 = scf.for %scan3A_224 = %scan3A_45 to %scan3A_47 step %scan3A_48 iter_args(%scan3A_225 = %broadcast_in_dim3A_38, %scan3A_226 = %broadcast_in_dim3A_40, %scan3A_227 = %broadcast_in_dim3A_42, %scan3A_228 = %broadcast_in_dim3A_44) -> (vector<16xi32>, vector<16xi32>, vector<16xi32>, vector<16xi32>)  : i32 {
      %mul3A_229 = arith.constant 4 : i32
      %mul3A_230 = arith.muli %scan3A_224, %mul3A_229 : i32
      %add3A_231 = arith.constant 0 : i32
      %add3A_232 = arith.addi %mul3A_230, %add3A_231 : i32
      %mul3A_233 = arith.constant 16 : i32
      %mul3A_234 = arith.muli %add3A_232, %mul3A_233 : i32
      %get3A_235 = arith.constant 0 : i32
      %get3A_236 = arith.index_cast %get3A_235 : i32 to index
      %get3A_237 = arith.index_cast %mul3A_234 : i32 to index
      %get3A_238 = tpu.vector_load %arg4[%get3A_236, %get3A_237] {strides = array<i32>} : memref<4x8192xf32, #tpu.memory_space<vmem>>, vector<16xf32>,
      %mul3A_239 = arith.constant 4 : i32
      %mul3A_240 = arith.muli %scan3A_224, %mul3A_239 : i32
      %add3A_241 = arith.constant 0 : i32
      %add3A_242 = arith.addi %mul3A_240, %add3A_241 : i32
      %mul3A_243 = arith.constant 16 : i32
      %mul3A_244 = arith.muli %add3A_242, %mul3A_243 : i32
      %get3A_245 = arith.constant 1 : i32
      %get3A_246 = arith.index_cast %get3A_245 : i32 to index
      %get3A_247 = arith.index_cast %mul3A_244 : i32 to index
      %get3A_248 = tpu.vector_load %arg4[%get3A_246, %get3A_247] {strides = array<i32>} : memref<4x8192xf32, #tpu.memory_space<vmem>>, vector<16xf32>,
      %mul3A_249 = arith.constant 4 : i32
      %mul3A_250 = arith.muli %scan3A_224, %mul3A_249 : i32
      %add3A_251 = arith.constant 0 : i32
      %add3A_252 = arith.addi %mul3A_250, %add3A_251 : i32
      %mul3A_253 = arith.constant 16 : i32
      %mul3A_254 = arith.muli %add3A_252, %mul3A_253 : i32
      %get3A_255 = arith.constant 2 : i32
      %get3A_256 = arith.index_cast %get3A_255 : i32 to index
      %get3A_257 = arith.index_cast %mul3A_254 : i32 to index
      %get3A_258 = tpu.vector_load %arg4[%get3A_256, %get3A_257] {strides = array<i32>} : memref<4x8192xf32, #tpu.memory_space<vmem>>, vector<16xf32>,
      %mul3A_259 = arith.constant 4 : i32
      %mul3A_260 = arith.muli %scan3A_224, %mul3A_259 : i32
      %add3A_261 = arith.constant 0 : i32
      %add3A_262 = arith.addi %mul3A_260, %add3A_261 : i32
      %mul3A_263 = arith.constant 16 : i32
      %mul3A_264 = arith.muli %add3A_262, %mul3A_263 : i32
      %get3A_265 = arith.constant 3 : i32
      %get3A_266 = arith.index_cast %get3A_265 : i32 to index
      %get3A_267 = arith.index_cast %mul3A_264 : i32 to index
      %get3A_268 = tpu.vector_load %arg4[%get3A_266, %get3A_267] {strides = array<i32>} : memref<4x8192xf32, #tpu.memory_space<vmem>>, vector<16xf32>,
      %mul3A_269 = arith.constant 4 : i32
      %mul3A_270 = arith.muli %scan3A_224, %mul3A_269 : i32
      %add3A_271 = arith.constant 1 : i32
      %add3A_272 = arith.addi %mul3A_270, %add3A_271 : i32
      %mul3A_273 = arith.constant 16 : i32
      %mul3A_274 = arith.muli %add3A_272, %mul3A_273 : i32
      %get3A_275 = arith.constant 0 : i32
      %get3A_276 = arith.index_cast %get3A_275 : i32 to index
      %get3A_277 = arith.index_cast %mul3A_274 : i32 to index
      %get3A_278 = tpu.vector_load %arg4[%get3A_276, %get3A_277] {strides = array<i32>} : memref<4x8192xf32, #tpu.memory_space<vmem>>, vector<16xf32>,
      %mul3A_279 = arith.constant 4 : i32
      %mul3A_280 = arith.muli %scan3A_224, %mul3A_279 : i32
      %add3A_281 = arith.constant 1 : i32
      %add3A_282 = arith.addi %mul3A_280, %add3A_281 : i32
      %mul3A_283 = arith.constant 16 : i32
      %mul3A_284 = arith.muli %add3A_282, %mul3A_283 : i32
      %get3A_285 = arith.constant 1 : i32
      %get3A_286 = arith.index_cast %get3A_285 : i32 to index
      %get3A_287 = arith.index_cast %mul3A_284 : i32 to index
      %get3A_288 = tpu.vector_load %arg4[%get3A_286, %get3A_287] {strides = array<i32>} : memref<4x8192xf32, #tpu.memory_space<vmem>>, vector<16xf32>,
      %mul3A_289 = arith.constant 4 : i32
      %mul3A_290 = arith.muli %scan3A_224, %mul3A_289 : i32
      %add3A_291 = arith.constant 1 : i32
      %add3A_292 = arith.addi %mul3A_290, %add3A_291 : i32
      %mul3A_293 = arith.constant 16 : i32
      %mul3A_294 = arith.muli %add3A_292, %mul3A_293 : i32
      %get3A_295 = arith.constant 2 : i32
      %get3A_296 = arith.index_cast %get3A_295 : i32 to index
      %get3A_297 = arith.index_cast %mul3A_294 : i32 to index
      %get3A_298 = tpu.vector_load %arg4[%get3A_296, %get3A_297] {strides = array<i32>} : memref<4x8192xf32, #tpu.memory_space<vmem>>, vector<16xf32>,
      %mul3A_299 = arith.constant 4 : i32
      %mul3A_300 = arith.muli %scan3A_224, %mul3A_299 : i32
      %add3A_301 = arith.constant 1 : i32
      %add3A_302 = arith.addi %mul3A_300, %add3A_301 : i32
      %mul3A_303 = arith.constant 16 : i32
      %mul3A_304 = arith.muli %add3A_302, %mul3A_303 : i32
      %get3A_305 = arith.constant 3 : i32
      %get3A_306 = arith.index_cast %get3A_305 : i32 to index
      %get3A_307 = arith.index_cast %mul3A_304 : i32 to index
      %get3A_308 = tpu.vector_load %arg4[%get3A_306, %get3A_307] {strides = array<i32>} : memref<4x8192xf32, #tpu.memory_space<vmem>>, vector<16xf32>,
      %mul3A_309 = arith.constant 4 : i32
      %mul3A_310 = arith.muli %scan3A_224, %mul3A_309 : i32
      %add3A_311 = arith.constant 2 : i32
      %add3A_312 = arith.addi %mul3A_310, %add3A_311 : i32
      %mul3A_313 = arith.constant 16 : i32
      %mul3A_314 = arith.muli %add3A_312, %mul3A_313 : i32
      %get3A_315 = arith.constant 0 : i32
      %get3A_316 = arith.index_cast %get3A_315 : i32 to index
      %get3A_317 = arith.index_cast %mul3A_314 : i32 to index
      %get3A_318 = tpu.vector_load %arg4[%get3A_316, %get3A_317] {strides = array<i32>} : memref<4x8192xf32, #tpu.memory_space<vmem>>, vector<16xf32>,
      %mul3A_319 = arith.constant 4 : i32
      %mul3A_320 = arith.muli %scan3A_224, %mul3A_319 : i32
      %add3A_321 = arith.constant 2 : i32
      %add3A_322 = arith.addi %mul3A_320, %add3A_321 : i32
      %mul3A_323 = arith.constant 16 : i32
      %mul3A_324 = arith.muli %add3A_322, %mul3A_323 : i32
      %get3A_325 = arith.constant 1 : i32
      %get3A_326 = arith.index_cast %get3A_325 : i32 to index
      %get3A_327 = arith.index_cast %mul3A_324 : i32 to index
      %get3A_328 = tpu.vector_load %arg4[%get3A_326, %get3A_327] {strides = array<i32>} : memref<4x8192xf32, #tpu.memory_space<vmem>>, vector<16xf32>,
      %mul3A_329 = arith.constant 4 : i32
      %mul3A_330 = arith.muli %scan3A_224, %mul3A_329 : i32
      %add3A_331 = arith.constant 2 : i32
      %add3A_332 = arith.addi %mul3A_330, %add3A_331 : i32
      %mul3A_333 = arith.constant 16 : i32
      %mul3A_334 = arith.muli %add3A_332, %mul3A_333 : i32
      %get3A_335 = arith.constant 2 : i32
      %get3A_336 = arith.index_cast %get3A_335 : i32 to index
      %get3A_337 = arith.index_cast %mul3A_334 : i32 to index
      %get3A_338 = tpu.vector_load %arg4[%get3A_336, %get3A_337] {strides = array<i32>} : memref<4x8192xf32, #tpu.memory_space<vmem>>, vector<16xf32>,
      %mul3A_339 = arith.constant 4 : i32
      %mul3A_340 = arith.muli %scan3A_224, %mul3A_339 : i32
      %add3A_341 = arith.constant 2 : i32
      %add3A_342 = arith.addi %mul3A_340, %add3A_341 : i32
      %mul3A_343 = arith.constant 16 : i32
      %mul3A_344 = arith.muli %add3A_342, %mul3A_343 : i32
      %get3A_345 = arith.constant 3 : i32
      %get3A_346 = arith.index_cast %get3A_345 : i32 to index
      %get3A_347 = arith.index_cast %mul3A_344 : i32 to index
      %get3A_348 = tpu.vector_load %arg4[%get3A_346, %get3A_347] {strides = array<i32>} : memref<4x8192xf32, #tpu.memory_space<vmem>>, vector<16xf32>,
      %mul3A_349 = arith.constant 4 : i32
      %mul3A_350 = arith.muli %scan3A_224, %mul3A_349 : i32
      %add3A_351 = arith.constant 3 : i32
      %add3A_352 = arith.addi %mul3A_350, %add3A_351 : i32
      %mul3A_353 = arith.constant 16 : i32
      %mul3A_354 = arith.muli %add3A_352, %mul3A_353 : i32
      %get3A_355 = arith.constant 0 : i32
      %get3A_356 = arith.index_cast %get3A_355 : i32 to index
      %get3A_357 = arith.index_cast %mul3A_354 : i32 to index
      %get3A_358 = tpu.vector_load %arg4[%get3A_356, %get3A_357] {strides = array<i32>} : memref<4x8192xf32, #tpu.memory_space<vmem>>, vector<16xf32>,
      %mul3A_359 = arith.constant 4 : i32
      %mul3A_360 = arith.muli %scan3A_224, %mul3A_359 : i32
      %add3A_361 = arith.constant 3 : i32
      %add3A_362 = arith.addi %mul3A_360, %add3A_361 : i32
      %mul3A_363 = arith.constant 16 : i32
      %mul3A_364 = arith.muli %add3A_362, %mul3A_363 : i32
      %get3A_365 = arith.constant 1 : i32
      %get3A_366 = arith.index_cast %get3A_365 : i32 to index
      %get3A_367 = arith.index_cast %mul3A_364 : i32 to index
      %get3A_368 = tpu.vector_load %arg4[%get3A_366, %get3A_367] {strides = array<i32>} : memref<4x8192xf32, #tpu.memory_space<vmem>>, vector<16xf32>,
      %mul3A_369 = arith.constant 4 : i32
      %mul3A_370 = arith.muli %scan3A_224, %mul3A_369 : i32
      %add3A_371 = arith.constant 3 : i32
      %add3A_372 = arith.addi %mul3A_370, %add3A_371 : i32
      %mul3A_373 = arith.constant 16 : i32
      %mul3A_374 = arith.muli %add3A_372, %mul3A_373 : i32
      %get3A_375 = arith.constant 2 : i32
      %get3A_376 = arith.index_cast %get3A_375 : i32 to index
      %get3A_377 = arith.index_cast %mul3A_374 : i32 to index
      %get3A_378 = tpu.vector_load %arg4[%get3A_376, %get3A_377] {strides = array<i32>} : memref<4x8192xf32, #tpu.memory_space<vmem>>, vector<16xf32>,
      %mul3A_379 = arith.constant 4 : i32
      %mul3A_380 = arith.muli %scan3A_224, %mul3A_379 : i32
      %add3A_381 = arith.constant 3 : i32
      %add3A_382 = arith.addi %mul3A_380, %add3A_381 : i32
      %mul3A_383 = arith.constant 16 : i32
      %mul3A_384 = arith.muli %add3A_382, %mul3A_383 : i32
      %get3A_385 = arith.constant 3 : i32
      %get3A_386 = arith.index_cast %get3A_385 : i32 to index
      %get3A_387 = arith.index_cast %mul3A_384 : i32 to index
      %get3A_388 = tpu.vector_load %arg4[%get3A_386, %get3A_387] {strides = array<i32>} : memref<4x8192xf32, #tpu.memory_space<vmem>>, vector<16xf32>,
      %gt3A = arith.cmpf ogt, %get3A_238, %broadcast_in_dim3A_15 : vector<16xf32>
      %all_reduce_population_count3A = tpu.all_reduce %gt3A {dim = 0 : i64, kind = #tpu.reduction_kind<sum>} : vector<16xi1> -> vector<16xi32>
      %gt3A_389 = arith.constant 0 : i32
      %gt3A_390 = vector.broadcast %gt3A_389 : i32 to vector<16xi32>
      %gt3A_391 = arith.cmpi sgt, %all_reduce_population_count3A, %gt3A_390 : vector<16xi32>
      %select_n3A = arith.select %gt3A, %get3A_238, %broadcast_in_dim3A_5 : vector<16xi1>, vector<16xf32>
      %add3A_392 = arith.addi %scan3A_225, %iota3A : vector<16xi32>
      tpu.vector_store_idx %arg5[%add3A_392], %select_n3A masked %gt3A_391 : memref<32832xf32, #tpu.memory_space<vmem>>[vector<16xi32>], vector<16xf32>, vector<16xi1>
      %jit3A = arith.constant 16 : i32
      %jit3A_393 = arith.constant 0 : i32
      %broadcast_in_dim3A_394 = vector.broadcast %jit3A : i32 to vector<16xi32>
      %broadcast_in_dim3A_395 = vector.broadcast %jit3A_393 : i32 to vector<16xi32>
      %select_n3A_396 = arith.select %gt3A_391, %broadcast_in_dim3A_394, %broadcast_in_dim3A_395 : vector<16xi1>, vector<16xi32>
      %add3A_397 = arith.addi %scan3A_225, %select_n3A_396 : vector<16xi32>
      %gt3A_398 = arith.cmpf ogt, %get3A_248, %broadcast_in_dim3A_22 : vector<16xf32>
      %all_reduce_population_count3A_399 = tpu.all_reduce %gt3A_398 {dim = 0 : i64, kind = #tpu.reduction_kind<sum>} : vector<16xi1> -> vector<16xi32>
      %gt3A_400 = arith.constant 0 : i32
      %gt3A_401 = vector.broadcast %gt3A_400 : i32 to vector<16xi32>
      %gt3A_402 = arith.cmpi sgt, %all_reduce_population_count3A_399, %gt3A_401 : vector<16xi32>
      %select_n3A_403 = arith.select %gt3A_398, %get3A_248, %broadcast_in_dim3A_5 : vector<16xi1>, vector<16xf32>
      %add3A_404 = arith.addi %scan3A_226, %iota3A : vector<16xi32>
      tpu.vector_store_idx %arg5[%add3A_404], %select_n3A_403 masked %gt3A_402 : memref<32832xf32, #tpu.memory_space<vmem>>[vector<16xi32>], vector<16xf32>, vector<16xi1>
      %jit3A_405 = arith.constant 16 : i32
      %jit3A_406 = arith.constant 0 : i32
      %broadcast_in_dim3A_407 = vector.broadcast %jit3A_405 : i32 to vector<16xi32>
      %broadcast_in_dim3A_408 = vector.broadcast %jit3A_406 : i32 to vector<16xi32>
      %select_n3A_409 = arith.select %gt3A_402, %broadcast_in_dim3A_407, %broadcast_in_dim3A_408 : vector<16xi1>, vector<16xi32>
      %add3A_410 = arith.addi %scan3A_226, %select_n3A_409 : vector<16xi32>
      %gt3A_411 = arith.cmpf ogt, %get3A_258, %broadcast_in_dim3A_29 : vector<16xf32>
      %all_reduce_population_count3A_412 = tpu.all_reduce %gt3A_411 {dim = 0 : i64, kind = #tpu.reduction_kind<sum>} : vector<16xi1> -> vector<16xi32>
      %gt3A_413 = arith.constant 0 : i32
      %gt3A_414 = vector.broadcast %gt3A_413 : i32 to vector<16xi32>
      %gt3A_415 = arith.cmpi sgt, %all_reduce_population_count3A_412, %gt3A_414 : vector<16xi32>
      %select_n3A_416 = arith.select %gt3A_411, %get3A_258, %broadcast_in_dim3A_5 : vector<16xi1>, vector<16xf32>
      %add3A_417 = arith.addi %scan3A_227, %iota3A : vector<16xi32>
      tpu.vector_store_idx %arg5[%add3A_417], %select_n3A_416 masked %gt3A_415 : memref<32832xf32, #tpu.memory_space<vmem>>[vector<16xi32>], vector<16xf32>, vector<16xi1>
      %jit3A_418 = arith.constant 16 : i32
      %jit3A_419 = arith.constant 0 : i32
      %broadcast_in_dim3A_420 = vector.broadcast %jit3A_418 : i32 to vector<16xi32>
      %broadcast_in_dim3A_421 = vector.broadcast %jit3A_419 : i32 to vector<16xi32>
      %select_n3A_422 = arith.select %gt3A_415, %broadcast_in_dim3A_420, %broadcast_in_dim3A_421 : vector<16xi1>, vector<16xi32>
      %add3A_423 = arith.addi %scan3A_227, %select_n3A_422 : vector<16xi32>
      %gt3A_424 = arith.cmpf ogt, %get3A_268, %broadcast_in_dim3A_36 : vector<16xf32>
      %all_reduce_population_count3A_425 = tpu.all_reduce %gt3A_424 {dim = 0 : i64, kind = #tpu.reduction_kind<sum>} : vector<16xi1> -> vector<16xi32>
      %gt3A_426 = arith.constant 0 : i32
      %gt3A_427 = vector.broadcast %gt3A_426 : i32 to vector<16xi32>
      %gt3A_428 = arith.cmpi sgt, %all_reduce_population_count3A_425, %gt3A_427 : vector<16xi32>
      %select_n3A_429 = arith.select %gt3A_424, %get3A_268, %broadcast_in_dim3A_5 : vector<16xi1>, vector<16xf32>
      %add3A_430 = arith.addi %scan3A_228, %iota3A : vector<16xi32>
      tpu.vector_store_idx %arg5[%add3A_430], %select_n3A_429 masked %gt3A_428 : memref<32832xf32, #tpu.memory_space<vmem>>[vector<16xi32>], vector<16xf32>, vector<16xi1>
      %jit3A_431 = arith.constant 16 : i32
      %jit3A_432 = arith.constant 0 : i32
      %broadcast_in_dim3A_433 = vector.broadcast %jit3A_431 : i32 to vector<16xi32>
      %broadcast_in_dim3A_434 = vector.broadcast %jit3A_432 : i32 to vector<16xi32>
      %select_n3A_435 = arith.select %gt3A_428, %broadcast_in_dim3A_433, %broadcast_in_dim3A_434 : vector<16xi1>, vector<16xi32>
      %add3A_436 = arith.addi %scan3A_228, %select_n3A_435 : vector<16xi32>
      %gt3A_437 = arith.cmpf ogt, %get3A_278, %broadcast_in_dim3A_15 : vector<16xf32>
      %all_reduce_population_count3A_438 = tpu.all_reduce %gt3A_437 {dim = 0 : i64, kind = #tpu.reduction_kind<sum>} : vector<16xi1> -> vector<16xi32>
      %gt3A_439 = arith.constant 0 : i32
      %gt3A_440 = vector.broadcast %gt3A_439 : i32 to vector<16xi32>
      %gt3A_441 = arith.cmpi sgt, %all_reduce_population_count3A_438, %gt3A_440 : vector<16xi32>
      %select_n3A_442 = arith.select %gt3A_437, %get3A_278, %broadcast_in_dim3A_5 : vector<16xi1>, vector<16xf32>
      %add3A_443 = arith.addi %add3A_397, %iota3A : vector<16xi32>
      tpu.vector_store_idx %arg5[%add3A_443], %select_n3A_442 masked %gt3A_441 : memref<32832xf32, #tpu.memory_space<vmem>>[vector<16xi32>], vector<16xf32>, vector<16xi1>
      %jit3A_444 = arith.constant 16 : i32
      %jit3A_445 = arith.constant 0 : i32
      %broadcast_in_dim3A_446 = vector.broadcast %jit3A_444 : i32 to vector<16xi32>
      %broadcast_in_dim3A_447 = vector.broadcast %jit3A_445 : i32 to vector<16xi32>
      %select_n3A_448 = arith.select %gt3A_441, %broadcast_in_dim3A_446, %broadcast_in_dim3A_447 : vector<16xi1>, vector<16xi32>
      %add3A_449 = arith.addi %add3A_397, %select_n3A_448 : vector<16xi32>
      %gt3A_450 = arith.cmpf ogt, %get3A_288, %broadcast_in_dim3A_22 : vector<16xf32>
      %all_reduce_population_count3A_451 = tpu.all_reduce %gt3A_450 {dim = 0 : i64, kind = #tpu.reduction_kind<sum>} : vector<16xi1> -> vector<16xi32>
      %gt3A_452 = arith.constant 0 : i32
      %gt3A_453 = vector.broadcast %gt3A_452 : i32 to vector<16xi32>
      %gt3A_454 = arith.cmpi sgt, %all_reduce_population_count3A_451, %gt3A_453 : vector<16xi32>
      %select_n3A_455 = arith.select %gt3A_450, %get3A_288, %broadcast_in_dim3A_5 : vector<16xi1>, vector<16xf32>
      %add3A_456 = arith.addi %add3A_410, %iota3A : vector<16xi32>
      tpu.vector_store_idx %arg5[%add3A_456], %select_n3A_455 masked %gt3A_454 : memref<32832xf32, #tpu.memory_space<vmem>>[vector<16xi32>], vector<16xf32>, vector<16xi1>
      %jit3A_457 = arith.constant 16 : i32
      %jit3A_458 = arith.constant 0 : i32
      %broadcast_in_dim3A_459 = vector.broadcast %jit3A_457 : i32 to vector<16xi32>
      %broadcast_in_dim3A_460 = vector.broadcast %jit3A_458 : i32 to vector<16xi32>
      %select_n3A_461 = arith.select %gt3A_454, %broadcast_in_dim3A_459, %broadcast_in_dim3A_460 : vector<16xi1>, vector<16xi32>
      %add3A_462 = arith.addi %add3A_410, %select_n3A_461 : vector<16xi32>
      %gt3A_463 = arith.cmpf ogt, %get3A_298, %broadcast_in_dim3A_29 : vector<16xf32>
      %all_reduce_population_count3A_464 = tpu.all_reduce %gt3A_463 {dim = 0 : i64, kind = #tpu.reduction_kind<sum>} : vector<16xi1> -> vector<16xi32>
      %gt3A_465 = arith.constant 0 : i32
      %gt3A_466 = vector.broadcast %gt3A_465 : i32 to vector<16xi32>
      %gt3A_467 = arith.cmpi sgt, %all_reduce_population_count3A_464, %gt3A_466 : vector<16xi32>
      %select_n3A_468 = arith.select %gt3A_463, %get3A_298, %broadcast_in_dim3A_5 : vector<16xi1>, vector<16xf32>
      %add3A_469 = arith.addi %add3A_423, %iota3A : vector<16xi32>
      tpu.vector_store_idx %arg5[%add3A_469], %select_n3A_468 masked %gt3A_467 : memref<32832xf32, #tpu.memory_space<vmem>>[vector<16xi32>], vector<16xf32>, vector<16xi1>
      %jit3A_470 = arith.constant 16 : i32
      %jit3A_471 = arith.constant 0 : i32
      %broadcast_in_dim3A_472 = vector.broadcast %jit3A_470 : i32 to vector<16xi32>
      %broadcast_in_dim3A_473 = vector.broadcast %jit3A_471 : i32 to vector<16xi32>
      %select_n3A_474 = arith.select %gt3A_467, %broadcast_in_dim3A_472, %broadcast_in_dim3A_473 : vector<16xi1>, vector<16xi32>
      %add3A_475 = arith.addi %add3A_423, %select_n3A_474 : vector<16xi32>
      %gt3A_476 = arith.cmpf ogt, %get3A_308, %broadcast_in_dim3A_36 : vector<16xf32>
      %all_reduce_population_count3A_477 = tpu.all_reduce %gt3A_476 {dim = 0 : i64, kind = #tpu.reduction_kind<sum>} : vector<16xi1> -> vector<16xi32>
      %gt3A_478 = arith.constant 0 : i32
      %gt3A_479 = vector.broadcast %gt3A_478 : i32 to vector<16xi32>
      %gt3A_480 = arith.cmpi sgt, %all_reduce_population_count3A_477, %gt3A_479 : vector<16xi32>
      %select_n3A_481 = arith.select %gt3A_476, %get3A_308, %broadcast_in_dim3A_5 : vector<16xi1>, vector<16xf32>
      %add3A_482 = arith.addi %add3A_436, %iota3A : vector<16xi32>
      tpu.vector_store_idx %arg5[%add3A_482], %select_n3A_481 masked %gt3A_480 : memref<32832xf32, #tpu.memory_space<vmem>>[vector<16xi32>], vector<16xf32>, vector<16xi1>
      %jit3A_483 = arith.constant 16 : i32
      %jit3A_484 = arith.constant 0 : i32
      %broadcast_in_dim3A_485 = vector.broadcast %jit3A_483 : i32 to vector<16xi32>
      %broadcast_in_dim3A_486 = vector.broadcast %jit3A_484 : i32 to vector<16xi32>
      %select_n3A_487 = arith.select %gt3A_480, %broadcast_in_dim3A_485, %broadcast_in_dim3A_486 : vector<16xi1>, vector<16xi32>
      %add3A_488 = arith.addi %add3A_436, %select_n3A_487 : vector<16xi32>
      %gt3A_489 = arith.cmpf ogt, %get3A_318, %broadcast_in_dim3A_15 : vector<16xf32>
      %all_reduce_population_count3A_490 = tpu.all_reduce %gt3A_489 {dim = 0 : i64, kind = #tpu.reduction_kind<sum>} : vector<16xi1> -> vector<16xi32>
      %gt3A_491 = arith.constant 0 : i32
      %gt3A_492 = vector.broadcast %gt3A_491 : i32 to vector<16xi32>
      %gt3A_493 = arith.cmpi sgt, %all_reduce_population_count3A_490, %gt3A_492 : vector<16xi32>
      %select_n3A_494 = arith.select %gt3A_489, %get3A_318, %broadcast_in_dim3A_5 : vector<16xi1>, vector<16xf32>
      %add3A_495 = arith.addi %add3A_449, %iota3A : vector<16xi32>
      tpu.vector_store_idx %arg5[%add3A_495], %select_n3A_494 masked %gt3A_493 : memref<32832xf32, #tpu.memory_space<vmem>>[vector<16xi32>], vector<16xf32>, vector<16xi1>
      %jit3A_496 = arith.constant 16 : i32
      %jit3A_497 = arith.constant 0 : i32
      %broadcast_in_dim3A_498 = vector.broadcast %jit3A_496 : i32 to vector<16xi32>
      %broadcast_in_dim3A_499 = vector.broadcast %jit3A_497 : i32 to vector<16xi32>
      %select_n3A_500 = arith.select %gt3A_493, %broadcast_in_dim3A_498, %broadcast_in_dim3A_499 : vector<16xi1>, vector<16xi32>
      %add3A_501 = arith.addi %add3A_449, %select_n3A_500 : vector<16xi32>
      %gt3A_502 = arith.cmpf ogt, %get3A_328, %broadcast_in_dim3A_22 : vector<16xf32>
      %all_reduce_population_count3A_503 = tpu.all_reduce %gt3A_502 {dim = 0 : i64, kind = #tpu.reduction_kind<sum>} : vector<16xi1> -> vector<16xi32>
      %gt3A_504 = arith.constant 0 : i32
      %gt3A_505 = vector.broadcast %gt3A_504 : i32 to vector<16xi32>
      %gt3A_506 = arith.cmpi sgt, %all_reduce_population_count3A_503, %gt3A_505 : vector<16xi32>
      %select_n3A_507 = arith.select %gt3A_502, %get3A_328, %broadcast_in_dim3A_5 : vector<16xi1>, vector<16xf32>
      %add3A_508 = arith.addi %add3A_462, %iota3A : vector<16xi32>
      tpu.vector_store_idx %arg5[%add3A_508], %select_n3A_507 masked %gt3A_506 : memref<32832xf32, #tpu.memory_space<vmem>>[vector<16xi32>], vector<16xf32>, vector<16xi1>
      %jit3A_509 = arith.constant 16 : i32
      %jit3A_510 = arith.constant 0 : i32
      %broadcast_in_dim3A_511 = vector.broadcast %jit3A_509 : i32 to vector<16xi32>
      %broadcast_in_dim3A_512 = vector.broadcast %jit3A_510 : i32 to vector<16xi32>
      %select_n3A_513 = arith.select %gt3A_506, %broadcast_in_dim3A_511, %broadcast_in_dim3A_512 : vector<16xi1>, vector<16xi32>
      %add3A_514 = arith.addi %add3A_462, %select_n3A_513 : vector<16xi32>
      %gt3A_515 = arith.cmpf ogt, %get3A_338, %broadcast_in_dim3A_29 : vector<16xf32>
      %all_reduce_population_count3A_516 = tpu.all_reduce %gt3A_515 {dim = 0 : i64, kind = #tpu.reduction_kind<sum>} : vector<16xi1> -> vector<16xi32>
      %gt3A_517 = arith.constant 0 : i32
      %gt3A_518 = vector.broadcast %gt3A_517 : i32 to vector<16xi32>
      %gt3A_519 = arith.cmpi sgt, %all_reduce_population_count3A_516, %gt3A_518 : vector<16xi32>
      %select_n3A_520 = arith.select %gt3A_515, %get3A_338, %broadcast_in_dim3A_5 : vector<16xi1>, vector<16xf32>
      %add3A_521 = arith.addi %add3A_475, %iota3A : vector<16xi32>
      tpu.vector_store_idx %arg5[%add3A_521], %select_n3A_520 masked %gt3A_519 : memref<32832xf32, #tpu.memory_space<vmem>>[vector<16xi32>], vector<16xf32>, vector<16xi1>
      %jit3A_522 = arith.constant 16 : i32
      %jit3A_523 = arith.constant 0 : i32
      %broadcast_in_dim3A_524 = vector.broadcast %jit3A_522 : i32 to vector<16xi32>
      %broadcast_in_dim3A_525 = vector.broadcast %jit3A_523 : i32 to vector<16xi32>
      %select_n3A_526 = arith.select %gt3A_519, %broadcast_in_dim3A_524, %broadcast_in_dim3A_525 : vector<16xi1>, vector<16xi32>
      %add3A_527 = arith.addi %add3A_475, %select_n3A_526 : vector<16xi32>
      %gt3A_528 = arith.cmpf ogt, %get3A_348, %broadcast_in_dim3A_36 : vector<16xf32>
      %all_reduce_population_count3A_529 = tpu.all_reduce %gt3A_528 {dim = 0 : i64, kind = #tpu.reduction_kind<sum>} : vector<16xi1> -> vector<16xi32>
      %gt3A_530 = arith.constant 0 : i32
      %gt3A_531 = vector.broadcast %gt3A_530 : i32 to vector<16xi32>
      %gt3A_532 = arith.cmpi sgt, %all_reduce_population_count3A_529, %gt3A_531 : vector<16xi32>
      %select_n3A_533 = arith.select %gt3A_528, %get3A_348, %broadcast_in_dim3A_5 : vector<16xi1>, vector<16xf32>
      %add3A_534 = arith.addi %add3A_488, %iota3A : vector<16xi32>
      tpu.vector_store_idx %arg5[%add3A_534], %select_n3A_533 masked %gt3A_532 : memref<32832xf32, #tpu.memory_space<vmem>>[vector<16xi32>], vector<16xf32>, vector<16xi1>
      %jit3A_535 = arith.constant 16 : i32
      %jit3A_536 = arith.constant 0 : i32
      %broadcast_in_dim3A_537 = vector.broadcast %jit3A_535 : i32 to vector<16xi32>
      %broadcast_in_dim3A_538 = vector.broadcast %jit3A_536 : i32 to vector<16xi32>
      %select_n3A_539 = arith.select %gt3A_532, %broadcast_in_dim3A_537, %broadcast_in_dim3A_538 : vector<16xi1>, vector<16xi32>
      %add3A_540 = arith.addi %add3A_488, %select_n3A_539 : vector<16xi32>
      %gt3A_541 = arith.cmpf ogt, %get3A_358, %broadcast_in_dim3A_15 : vector<16xf32>
      %all_reduce_population_count3A_542 = tpu.all_reduce %gt3A_541 {dim = 0 : i64, kind = #tpu.reduction_kind<sum>} : vector<16xi1> -> vector<16xi32>
      %gt3A_543 = arith.constant 0 : i32
      %gt3A_544 = vector.broadcast %gt3A_543 : i32 to vector<16xi32>
      %gt3A_545 = arith.cmpi sgt, %all_reduce_population_count3A_542, %gt3A_544 : vector<16xi32>
      %select_n3A_546 = arith.select %gt3A_541, %get3A_358, %broadcast_in_dim3A_5 : vector<16xi1>, vector<16xf32>
      %add3A_547 = arith.addi %add3A_501, %iota3A : vector<16xi32>
      tpu.vector_store_idx %arg5[%add3A_547], %select_n3A_546 masked %gt3A_545 : memref<32832xf32, #tpu.memory_space<vmem>>[vector<16xi32>], vector<16xf32>, vector<16xi1>
      %jit3A_548 = arith.constant 16 : i32
      %jit3A_549 = arith.constant 0 : i32
      %broadcast_in_dim3A_550 = vector.broadcast %jit3A_548 : i32 to vector<16xi32>
      %broadcast_in_dim3A_551 = vector.broadcast %jit3A_549 : i32 to vector<16xi32>
      %select_n3A_552 = arith.select %gt3A_545, %broadcast_in_dim3A_550, %broadcast_in_dim3A_551 : vector<16xi1>, vector<16xi32>
      %add3A_553 = arith.addi %add3A_501, %select_n3A_552 : vector<16xi32>
      %gt3A_554 = arith.cmpf ogt, %get3A_368, %broadcast_in_dim3A_22 : vector<16xf32>
      %all_reduce_population_count3A_555 = tpu.all_reduce %gt3A_554 {dim = 0 : i64, kind = #tpu.reduction_kind<sum>} : vector<16xi1> -> vector<16xi32>
      %gt3A_556 = arith.constant 0 : i32
      %gt3A_557 = vector.broadcast %gt3A_556 : i32 to vector<16xi32>
      %gt3A_558 = arith.cmpi sgt, %all_reduce_population_count3A_555, %gt3A_557 : vector<16xi32>
      %select_n3A_559 = arith.select %gt3A_554, %get3A_368, %broadcast_in_dim3A_5 : vector<16xi1>, vector<16xf32>
      %add3A_560 = arith.addi %add3A_514, %iota3A : vector<16xi32>
      tpu.vector_store_idx %arg5[%add3A_560], %select_n3A_559 masked %gt3A_558 : memref<32832xf32, #tpu.memory_space<vmem>>[vector<16xi32>], vector<16xf32>, vector<16xi1>
      %jit3A_561 = arith.constant 16 : i32
      %jit3A_562 = arith.constant 0 : i32
      %broadcast_in_dim3A_563 = vector.broadcast %jit3A_561 : i32 to vector<16xi32>
      %broadcast_in_dim3A_564 = vector.broadcast %jit3A_562 : i32 to vector<16xi32>
      %select_n3A_565 = arith.select %gt3A_558, %broadcast_in_dim3A_563, %broadcast_in_dim3A_564 : vector<16xi1>, vector<16xi32>
      %add3A_566 = arith.addi %add3A_514, %select_n3A_565 : vector<16xi32>
      %gt3A_567 = arith.cmpf ogt, %get3A_378, %broadcast_in_dim3A_29 : vector<16xf32>
      %all_reduce_population_count3A_568 = tpu.all_reduce %gt3A_567 {dim = 0 : i64, kind = #tpu.reduction_kind<sum>} : vector<16xi1> -> vector<16xi32>
      %gt3A_569 = arith.constant 0 : i32
      %gt3A_570 = vector.broadcast %gt3A_569 : i32 to vector<16xi32>
      %gt3A_571 = arith.cmpi sgt, %all_reduce_population_count3A_568, %gt3A_570 : vector<16xi32>
      %select_n3A_572 = arith.select %gt3A_567, %get3A_378, %broadcast_in_dim3A_5 : vector<16xi1>, vector<16xf32>
      %add3A_573 = arith.addi %add3A_527, %iota3A : vector<16xi32>
      tpu.vector_store_idx %arg5[%add3A_573], %select_n3A_572 masked %gt3A_571 : memref<32832xf32, #tpu.memory_space<vmem>>[vector<16xi32>], vector<16xf32>, vector<16xi1>
      %jit3A_574 = arith.constant 16 : i32
      %jit3A_575 = arith.constant 0 : i32
      %broadcast_in_dim3A_576 = vector.broadcast %jit3A_574 : i32 to vector<16xi32>
      %broadcast_in_dim3A_577 = vector.broadcast %jit3A_575 : i32 to vector<16xi32>
      %select_n3A_578 = arith.select %gt3A_571, %broadcast_in_dim3A_576, %broadcast_in_dim3A_577 : vector<16xi1>, vector<16xi32>
      %add3A_579 = arith.addi %add3A_527, %select_n3A_578 : vector<16xi32>
      %gt3A_580 = arith.cmpf ogt, %get3A_388, %broadcast_in_dim3A_36 : vector<16xf32>
      %all_reduce_population_count3A_581 = tpu.all_reduce %gt3A_580 {dim = 0 : i64, kind = #tpu.reduction_kind<sum>} : vector<16xi1> -> vector<16xi32>
      %gt3A_582 = arith.constant 0 : i32
      %gt3A_583 = vector.broadcast %gt3A_582 : i32 to vector<16xi32>
      %gt3A_584 = arith.cmpi sgt, %all_reduce_population_count3A_581, %gt3A_583 : vector<16xi32>
      %select_n3A_585 = arith.select %gt3A_580, %get3A_388, %broadcast_in_dim3A_5 : vector<16xi1>, vector<16xf32>
      %add3A_586 = arith.addi %add3A_540, %iota3A : vector<16xi32>
      tpu.vector_store_idx %arg5[%add3A_586], %select_n3A_585 masked %gt3A_584 : memref<32832xf32, #tpu.memory_space<vmem>>[vector<16xi32>], vector<16xf32>, vector<16xi1>
      %jit3A_587 = arith.constant 16 : i32
      %jit3A_588 = arith.constant 0 : i32
      %broadcast_in_dim3A_589 = vector.broadcast %jit3A_587 : i32 to vector<16xi32>
      %broadcast_in_dim3A_590 = vector.broadcast %jit3A_588 : i32 to vector<16xi32>
      %select_n3A_591 = arith.select %gt3A_584, %broadcast_in_dim3A_589, %broadcast_in_dim3A_590 : vector<16xi1>, vector<16xi32>
      %add3A_592 = arith.addi %add3A_540, %select_n3A_591 : vector<16xi32>
      scf.yield %add3A_553, %add3A_566, %add3A_579, %add3A_592 : vector<16xi32>, vector<16xi32>, vector<16xi32>, vector<16xi32>
    }
    %scan3A_50 = arith.constant 128 : i32
    %reduce_max3A_51 = arith.constant true
    %reduce_max3A_52 = vector.broadcast %reduce_max3A_51 : i1 to vector<16xi1>
    %reduce_max3A_53 = arith.constant -2147483648 : i32
    %reduce_max3A_54 = vector.broadcast %reduce_max3A_53 : i32 to vector<16xi32>
    %reduce_max3A_55 = arith.xori %scan3A_49#0, %reduce_max3A_54 : vector<16xi32>
    %reduce_max3A_56 = tpu.scan <max>, %reduce_max3A_55 masked %reduce_max3A_52 : vector<16xi32>, vector<16xi1> -> vector<16xi32>
    %reduce_max3A_57 = arith.xori %reduce_max3A_56, %reduce_max3A_54 : vector<16xi32>
    %reduce_max3A_58 = vector.extract %reduce_max3A_57[15] : i32 from vector<16xi32>
    %sub3A_59 = arith.constant 0 : i32
    %sub3A_60 = arith.subi %reduce_max3A_58, %sub3A_59 : i32
    %reduce_max3A_61 = arith.constant true
    %reduce_max3A_62 = vector.broadcast %reduce_max3A_61 : i1 to vector<16xi1>
    %reduce_max3A_63 = arith.constant -2147483648 : i32
    %reduce_max3A_64 = vector.broadcast %reduce_max3A_63 : i32 to vector<16xi32>
    %reduce_max3A_65 = arith.xori %scan3A_49#1, %reduce_max3A_64 : vector<16xi32>
    %reduce_max3A_66 = tpu.scan <max>, %reduce_max3A_65 masked %reduce_max3A_62 : vector<16xi32>, vector<16xi1> -> vector<16xi32>
    %reduce_max3A_67 = arith.xori %reduce_max3A_66, %reduce_max3A_64 : vector<16xi32>
    %reduce_max3A_68 = vector.extract %reduce_max3A_67[15] : i32 from vector<16xi32>
    %sub3A_69 = arith.constant 8208 : i32
    %sub3A_70 = arith.subi %reduce_max3A_68, %sub3A_69 : i32
    %reduce_max3A_71 = arith.constant true
    %reduce_max3A_72 = vector.broadcast %reduce_max3A_71 : i1 to vector<16xi1>
    %reduce_max3A_73 = arith.constant -2147483648 : i32
    %reduce_max3A_74 = vector.broadcast %reduce_max3A_73 : i32 to vector<16xi32>
    %reduce_max3A_75 = arith.xori %scan3A_49#2, %reduce_max3A_74 : vector<16xi32>
    %reduce_max3A_76 = tpu.scan <max>, %reduce_max3A_75 masked %reduce_max3A_72 : vector<16xi32>, vector<16xi1> -> vector<16xi32>
    %reduce_max3A_77 = arith.xori %reduce_max3A_76, %reduce_max3A_74 : vector<16xi32>
    %reduce_max3A_78 = vector.extract %reduce_max3A_77[15] : i32 from vector<16xi32>
    %sub3A_79 = arith.constant 16416 : i32
    %sub3A_80 = arith.subi %reduce_max3A_78, %sub3A_79 : i32
    %reduce_max3A_81 = arith.constant true
    %reduce_max3A_82 = vector.broadcast %reduce_max3A_81 : i1 to vector<16xi1>
    %reduce_max3A_83 = arith.constant -2147483648 : i32
    %reduce_max3A_84 = vector.broadcast %reduce_max3A_83 : i32 to vector<16xi32>
    %reduce_max3A_85 = arith.xori %scan3A_49#3, %reduce_max3A_84 : vector<16xi32>
    %reduce_max3A_86 = tpu.scan <max>, %reduce_max3A_85 masked %reduce_max3A_82 : vector<16xi32>, vector<16xi1> -> vector<16xi32>
    %reduce_max3A_87 = arith.xori %reduce_max3A_86, %reduce_max3A_84 : vector<16xi32>
    %reduce_max3A_88 = vector.extract %reduce_max3A_87[15] : i32 from vector<16xi32>
    %sub3A_89 = arith.constant 24624 : i32
    %sub3A_90 = arith.subi %reduce_max3A_88, %sub3A_89 : i32
    %max3A = arith.maxsi %sub3A_60, %sub3A_70 : i32
    %max3A_91 = arith.maxsi %max3A, %sub3A_80 : i32
    %max3A_92 = arith.maxsi %max3A_91, %sub3A_90 : i32
    %add3A_93 = arith.constant 15 : i32
    %add3A_94 = arith.addi %max3A_92, %add3A_93 : i32
    %shift_right_logical3A = arith.constant 4 : i32
    %shift_right_logical3A_95 = arith.shrui %add3A_94, %shift_right_logical3A : i32
    %broadcast_in_dim3A_96 = vector.broadcast %sub3A_60 : i32 to vector<16xi32>
    %broadcast_in_dim3A_97 = vector.broadcast %sub3A_70 : i32 to vector<16xi32>
    %broadcast_in_dim3A_98 = vector.broadcast %sub3A_80 : i32 to vector<16xi32>
    %broadcast_in_dim3A_99 = vector.broadcast %sub3A_90 : i32 to vector<16xi32>
    %broadcast_in_dim3A_100 = arith.constant 0 : i32
    %broadcast_in_dim3A_101 = vector.broadcast %broadcast_in_dim3A_100 : i32 to vector<16xi32>
    %broadcast_in_dim3A_102 = arith.constant 8208 : i32
    %broadcast_in_dim3A_103 = vector.broadcast %broadcast_in_dim3A_102 : i32 to vector<16xi32>
    %broadcast_in_dim3A_104 = arith.constant 16416 : i32
    %broadcast_in_dim3A_105 = vector.broadcast %broadcast_in_dim3A_104 : i32 to vector<16xi32>
    %broadcast_in_dim3A_106 = arith.constant 24624 : i32
    %broadcast_in_dim3A_107 = vector.broadcast %broadcast_in_dim3A_106 : i32 to vector<16xi32>
    %while3A = arith.constant 0 : i32
    %while3A_108 = arith.subi %shift_right_logical3A_95, %while3A : i32
    %while3A_109 = arith.addi %while3A, %while3A_108 : i32
    %while3A_110 = arith.constant 1 : i32
    %while3A_111 = arith.divsi %while3A_108, %while3A_110 : i32
    %while3A_112 = arith.muli %while3A_111, %while3A_110 : i32
    %while3A_113 = arith.addi %while3A, %while3A_112 : i32
    %while3A_114 = arith.constant 1 : i32
    %while3A_115:8 = scf.for %while3A_224 = %while3A to %while3A_113 step %while3A_114 iter_args(%while3A_225 = %broadcast_in_dim3A_101, %while3A_226 = %broadcast_in_dim3A_103, %while3A_227 = %broadcast_in_dim3A_105, %while3A_228 = %broadcast_in_dim3A_107, %while3A_229 = %broadcast_in_dim3A_3, %while3A_230 = %broadcast_in_dim3A_3, %while3A_231 = %broadcast_in_dim3A_3, %while3A_232 = %broadcast_in_dim3A_3) -> (vector<16xi32>, vector<16xi32>, vector<16xi32>, vector<16xi32>, vector<16xf32>, vector<16xf32>, vector<16xf32>, vector<16xf32>)  : i32 {
      %mul3A_233 = arith.constant 16 : i32
      %mul3A_234 = arith.muli %while3A_224, %mul3A_233 : i32
      %add3A_235 = vector.broadcast %mul3A_234 : i32 to vector<16xi32>
      %add3A_236 = arith.addi %iota3A, %add3A_235 : vector<16xi32>
      %mul3A_237 = arith.constant 16 : i32
      %mul3A_238 = arith.muli %while3A_224, %mul3A_237 : i32
      %add3A_239 = arith.constant 0 : i32
      %add3A_240 = arith.addi %mul3A_238, %add3A_239 : i32
      %get3A_241 = arith.index_cast %add3A_240 : i32 to index
      %get3A_242 = tpu.vector_load %arg5[%get3A_241] {strides = array<i32>} : memref<32832xf32, #tpu.memory_space<vmem>>, vector<16xf32>,
      %gt3A = arith.cmpf ogt, %get3A_242, %broadcast_in_dim3A_15 : vector<16xf32>
      %lt3A = arith.cmpi slt, %add3A_236, %broadcast_in_dim3A_96 : vector<16xi32>
      %and3A_243 = arith.andi %gt3A, %lt3A : vector<16xi1>
      %select_n3A = arith.select %and3A_243, %get3A_242, %broadcast_in_dim3A_3 : vector<16xi1>, vector<16xf32>
      %add3A_244 = arith.addf %while3A_229, %select_n3A : vector<16xf32>
      %jit3A = arith.constant 1 : i32
      %jit3A_245 = arith.constant 0 : i32
      %broadcast_in_dim3A_246 = vector.broadcast %jit3A : i32 to vector<16xi32>
      %broadcast_in_dim3A_247 = vector.broadcast %jit3A_245 : i32 to vector<16xi32>
      %select_n3A_248 = arith.select %and3A_243, %broadcast_in_dim3A_246, %broadcast_in_dim3A_247 : vector<16xi1>, vector<16xi32>
      %broadcast_in_dim3A_249 = arith.constant true
      %broadcast_in_dim3A_250 = vector.broadcast %broadcast_in_dim3A_249 : i1 to vector<16xi1>
      %masked_cumsum3A = tpu.scan <sum>, %select_n3A_248 masked %broadcast_in_dim3A_250 : vector<16xi32>, vector<16xi1> -> vector<16xi32>
      %add3A_251 = arith.addi %while3A_225, %masked_cumsum3A : vector<16xi32>
      %sub3A_252 = arith.constant 1 : i32
      %sub3A_253 = vector.broadcast %sub3A_252 : i32 to vector<16xi32>
      %sub3A_254 = arith.subi %add3A_251, %sub3A_253 : vector<16xi32>
      tpu.vector_store_idx %arg6[%sub3A_254], %get3A_242 masked %and3A_243 : memref<32832xf32, #tpu.memory_space<vmem>>[vector<16xi32>], vector<16xf32>, vector<16xi1>
      %all_reduce_population_count3A = tpu.all_reduce %and3A_243 {dim = 0 : i64, kind = #tpu.reduction_kind<sum>} : vector<16xi1> -> vector<16xi32>
      %add3A_255 = arith.addi %while3A_225, %all_reduce_population_count3A : vector<16xi32>
      %mul3A_256 = arith.constant 16 : i32
      %mul3A_257 = arith.muli %while3A_224, %mul3A_256 : i32
      %add3A_258 = arith.constant 8208 : i32
      %add3A_259 = arith.addi %mul3A_257, %add3A_258 : i32
      %get3A_260 = arith.index_cast %add3A_259 : i32 to index
      %get3A_261 = tpu.vector_load %arg5[%get3A_260] {strides = array<i32>} : memref<32832xf32, #tpu.memory_space<vmem>>, vector<16xf32>,
      %gt3A_262 = arith.cmpf ogt, %get3A_261, %broadcast_in_dim3A_22 : vector<16xf32>
      %lt3A_263 = arith.cmpi slt, %add3A_236, %broadcast_in_dim3A_97 : vector<16xi32>
      %and3A_264 = arith.andi %gt3A_262, %lt3A_263 : vector<16xi1>
      %select_n3A_265 = arith.select %and3A_264, %get3A_261, %broadcast_in_dim3A_3 : vector<16xi1>, vector<16xf32>
      %add3A_266 = arith.addf %while3A_230, %select_n3A_265 : vector<16xf32>
      %jit3A_267 = arith.constant 1 : i32
      %jit3A_268 = arith.constant 0 : i32
      %broadcast_in_dim3A_269 = vector.broadcast %jit3A_267 : i32 to vector<16xi32>
      %broadcast_in_dim3A_270 = vector.broadcast %jit3A_268 : i32 to vector<16xi32>
      %select_n3A_271 = arith.select %and3A_264, %broadcast_in_dim3A_269, %broadcast_in_dim3A_270 : vector<16xi1>, vector<16xi32>
      %broadcast_in_dim3A_272 = arith.constant true
      %broadcast_in_dim3A_273 = vector.broadcast %broadcast_in_dim3A_272 : i1 to vector<16xi1>
      %masked_cumsum3A_274 = tpu.scan <sum>, %select_n3A_271 masked %broadcast_in_dim3A_273 : vector<16xi32>, vector<16xi1> -> vector<16xi32>
      %add3A_275 = arith.addi %while3A_226, %masked_cumsum3A_274 : vector<16xi32>
      %sub3A_276 = arith.constant 1 : i32
      %sub3A_277 = vector.broadcast %sub3A_276 : i32 to vector<16xi32>
      %sub3A_278 = arith.subi %add3A_275, %sub3A_277 : vector<16xi32>
      tpu.vector_store_idx %arg6[%sub3A_278], %get3A_261 masked %and3A_264 : memref<32832xf32, #tpu.memory_space<vmem>>[vector<16xi32>], vector<16xf32>, vector<16xi1>
      %all_reduce_population_count3A_279 = tpu.all_reduce %and3A_264 {dim = 0 : i64, kind = #tpu.reduction_kind<sum>} : vector<16xi1> -> vector<16xi32>
      %add3A_280 = arith.addi %while3A_226, %all_reduce_population_count3A_279 : vector<16xi32>
      %mul3A_281 = arith.constant 16 : i32
      %mul3A_282 = arith.muli %while3A_224, %mul3A_281 : i32
      %add3A_283 = arith.constant 16416 : i32
      %add3A_284 = arith.addi %mul3A_282, %add3A_283 : i32
      %get3A_285 = arith.index_cast %add3A_284 : i32 to index
      %get3A_286 = tpu.vector_load %arg5[%get3A_285] {strides = array<i32>} : memref<32832xf32, #tpu.memory_space<vmem>>, vector<16xf32>,
      %gt3A_287 = arith.cmpf ogt, %get3A_286, %broadcast_in_dim3A_29 : vector<16xf32>
      %lt3A_288 = arith.cmpi slt, %add3A_236, %broadcast_in_dim3A_98 : vector<16xi32>
      %and3A_289 = arith.andi %gt3A_287, %lt3A_288 : vector<16xi1>
      %select_n3A_290 = arith.select %and3A_289, %get3A_286, %broadcast_in_dim3A_3 : vector<16xi1>, vector<16xf32>
      %add3A_291 = arith.addf %while3A_231, %select_n3A_290 : vector<16xf32>
      %jit3A_292 = arith.constant 1 : i32
      %jit3A_293 = arith.constant 0 : i32
      %broadcast_in_dim3A_294 = vector.broadcast %jit3A_292 : i32 to vector<16xi32>
      %broadcast_in_dim3A_295 = vector.broadcast %jit3A_293 : i32 to vector<16xi32>
      %select_n3A_296 = arith.select %and3A_289, %broadcast_in_dim3A_294, %broadcast_in_dim3A_295 : vector<16xi1>, vector<16xi32>
      %broadcast_in_dim3A_297 = arith.constant true
      %broadcast_in_dim3A_298 = vector.broadcast %broadcast_in_dim3A_297 : i1 to vector<16xi1>
      %masked_cumsum3A_299 = tpu.scan <sum>, %select_n3A_296 masked %broadcast_in_dim3A_298 : vector<16xi32>, vector<16xi1> -> vector<16xi32>
      %add3A_300 = arith.addi %while3A_227, %masked_cumsum3A_299 : vector<16xi32>
      %sub3A_301 = arith.constant 1 : i32
      %sub3A_302 = vector.broadcast %sub3A_301 : i32 to vector<16xi32>
      %sub3A_303 = arith.subi %add3A_300, %sub3A_302 : vector<16xi32>
      tpu.vector_store_idx %arg6[%sub3A_303], %get3A_286 masked %and3A_289 : memref<32832xf32, #tpu.memory_space<vmem>>[vector<16xi32>], vector<16xf32>, vector<16xi1>
      %all_reduce_population_count3A_304 = tpu.all_reduce %and3A_289 {dim = 0 : i64, kind = #tpu.reduction_kind<sum>} : vector<16xi1> -> vector<16xi32>
      %add3A_305 = arith.addi %while3A_227, %all_reduce_population_count3A_304 : vector<16xi32>
      %mul3A_306 = arith.constant 16 : i32
      %mul3A_307 = arith.muli %while3A_224, %mul3A_306 : i32
      %add3A_308 = arith.constant 24624 : i32
      %add3A_309 = arith.addi %mul3A_307, %add3A_308 : i32
      %get3A_310 = arith.index_cast %add3A_309 : i32 to index
      %get3A_311 = tpu.vector_load %arg5[%get3A_310] {strides = array<i32>} : memref<32832xf32, #tpu.memory_space<vmem>>, vector<16xf32>,
      %gt3A_312 = arith.cmpf ogt, %get3A_311, %broadcast_in_dim3A_36 : vector<16xf32>
      %lt3A_313 = arith.cmpi slt, %add3A_236, %broadcast_in_dim3A_99 : vector<16xi32>
      %and3A_314 = arith.andi %gt3A_312, %lt3A_313 : vector<16xi1>
      %select_n3A_315 = arith.select %and3A_314, %get3A_311, %broadcast_in_dim3A_3 : vector<16xi1>, vector<16xf32>
      %add3A_316 = arith.addf %while3A_232, %select_n3A_315 : vector<16xf32>
      %jit3A_317 = arith.constant 1 : i32
      %jit3A_318 = arith.constant 0 : i32
      %broadcast_in_dim3A_319 = vector.broadcast %jit3A_317 : i32 to vector<16xi32>
      %broadcast_in_dim3A_320 = vector.broadcast %jit3A_318 : i32 to vector<16xi32>
      %select_n3A_321 = arith.select %and3A_314, %broadcast_in_dim3A_319, %broadcast_in_dim3A_320 : vector<16xi1>, vector<16xi32>
      %broadcast_in_dim3A_322 = arith.constant true
      %broadcast_in_dim3A_323 = vector.broadcast %broadcast_in_dim3A_322 : i1 to vector<16xi1>
      %masked_cumsum3A_324 = tpu.scan <sum>, %select_n3A_321 masked %broadcast_in_dim3A_323 : vector<16xi32>, vector<16xi1> -> vector<16xi32>
      %add3A_325 = arith.addi %while3A_228, %masked_cumsum3A_324 : vector<16xi32>
      %sub3A_326 = arith.constant 1 : i32
      %sub3A_327 = vector.broadcast %sub3A_326 : i32 to vector<16xi32>
      %sub3A_328 = arith.subi %add3A_325, %sub3A_327 : vector<16xi32>
      tpu.vector_store_idx %arg6[%sub3A_328], %get3A_311 masked %and3A_314 : memref<32832xf32, #tpu.memory_space<vmem>>[vector<16xi32>], vector<16xf32>, vector<16xi1>
      %all_reduce_population_count3A_329 = tpu.all_reduce %and3A_314 {dim = 0 : i64, kind = #tpu.reduction_kind<sum>} : vector<16xi1> -> vector<16xi32>
      %add3A_330 = arith.addi %while3A_228, %all_reduce_population_count3A_329 : vector<16xi32>
      scf.yield %add3A_255, %add3A_280, %add3A_305, %add3A_330, %add3A_244, %add3A_266, %add3A_291, %add3A_316 : vector<16xi32>, vector<16xi32>, vector<16xi32>, vector<16xi32>, vector<16xf32>, vector<16xf32>, vector<16xf32>, vector<16xf32>
    }
    %while3A_116 = arith.constant 1 : i32
    %while3A_117:8 = scf.for %while3A_224 = %while3A_113 to %while3A_109 step %while3A_116 iter_args(%while3A_225 = %while3A_115#0, %while3A_226 = %while3A_115#1, %while3A_227 = %while3A_115#2, %while3A_228 = %while3A_115#3, %while3A_229 = %while3A_115#4, %while3A_230 = %while3A_115#5, %while3A_231 = %while3A_115#6, %while3A_232 = %while3A_115#7) -> (vector<16xi32>, vector<16xi32>, vector<16xi32>, vector<16xi32>, vector<16xf32>, vector<16xf32>, vector<16xf32>, vector<16xf32>)  : i32 {
      %mul3A_233 = arith.constant 16 : i32
      %mul3A_234 = arith.muli %while3A_224, %mul3A_233 : i32
      %add3A_235 = vector.broadcast %mul3A_234 : i32 to vector<16xi32>
      %add3A_236 = arith.addi %iota3A, %add3A_235 : vector<16xi32>
      %mul3A_237 = arith.constant 16 : i32
      %mul3A_238 = arith.muli %while3A_224, %mul3A_237 : i32
      %add3A_239 = arith.constant 0 : i32
      %add3A_240 = arith.addi %mul3A_238, %add3A_239 : i32
      %get3A_241 = arith.index_cast %add3A_240 : i32 to index
      %get3A_242 = tpu.vector_load %arg5[%get3A_241] {strides = array<i32>} : memref<32832xf32, #tpu.memory_space<vmem>>, vector<16xf32>,
      %gt3A = arith.cmpf ogt, %get3A_242, %broadcast_in_dim3A_15 : vector<16xf32>
      %lt3A = arith.cmpi slt, %add3A_236, %broadcast_in_dim3A_96 : vector<16xi32>
      %and3A_243 = arith.andi %gt3A, %lt3A : vector<16xi1>
      %select_n3A = arith.select %and3A_243, %get3A_242, %broadcast_in_dim3A_3 : vector<16xi1>, vector<16xf32>
      %add3A_244 = arith.addf %while3A_229, %select_n3A : vector<16xf32>
      %jit3A = arith.constant 1 : i32
      %jit3A_245 = arith.constant 0 : i32
      %broadcast_in_dim3A_246 = vector.broadcast %jit3A : i32 to vector<16xi32>
      %broadcast_in_dim3A_247 = vector.broadcast %jit3A_245 : i32 to vector<16xi32>
      %select_n3A_248 = arith.select %and3A_243, %broadcast_in_dim3A_246, %broadcast_in_dim3A_247 : vector<16xi1>, vector<16xi32>
      %broadcast_in_dim3A_249 = arith.constant true
      %broadcast_in_dim3A_250 = vector.broadcast %broadcast_in_dim3A_249 : i1 to vector<16xi1>
      %masked_cumsum3A = tpu.scan <sum>, %select_n3A_248 masked %broadcast_in_dim3A_250 : vector<16xi32>, vector<16xi1> -> vector<16xi32>
      %add3A_251 = arith.addi %while3A_225, %masked_cumsum3A : vector<16xi32>
      %sub3A_252 = arith.constant 1 : i32
      %sub3A_253 = vector.broadcast %sub3A_252 : i32 to vector<16xi32>
      %sub3A_254 = arith.subi %add3A_251, %sub3A_253 : vector<16xi32>
      tpu.vector_store_idx %arg6[%sub3A_254], %get3A_242 masked %and3A_243 : memref<32832xf32, #tpu.memory_space<vmem>>[vector<16xi32>], vector<16xf32>, vector<16xi1>
      %all_reduce_population_count3A = tpu.all_reduce %and3A_243 {dim = 0 : i64, kind = #tpu.reduction_kind<sum>} : vector<16xi1> -> vector<16xi32>
      %add3A_255 = arith.addi %while3A_225, %all_reduce_population_count3A : vector<16xi32>
      %mul3A_256 = arith.constant 16 : i32
      %mul3A_257 = arith.muli %while3A_224, %mul3A_256 : i32
      %add3A_258 = arith.constant 8208 : i32
      %add3A_259 = arith.addi %mul3A_257, %add3A_258 : i32
      %get3A_260 = arith.index_cast %add3A_259 : i32 to index
      %get3A_261 = tpu.vector_load %arg5[%get3A_260] {strides = array<i32>} : memref<32832xf32, #tpu.memory_space<vmem>>, vector<16xf32>,
      %gt3A_262 = arith.cmpf ogt, %get3A_261, %broadcast_in_dim3A_22 : vector<16xf32>
      %lt3A_263 = arith.cmpi slt, %add3A_236, %broadcast_in_dim3A_97 : vector<16xi32>
      %and3A_264 = arith.andi %gt3A_262, %lt3A_263 : vector<16xi1>
      %select_n3A_265 = arith.select %and3A_264, %get3A_261, %broadcast_in_dim3A_3 : vector<16xi1>, vector<16xf32>
      %add3A_266 = arith.addf %while3A_230, %select_n3A_265 : vector<16xf32>
      %jit3A_267 = arith.constant 1 : i32
      %jit3A_268 = arith.constant 0 : i32
      %broadcast_in_dim3A_269 = vector.broadcast %jit3A_267 : i32 to vector<16xi32>
      %broadcast_in_dim3A_270 = vector.broadcast %jit3A_268 : i32 to vector<16xi32>
      %select_n3A_271 = arith.select %and3A_264, %broadcast_in_dim3A_269, %broadcast_in_dim3A_270 : vector<16xi1>, vector<16xi32>
      %broadcast_in_dim3A_272 = arith.constant true
      %broadcast_in_dim3A_273 = vector.broadcast %broadcast_in_dim3A_272 : i1 to vector<16xi1>
      %masked_cumsum3A_274 = tpu.scan <sum>, %select_n3A_271 masked %broadcast_in_dim3A_273 : vector<16xi32>, vector<16xi1> -> vector<16xi32>
      %add3A_275 = arith.addi %while3A_226, %masked_cumsum3A_274 : vector<16xi32>
      %sub3A_276 = arith.constant 1 : i32
      %sub3A_277 = vector.broadcast %sub3A_276 : i32 to vector<16xi32>
      %sub3A_278 = arith.subi %add3A_275, %sub3A_277 : vector<16xi32>
      tpu.vector_store_idx %arg6[%sub3A_278], %get3A_261 masked %and3A_264 : memref<32832xf32, #tpu.memory_space<vmem>>[vector<16xi32>], vector<16xf32>, vector<16xi1>
      %all_reduce_population_count3A_279 = tpu.all_reduce %and3A_264 {dim = 0 : i64, kind = #tpu.reduction_kind<sum>} : vector<16xi1> -> vector<16xi32>
      %add3A_280 = arith.addi %while3A_226, %all_reduce_population_count3A_279 : vector<16xi32>
      %mul3A_281 = arith.constant 16 : i32
      %mul3A_282 = arith.muli %while3A_224, %mul3A_281 : i32
      %add3A_283 = arith.constant 16416 : i32
      %add3A_284 = arith.addi %mul3A_282, %add3A_283 : i32
      %get3A_285 = arith.index_cast %add3A_284 : i32 to index
      %get3A_286 = tpu.vector_load %arg5[%get3A_285] {strides = array<i32>} : memref<32832xf32, #tpu.memory_space<vmem>>, vector<16xf32>,
      %gt3A_287 = arith.cmpf ogt, %get3A_286, %broadcast_in_dim3A_29 : vector<16xf32>
      %lt3A_288 = arith.cmpi slt, %add3A_236, %broadcast_in_dim3A_98 : vector<16xi32>
      %and3A_289 = arith.andi %gt3A_287, %lt3A_288 : vector<16xi1>
      %select_n3A_290 = arith.select %and3A_289, %get3A_286, %broadcast_in_dim3A_3 : vector<16xi1>, vector<16xf32>
      %add3A_291 = arith.addf %while3A_231, %select_n3A_290 : vector<16xf32>
      %jit3A_292 = arith.constant 1 : i32
      %jit3A_293 = arith.constant 0 : i32
      %broadcast_in_dim3A_294 = vector.broadcast %jit3A_292 : i32 to vector<16xi32>
      %broadcast_in_dim3A_295 = vector.broadcast %jit3A_293 : i32 to vector<16xi32>
      %select_n3A_296 = arith.select %and3A_289, %broadcast_in_dim3A_294, %broadcast_in_dim3A_295 : vector<16xi1>, vector<16xi32>
      %broadcast_in_dim3A_297 = arith.constant true
      %broadcast_in_dim3A_298 = vector.broadcast %broadcast_in_dim3A_297 : i1 to vector<16xi1>
      %masked_cumsum3A_299 = tpu.scan <sum>, %select_n3A_296 masked %broadcast_in_dim3A_298 : vector<16xi32>, vector<16xi1> -> vector<16xi32>
      %add3A_300 = arith.addi %while3A_227, %masked_cumsum3A_299 : vector<16xi32>
      %sub3A_301 = arith.constant 1 : i32
      %sub3A_302 = vector.broadcast %sub3A_301 : i32 to vector<16xi32>
      %sub3A_303 = arith.subi %add3A_300, %sub3A_302 : vector<16xi32>
      tpu.vector_store_idx %arg6[%sub3A_303], %get3A_286 masked %and3A_289 : memref<32832xf32, #tpu.memory_space<vmem>>[vector<16xi32>], vector<16xf32>, vector<16xi1>
      %all_reduce_population_count3A_304 = tpu.all_reduce %and3A_289 {dim = 0 : i64, kind = #tpu.reduction_kind<sum>} : vector<16xi1> -> vector<16xi32>
      %add3A_305 = arith.addi %while3A_227, %all_reduce_population_count3A_304 : vector<16xi32>
      %mul3A_306 = arith.constant 16 : i32
      %mul3A_307 = arith.muli %while3A_224, %mul3A_306 : i32
      %add3A_308 = arith.constant 24624 : i32
      %add3A_309 = arith.addi %mul3A_307, %add3A_308 : i32
      %get3A_310 = arith.index_cast %add3A_309 : i32 to index
      %get3A_311 = tpu.vector_load %arg5[%get3A_310] {strides = array<i32>} : memref<32832xf32, #tpu.memory_space<vmem>>, vector<16xf32>,
      %gt3A_312 = arith.cmpf ogt, %get3A_311, %broadcast_in_dim3A_36 : vector<16xf32>
      %lt3A_313 = arith.cmpi slt, %add3A_236, %broadcast_in_dim3A_99 : vector<16xi32>
      %and3A_314 = arith.andi %gt3A_312, %lt3A_313 : vector<16xi1>
      %select_n3A_315 = arith.select %and3A_314, %get3A_311, %broadcast_in_dim3A_3 : vector<16xi1>, vector<16xf32>
      %add3A_316 = arith.addf %while3A_232, %select_n3A_315 : vector<16xf32>
      %jit3A_317 = arith.constant 1 : i32
      %jit3A_318 = arith.constant 0 : i32
      %broadcast_in_dim3A_319 = vector.broadcast %jit3A_317 : i32 to vector<16xi32>
      %broadcast_in_dim3A_320 = vector.broadcast %jit3A_318 : i32 to vector<16xi32>
      %select_n3A_321 = arith.select %and3A_314, %broadcast_in_dim3A_319, %broadcast_in_dim3A_320 : vector<16xi1>, vector<16xi32>
      %broadcast_in_dim3A_322 = arith.constant true
      %broadcast_in_dim3A_323 = vector.broadcast %broadcast_in_dim3A_322 : i1 to vector<16xi1>
      %masked_cumsum3A_324 = tpu.scan <sum>, %select_n3A_321 masked %broadcast_in_dim3A_323 : vector<16xi32>, vector<16xi1> -> vector<16xi32>
      %add3A_325 = arith.addi %while3A_228, %masked_cumsum3A_324 : vector<16xi32>
      %sub3A_326 = arith.constant 1 : i32
      %sub3A_327 = vector.broadcast %sub3A_326 : i32 to vector<16xi32>
      %sub3A_328 = arith.subi %add3A_325, %sub3A_327 : vector<16xi32>
      tpu.vector_store_idx %arg6[%sub3A_328], %get3A_311 masked %and3A_314 : memref<32832xf32, #tpu.memory_space<vmem>>[vector<16xi32>], vector<16xf32>, vector<16xi1>
      %all_reduce_population_count3A_329 = tpu.all_reduce %and3A_314 {dim = 0 : i64, kind = #tpu.reduction_kind<sum>} : vector<16xi1> -> vector<16xi32>
      %add3A_330 = arith.addi %while3A_228, %all_reduce_population_count3A_329 : vector<16xi32>
      scf.yield %add3A_255, %add3A_280, %add3A_305, %add3A_330, %add3A_244, %add3A_266, %add3A_291, %add3A_316 : vector<16xi32>, vector<16xi32>, vector<16xi32>, vector<16xi32>, vector<16xf32>, vector<16xf32>, vector<16xf32>, vector<16xf32>
    }
    %reduce_max3A_118 = arith.constant true
    %reduce_max3A_119 = vector.broadcast %reduce_max3A_118 : i1 to vector<16xi1>
    %reduce_max3A_120 = arith.constant -2147483648 : i32
    %reduce_max3A_121 = vector.broadcast %reduce_max3A_120 : i32 to vector<16xi32>
    %reduce_max3A_122 = arith.xori %while3A_117#0, %reduce_max3A_121 : vector<16xi32>
    %reduce_max3A_123 = tpu.scan <max>, %reduce_max3A_122 masked %reduce_max3A_119 : vector<16xi32>, vector<16xi1> -> vector<16xi32>
    %reduce_max3A_124 = arith.xori %reduce_max3A_123, %reduce_max3A_121 : vector<16xi32>
    %reduce_max3A_125 = vector.extract %reduce_max3A_124[15] : i32 from vector<16xi32>
    %sub3A_126 = arith.constant 0 : i32
    %sub3A_127 = arith.subi %reduce_max3A_125, %sub3A_126 : i32
    %reduce_max3A_128 = arith.constant true
    %reduce_max3A_129 = vector.broadcast %reduce_max3A_128 : i1 to vector<16xi1>
    %reduce_max3A_130 = arith.constant -2147483648 : i32
    %reduce_max3A_131 = vector.broadcast %reduce_max3A_130 : i32 to vector<16xi32>
    %reduce_max3A_132 = arith.xori %while3A_117#1, %reduce_max3A_131 : vector<16xi32>
    %reduce_max3A_133 = tpu.scan <max>, %reduce_max3A_132 masked %reduce_max3A_129 : vector<16xi32>, vector<16xi1> -> vector<16xi32>
    %reduce_max3A_134 = arith.xori %reduce_max3A_133, %reduce_max3A_131 : vector<16xi32>
    %reduce_max3A_135 = vector.extract %reduce_max3A_134[15] : i32 from vector<16xi32>
    %sub3A_136 = arith.constant 8208 : i32
    %sub3A_137 = arith.subi %reduce_max3A_135, %sub3A_136 : i32
    %reduce_max3A_138 = arith.constant true
    %reduce_max3A_139 = vector.broadcast %reduce_max3A_138 : i1 to vector<16xi1>
    %reduce_max3A_140 = arith.constant -2147483648 : i32
    %reduce_max3A_141 = vector.broadcast %reduce_max3A_140 : i32 to vector<16xi32>
    %reduce_max3A_142 = arith.xori %while3A_117#2, %reduce_max3A_141 : vector<16xi32>
    %reduce_max3A_143 = tpu.scan <max>, %reduce_max3A_142 masked %reduce_max3A_139 : vector<16xi32>, vector<16xi1> -> vector<16xi32>
    %reduce_max3A_144 = arith.xori %reduce_max3A_143, %reduce_max3A_141 : vector<16xi32>
    %reduce_max3A_145 = vector.extract %reduce_max3A_144[15] : i32 from vector<16xi32>
    %sub3A_146 = arith.constant 16416 : i32
    %sub3A_147 = arith.subi %reduce_max3A_145, %sub3A_146 : i32
    %reduce_max3A_148 = arith.constant true
    %reduce_max3A_149 = vector.broadcast %reduce_max3A_148 : i1 to vector<16xi1>
    %reduce_max3A_150 = arith.constant -2147483648 : i32
    %reduce_max3A_151 = vector.broadcast %reduce_max3A_150 : i32 to vector<16xi32>
    %reduce_max3A_152 = arith.xori %while3A_117#3, %reduce_max3A_151 : vector<16xi32>
    %reduce_max3A_153 = tpu.scan <max>, %reduce_max3A_152 masked %reduce_max3A_149 : vector<16xi32>, vector<16xi1> -> vector<16xi32>
    %reduce_max3A_154 = arith.xori %reduce_max3A_153, %reduce_max3A_151 : vector<16xi32>
    %reduce_max3A_155 = vector.extract %reduce_max3A_154[15] : i32 from vector<16xi32>
    %sub3A_156 = arith.constant 24624 : i32
    %sub3A_157 = arith.subi %reduce_max3A_155, %sub3A_156 : i32
    %reduce_sum3A = arith.constant true
    %reduce_sum3A_158 = vector.broadcast %reduce_sum3A : i1 to vector<16xi1>
    %reduce_sum3A_159 = tpu.scan <sum>, %while3A_117#4 masked %reduce_sum3A_158 : vector<16xf32>, vector<16xi1> -> vector<16xf32>
    %reduce_sum3A_160 = vector.extract %reduce_sum3A_159[15] : f32 from vector<16xf32>
    %broadcast_in_dim3A_161 = vector.broadcast %reduce_sum3A_160 : f32 to vector<16xf32>
    %sub3A_162 = arith.constant 1.000000e+00 : f32
    %sub3A_163 = vector.broadcast %sub3A_162 : f32 to vector<16xf32>
    %sub3A_164 = arith.subf %broadcast_in_dim3A_161, %sub3A_163 : vector<16xf32>
    %convert_element_type3A = arith.sitofp %sub3A_127 : i32 to f32
    %broadcast_in_dim3A_165 = vector.broadcast %convert_element_type3A : f32 to vector<16xf32>
    %div3A = arith.divf %sub3A_164, %broadcast_in_dim3A_165 : vector<16xf32>
    %reduce_sum3A_166 = arith.constant true
    %reduce_sum3A_167 = vector.broadcast %reduce_sum3A_166 : i1 to vector<16xi1>
    %reduce_sum3A_168 = tpu.scan <sum>, %while3A_117#5 masked %reduce_sum3A_167 : vector<16xf32>, vector<16xi1> -> vector<16xf32>
    %reduce_sum3A_169 = vector.extract %reduce_sum3A_168[15] : f32 from vector<16xf32>
    %broadcast_in_dim3A_170 = vector.broadcast %reduce_sum3A_169 : f32 to vector<16xf32>
    %sub3A_171 = arith.constant 1.000000e+00 : f32
    %sub3A_172 = vector.broadcast %sub3A_171 : f32 to vector<16xf32>
    %sub3A_173 = arith.subf %broadcast_in_dim3A_170, %sub3A_172 : vector<16xf32>
    %convert_element_type3A_174 = arith.sitofp %sub3A_137 : i32 to f32
    %broadcast_in_dim3A_175 = vector.broadcast %convert_element_type3A_174 : f32 to vector<16xf32>
    %div3A_176 = arith.divf %sub3A_173, %broadcast_in_dim3A_175 : vector<16xf32>
    %reduce_sum3A_177 = arith.constant true
    %reduce_sum3A_178 = vector.broadcast %reduce_sum3A_177 : i1 to vector<16xi1>
    %reduce_sum3A_179 = tpu.scan <sum>, %while3A_117#6 masked %reduce_sum3A_178 : vector<16xf32>, vector<16xi1> -> vector<16xf32>
    %reduce_sum3A_180 = vector.extract %reduce_sum3A_179[15] : f32 from vector<16xf32>
    %broadcast_in_dim3A_181 = vector.broadcast %reduce_sum3A_180 : f32 to vector<16xf32>
    %sub3A_182 = arith.constant 1.000000e+00 : f32
    %sub3A_183 = vector.broadcast %sub3A_182 : f32 to vector<16xf32>
    %sub3A_184 = arith.subf %broadcast_in_dim3A_181, %sub3A_183 : vector<16xf32>
    %convert_element_type3A_185 = arith.sitofp %sub3A_147 : i32 to f32
    %broadcast_in_dim3A_186 = vector.broadcast %convert_element_type3A_185 : f32 to vector<16xf32>
    %div3A_187 = arith.divf %sub3A_184, %broadcast_in_dim3A_186 : vector<16xf32>
    %reduce_sum3A_188 = arith.constant true
    %reduce_sum3A_189 = vector.broadcast %reduce_sum3A_188 : i1 to vector<16xi1>
    %reduce_sum3A_190 = tpu.scan <sum>, %while3A_117#7 masked %reduce_sum3A_189 : vector<16xf32>, vector<16xi1> -> vector<16xf32>
    %reduce_sum3A_191 = vector.extract %reduce_sum3A_190[15] : f32 from vector<16xf32>
    %broadcast_in_dim3A_192 = vector.broadcast %reduce_sum3A_191 : f32 to vector<16xf32>
    %sub3A_193 = arith.constant 1.000000e+00 : f32
    %sub3A_194 = vector.broadcast %sub3A_193 : f32 to vector<16xf32>
    %sub3A_195 = arith.subf %broadcast_in_dim3A_192, %sub3A_194 : vector<16xf32>
    %convert_element_type3A_196 = arith.sitofp %sub3A_157 : i32 to f32
    %broadcast_in_dim3A_197 = vector.broadcast %convert_element_type3A_196 : f32 to vector<16xf32>
    %div3A_198 = arith.divf %sub3A_195, %broadcast_in_dim3A_197 : vector<16xf32>
    %get3A = arith.constant 0 : index
    %get3A_199 = tpu.vector_load %arg6[%get3A] {strides = array<i32>} : memref<32832xf32, #tpu.memory_space<vmem>>, vector<16xf32>,
    %get3A_200 = arith.constant 8208 : index
    %get3A_201 = tpu.vector_load %arg6[%get3A_200] {strides = array<i32>} : memref<32832xf32, #tpu.memory_space<vmem>>, vector<16xf32>,
    %get3A_202 = arith.constant 16416 : index
    %get3A_203 = tpu.vector_load %arg6[%get3A_202] {strides = array<i32>} : memref<32832xf32, #tpu.memory_space<vmem>>, vector<16xf32>,
    %get3A_204 = arith.constant 24624 : index
    %get3A_205 = tpu.vector_load %arg6[%get3A_204] {strides = array<i32>} : memref<32832xf32, #tpu.memory_space<vmem>>, vector<16xf32>,
    %le3A = arith.constant 16 : i32
    %le3A_206 = arith.cmpi sle, %sub3A_127, %le3A : i32
    %le3A_207 = arith.constant 16 : i32
    %le3A_208 = arith.cmpi sle, %sub3A_137, %le3A_207 : i32
    %and3A = arith.andi %le3A_206, %le3A_208 : i1
    %le3A_209 = arith.constant 16 : i32
    %le3A_210 = arith.cmpi sle, %sub3A_147, %le3A_209 : i32
    %and3A_211 = arith.andi %and3A, %le3A_210 : i1
    %le3A_212 = arith.constant 16 : i32
    %le3A_213 = arith.cmpi sle, %sub3A_157, %le3A_212 : i32
    %and3A_214 = arith.andi %and3A_211, %le3A_213 : i1
    %convert_element_type3A_215 = arith.extui %and3A_214 : i1 to i32
    %cond3A = arith.constant 0 : i32
    %cond3A_216 = arith.cmpi ne, %convert_element_type3A_215, %cond3A : i32
    %cond3A_217:4 = scf.if %cond3A_216 -> (vector<16xf32>, vector<16xf32>, vector<16xf32>, vector<16xf32>) {
      %broadcast_in_dim3A_224 = vector.broadcast %sub3A_127 : i32 to vector<16xi32>
      %lt3A = arith.cmpi slt, %iota3A, %broadcast_in_dim3A_224 : vector<16xi32>
      %scan3A_225 = arith.constant 0 : i32
      %scan3A_226 = arith.constant 16 : i32
      %scan3A_227 = arith.addi %scan3A_225, %scan3A_226 : i32
      %scan3A_228 = arith.constant 1 : i32
      %scan3A_229 = scf.for %scan3A_255 = %scan3A_225 to %scan3A_227 step %scan3A_228 iter_args(%scan3A_256 = %div3A) -> (vector<16xf32>)  : i32 {
        %gt3A = arith.cmpf ogt, %get3A_199, %scan3A_256 : vector<16xf32>
        %and3A_257 = arith.andi %gt3A, %lt3A : vector<16xi1>
        %select_n3A = arith.select %and3A_257, %get3A_199, %broadcast_in_dim3A_3 : vector<16xi1>, vector<16xf32>
        %reduce_sum3A_258 = arith.constant true
        %reduce_sum3A_259 = vector.broadcast %reduce_sum3A_258 : i1 to vector<16xi1>
        %reduce_sum3A_260 = tpu.scan <sum>, %select_n3A masked %reduce_sum3A_259 : vector<16xf32>, vector<16xi1> -> vector<16xf32>
        %reduce_sum3A_261 = vector.extract %reduce_sum3A_260[15] : f32 from vector<16xf32>
        %broadcast_in_dim3A_262 = vector.broadcast %reduce_sum3A_261 : f32 to vector<16xf32>
        %all_reduce_population_count3A = tpu.all_reduce %and3A_257 {dim = 0 : i64, kind = #tpu.reduction_kind<sum>} : vector<16xi1> -> vector<16xi32>
        %convert_element_type3A_263 = arith.sitofp %all_reduce_population_count3A : vector<16xi32> to vector<16xf32>
        %sub3A_264 = arith.constant 1.000000e+00 : f32
        %sub3A_265 = vector.broadcast %sub3A_264 : f32 to vector<16xf32>
        %sub3A_266 = arith.subf %broadcast_in_dim3A_262, %sub3A_265 : vector<16xf32>
        %div3A_267 = arith.divf %sub3A_266, %convert_element_type3A_263 : vector<16xf32>
        scf.yield %div3A_267 : vector<16xf32>
      }
      %scan3A_230 = arith.constant 16 : i32
      %broadcast_in_dim3A_231 = vector.broadcast %sub3A_137 : i32 to vector<16xi32>
      %lt3A_232 = arith.cmpi slt, %iota3A, %broadcast_in_dim3A_231 : vector<16xi32>
      %scan3A_233 = arith.constant 0 : i32
      %scan3A_234 = arith.constant 16 : i32
      %scan3A_235 = arith.addi %scan3A_233, %scan3A_234 : i32
      %scan3A_236 = arith.constant 1 : i32
      %scan3A_237 = scf.for %scan3A_255 = %scan3A_233 to %scan3A_235 step %scan3A_236 iter_args(%scan3A_256 = %div3A_176) -> (vector<16xf32>)  : i32 {
        %gt3A = arith.cmpf ogt, %get3A_201, %scan3A_256 : vector<16xf32>
        %and3A_257 = arith.andi %gt3A, %lt3A_232 : vector<16xi1>
        %select_n3A = arith.select %and3A_257, %get3A_201, %broadcast_in_dim3A_3 : vector<16xi1>, vector<16xf32>
        %reduce_sum3A_258 = arith.constant true
        %reduce_sum3A_259 = vector.broadcast %reduce_sum3A_258 : i1 to vector<16xi1>
        %reduce_sum3A_260 = tpu.scan <sum>, %select_n3A masked %reduce_sum3A_259 : vector<16xf32>, vector<16xi1> -> vector<16xf32>
        %reduce_sum3A_261 = vector.extract %reduce_sum3A_260[15] : f32 from vector<16xf32>
        %broadcast_in_dim3A_262 = vector.broadcast %reduce_sum3A_261 : f32 to vector<16xf32>
        %all_reduce_population_count3A = tpu.all_reduce %and3A_257 {dim = 0 : i64, kind = #tpu.reduction_kind<sum>} : vector<16xi1> -> vector<16xi32>
        %convert_element_type3A_263 = arith.sitofp %all_reduce_population_count3A : vector<16xi32> to vector<16xf32>
        %sub3A_264 = arith.constant 1.000000e+00 : f32
        %sub3A_265 = vector.broadcast %sub3A_264 : f32 to vector<16xf32>
        %sub3A_266 = arith.subf %broadcast_in_dim3A_262, %sub3A_265 : vector<16xf32>
        %div3A_267 = arith.divf %sub3A_266, %convert_element_type3A_263 : vector<16xf32>
        scf.yield %div3A_267 : vector<16xf32>
      }
      %scan3A_238 = arith.constant 16 : i32
      %broadcast_in_dim3A_239 = vector.broadcast %sub3A_147 : i32 to vector<16xi32>
      %lt3A_240 = arith.cmpi slt, %iota3A, %broadcast_in_dim3A_239 : vector<16xi32>
      %scan3A_241 = arith.constant 0 : i32
      %scan3A_242 = arith.constant 16 : i32
      %scan3A_243 = arith.addi %scan3A_241, %scan3A_242 : i32
      %scan3A_244 = arith.constant 1 : i32
      %scan3A_245 = scf.for %scan3A_255 = %scan3A_241 to %scan3A_243 step %scan3A_244 iter_args(%scan3A_256 = %div3A_187) -> (vector<16xf32>)  : i32 {
        %gt3A = arith.cmpf ogt, %get3A_203, %scan3A_256 : vector<16xf32>
        %and3A_257 = arith.andi %gt3A, %lt3A_240 : vector<16xi1>
        %select_n3A = arith.select %and3A_257, %get3A_203, %broadcast_in_dim3A_3 : vector<16xi1>, vector<16xf32>
        %reduce_sum3A_258 = arith.constant true
        %reduce_sum3A_259 = vector.broadcast %reduce_sum3A_258 : i1 to vector<16xi1>
        %reduce_sum3A_260 = tpu.scan <sum>, %select_n3A masked %reduce_sum3A_259 : vector<16xf32>, vector<16xi1> -> vector<16xf32>
        %reduce_sum3A_261 = vector.extract %reduce_sum3A_260[15] : f32 from vector<16xf32>
        %broadcast_in_dim3A_262 = vector.broadcast %reduce_sum3A_261 : f32 to vector<16xf32>
        %all_reduce_population_count3A = tpu.all_reduce %and3A_257 {dim = 0 : i64, kind = #tpu.reduction_kind<sum>} : vector<16xi1> -> vector<16xi32>
        %convert_element_type3A_263 = arith.sitofp %all_reduce_population_count3A : vector<16xi32> to vector<16xf32>
        %sub3A_264 = arith.constant 1.000000e+00 : f32
        %sub3A_265 = vector.broadcast %sub3A_264 : f32 to vector<16xf32>
        %sub3A_266 = arith.subf %broadcast_in_dim3A_262, %sub3A_265 : vector<16xf32>
        %div3A_267 = arith.divf %sub3A_266, %convert_element_type3A_263 : vector<16xf32>
        scf.yield %div3A_267 : vector<16xf32>
      }
      %scan3A_246 = arith.constant 16 : i32
      %broadcast_in_dim3A_247 = vector.broadcast %sub3A_157 : i32 to vector<16xi32>
      %lt3A_248 = arith.cmpi slt, %iota3A, %broadcast_in_dim3A_247 : vector<16xi32>
      %scan3A_249 = arith.constant 0 : i32
      %scan3A_250 = arith.constant 16 : i32
      %scan3A_251 = arith.addi %scan3A_249, %scan3A_250 : i32
      %scan3A_252 = arith.constant 1 : i32
      %scan3A_253 = scf.for %scan3A_255 = %scan3A_249 to %scan3A_251 step %scan3A_252 iter_args(%scan3A_256 = %div3A_198) -> (vector<16xf32>)  : i32 {
        %gt3A = arith.cmpf ogt, %get3A_205, %scan3A_256 : vector<16xf32>
        %and3A_257 = arith.andi %gt3A, %lt3A_248 : vector<16xi1>
        %select_n3A = arith.select %and3A_257, %get3A_205, %broadcast_in_dim3A_3 : vector<16xi1>, vector<16xf32>
        %reduce_sum3A_258 = arith.constant true
        %reduce_sum3A_259 = vector.broadcast %reduce_sum3A_258 : i1 to vector<16xi1>
        %reduce_sum3A_260 = tpu.scan <sum>, %select_n3A masked %reduce_sum3A_259 : vector<16xf32>, vector<16xi1> -> vector<16xf32>
        %reduce_sum3A_261 = vector.extract %reduce_sum3A_260[15] : f32 from vector<16xf32>
        %broadcast_in_dim3A_262 = vector.broadcast %reduce_sum3A_261 : f32 to vector<16xf32>
        %all_reduce_population_count3A = tpu.all_reduce %and3A_257 {dim = 0 : i64, kind = #tpu.reduction_kind<sum>} : vector<16xi1> -> vector<16xi32>
        %convert_element_type3A_263 = arith.sitofp %all_reduce_population_count3A : vector<16xi32> to vector<16xf32>
        %sub3A_264 = arith.constant 1.000000e+00 : f32
        %sub3A_265 = vector.broadcast %sub3A_264 : f32 to vector<16xf32>
        %sub3A_266 = arith.subf %broadcast_in_dim3A_262, %sub3A_265 : vector<16xf32>
        %div3A_267 = arith.divf %sub3A_266, %convert_element_type3A_263 : vector<16xf32>
        scf.yield %div3A_267 : vector<16xf32>
      }
      %scan3A_254 = arith.constant 16 : i32
      scf.yield %scan3A_229, %scan3A_237, %scan3A_245, %scan3A_253 : vector<16xf32>, vector<16xf32>, vector<16xf32>, vector<16xf32>
    } else {
      %while3A_224 = arith.constant 0 : i32
      %while3A_225 = arith.constant false
      %while3A_226:10 = scf.while (%while3A_227 = %while3A_224, %while3A_228 = %while3A_225, %while3A_229 = %div3A, %while3A_230 = %div3A_176, %while3A_231 = %div3A_187, %while3A_232 = %div3A_198, %while3A_233 = %sub3A_127, %while3A_234 = %sub3A_137, %while3A_235 = %sub3A_147, %while3A_236 = %sub3A_157) : (i32, i1, vector<16xf32>, vector<16xf32>, vector<16xf32>, vector<16xf32>, i32, i32, i32, i32) -> (i32, i1, vector<16xf32>, vector<16xf32>, vector<16xf32>, vector<16xf32>, i32, i32, i32, i32) {
        %lt3A = arith.constant 16 : i32
        %lt3A_237 = arith.cmpi slt, %while3A_227, %lt3A : i32
        %not3A = arith.constant true
        %not3A_238 = arith.xori %while3A_228, %not3A : i1
        %and3A_239 = arith.andi %lt3A_237, %not3A_238 : i1
        scf.condition(%and3A_239) %while3A_227, %while3A_228, %while3A_229, %while3A_230, %while3A_231, %while3A_232, %while3A_233, %while3A_234, %while3A_235, %while3A_236 : i32, i1, vector<16xf32>, vector<16xf32>, vector<16xf32>, vector<16xf32>, i32, i32, i32, i32
      } do {
      ^bb0(%while3A_227: i32, %while3A_228: i1, %while3A_229: vector<16xf32>, %while3A_230: vector<16xf32>, %while3A_231: vector<16xf32>, %while3A_232: vector<16xf32>, %while3A_233: i32, %while3A_234: i32, %while3A_235: i32, %while3A_236: i32):
        %max3A_237 = arith.maxsi %while3A_233, %while3A_234 : i32
        %max3A_238 = arith.maxsi %max3A_237, %while3A_235 : i32
        %max3A_239 = arith.maxsi %max3A_238, %while3A_236 : i32
        %add3A_240 = arith.constant 15 : i32
        %add3A_241 = arith.addi %max3A_239, %add3A_240 : i32
        %shift_right_logical3A_242 = arith.constant 4 : i32
        %shift_right_logical3A_243 = arith.shrui %add3A_241, %shift_right_logical3A_242 : i32
        %broadcast_in_dim3A_244 = vector.broadcast %while3A_233 : i32 to vector<16xi32>
        %broadcast_in_dim3A_245 = vector.broadcast %while3A_234 : i32 to vector<16xi32>
        %broadcast_in_dim3A_246 = vector.broadcast %while3A_235 : i32 to vector<16xi32>
        %broadcast_in_dim3A_247 = vector.broadcast %while3A_236 : i32 to vector<16xi32>
        %broadcast_in_dim3A_248 = arith.constant 0 : i32
        %broadcast_in_dim3A_249 = vector.broadcast %broadcast_in_dim3A_248 : i32 to vector<16xi32>
        %broadcast_in_dim3A_250 = arith.constant 8208 : i32
        %broadcast_in_dim3A_251 = vector.broadcast %broadcast_in_dim3A_250 : i32 to vector<16xi32>
        %broadcast_in_dim3A_252 = arith.constant 16416 : i32
        %broadcast_in_dim3A_253 = vector.broadcast %broadcast_in_dim3A_252 : i32 to vector<16xi32>
        %broadcast_in_dim3A_254 = arith.constant 24624 : i32
        %broadcast_in_dim3A_255 = vector.broadcast %broadcast_in_dim3A_254 : i32 to vector<16xi32>
        %while3A_256 = arith.constant 0 : i32
        %while3A_257 = arith.subi %shift_right_logical3A_243, %while3A_256 : i32
        %while3A_258 = arith.addi %while3A_256, %while3A_257 : i32
        %while3A_259 = arith.constant 1 : i32
        %while3A_260 = arith.divsi %while3A_257, %while3A_259 : i32
        %while3A_261 = arith.muli %while3A_260, %while3A_259 : i32
        %while3A_262 = arith.addi %while3A_256, %while3A_261 : i32
        %while3A_263 = arith.constant 1 : i32
        %while3A_264:8 = scf.for %while3A_518 = %while3A_256 to %while3A_262 step %while3A_263 iter_args(%while3A_519 = %broadcast_in_dim3A_249, %while3A_520 = %broadcast_in_dim3A_251, %while3A_521 = %broadcast_in_dim3A_253, %while3A_522 = %broadcast_in_dim3A_255, %while3A_523 = %broadcast_in_dim3A_3, %while3A_524 = %broadcast_in_dim3A_3, %while3A_525 = %broadcast_in_dim3A_3, %while3A_526 = %broadcast_in_dim3A_3) -> (vector<16xi32>, vector<16xi32>, vector<16xi32>, vector<16xi32>, vector<16xf32>, vector<16xf32>, vector<16xf32>, vector<16xf32>)  : i32 {
          %mul3A_527 = arith.constant 16 : i32
          %mul3A_528 = arith.muli %while3A_518, %mul3A_527 : i32
          %add3A_529 = vector.broadcast %mul3A_528 : i32 to vector<16xi32>
          %add3A_530 = arith.addi %iota3A, %add3A_529 : vector<16xi32>
          %mul3A_531 = arith.constant 16 : i32
          %mul3A_532 = arith.muli %while3A_518, %mul3A_531 : i32
          %add3A_533 = arith.constant 0 : i32
          %add3A_534 = arith.addi %mul3A_532, %add3A_533 : i32
          %get3A_535 = arith.index_cast %add3A_534 : i32 to index
          %get3A_536 = tpu.vector_load %arg6[%get3A_535] {strides = array<i32>} : memref<32832xf32, #tpu.memory_space<vmem>>, vector<16xf32>,
          %gt3A = arith.cmpf ogt, %get3A_536, %while3A_229 : vector<16xf32>
          %lt3A = arith.cmpi slt, %add3A_530, %broadcast_in_dim3A_244 : vector<16xi32>
          %and3A_537 = arith.andi %gt3A, %lt3A : vector<16xi1>
          %select_n3A = arith.select %and3A_537, %get3A_536, %broadcast_in_dim3A_3 : vector<16xi1>, vector<16xf32>
          %add3A_538 = arith.addf %while3A_523, %select_n3A : vector<16xf32>
          %jit3A = arith.constant 1 : i32
          %jit3A_539 = arith.constant 0 : i32
          %broadcast_in_dim3A_540 = vector.broadcast %jit3A : i32 to vector<16xi32>
          %broadcast_in_dim3A_541 = vector.broadcast %jit3A_539 : i32 to vector<16xi32>
          %select_n3A_542 = arith.select %and3A_537, %broadcast_in_dim3A_540, %broadcast_in_dim3A_541 : vector<16xi1>, vector<16xi32>
          %broadcast_in_dim3A_543 = arith.constant true
          %broadcast_in_dim3A_544 = vector.broadcast %broadcast_in_dim3A_543 : i1 to vector<16xi1>
          %masked_cumsum3A = tpu.scan <sum>, %select_n3A_542 masked %broadcast_in_dim3A_544 : vector<16xi32>, vector<16xi1> -> vector<16xi32>
          %add3A_545 = arith.addi %while3A_519, %masked_cumsum3A : vector<16xi32>
          %sub3A_546 = arith.constant 1 : i32
          %sub3A_547 = vector.broadcast %sub3A_546 : i32 to vector<16xi32>
          %sub3A_548 = arith.subi %add3A_545, %sub3A_547 : vector<16xi32>
          tpu.vector_store_idx %arg5[%sub3A_548], %get3A_536 masked %and3A_537 : memref<32832xf32, #tpu.memory_space<vmem>>[vector<16xi32>], vector<16xf32>, vector<16xi1>
          %all_reduce_population_count3A = tpu.all_reduce %and3A_537 {dim = 0 : i64, kind = #tpu.reduction_kind<sum>} : vector<16xi1> -> vector<16xi32>
          %add3A_549 = arith.addi %while3A_519, %all_reduce_population_count3A : vector<16xi32>
          %mul3A_550 = arith.constant 16 : i32
          %mul3A_551 = arith.muli %while3A_518, %mul3A_550 : i32
          %add3A_552 = arith.constant 8208 : i32
          %add3A_553 = arith.addi %mul3A_551, %add3A_552 : i32
          %get3A_554 = arith.index_cast %add3A_553 : i32 to index
          %get3A_555 = tpu.vector_load %arg6[%get3A_554] {strides = array<i32>} : memref<32832xf32, #tpu.memory_space<vmem>>, vector<16xf32>,
          %gt3A_556 = arith.cmpf ogt, %get3A_555, %while3A_230 : vector<16xf32>
          %lt3A_557 = arith.cmpi slt, %add3A_530, %broadcast_in_dim3A_245 : vector<16xi32>
          %and3A_558 = arith.andi %gt3A_556, %lt3A_557 : vector<16xi1>
          %select_n3A_559 = arith.select %and3A_558, %get3A_555, %broadcast_in_dim3A_3 : vector<16xi1>, vector<16xf32>
          %add3A_560 = arith.addf %while3A_524, %select_n3A_559 : vector<16xf32>
          %jit3A_561 = arith.constant 1 : i32
          %jit3A_562 = arith.constant 0 : i32
          %broadcast_in_dim3A_563 = vector.broadcast %jit3A_561 : i32 to vector<16xi32>
          %broadcast_in_dim3A_564 = vector.broadcast %jit3A_562 : i32 to vector<16xi32>
          %select_n3A_565 = arith.select %and3A_558, %broadcast_in_dim3A_563, %broadcast_in_dim3A_564 : vector<16xi1>, vector<16xi32>
          %broadcast_in_dim3A_566 = arith.constant true
          %broadcast_in_dim3A_567 = vector.broadcast %broadcast_in_dim3A_566 : i1 to vector<16xi1>
          %masked_cumsum3A_568 = tpu.scan <sum>, %select_n3A_565 masked %broadcast_in_dim3A_567 : vector<16xi32>, vector<16xi1> -> vector<16xi32>
          %add3A_569 = arith.addi %while3A_520, %masked_cumsum3A_568 : vector<16xi32>
          %sub3A_570 = arith.constant 1 : i32
          %sub3A_571 = vector.broadcast %sub3A_570 : i32 to vector<16xi32>
          %sub3A_572 = arith.subi %add3A_569, %sub3A_571 : vector<16xi32>
          tpu.vector_store_idx %arg5[%sub3A_572], %get3A_555 masked %and3A_558 : memref<32832xf32, #tpu.memory_space<vmem>>[vector<16xi32>], vector<16xf32>, vector<16xi1>
          %all_reduce_population_count3A_573 = tpu.all_reduce %and3A_558 {dim = 0 : i64, kind = #tpu.reduction_kind<sum>} : vector<16xi1> -> vector<16xi32>
          %add3A_574 = arith.addi %while3A_520, %all_reduce_population_count3A_573 : vector<16xi32>
          %mul3A_575 = arith.constant 16 : i32
          %mul3A_576 = arith.muli %while3A_518, %mul3A_575 : i32
          %add3A_577 = arith.constant 16416 : i32
          %add3A_578 = arith.addi %mul3A_576, %add3A_577 : i32
          %get3A_579 = arith.index_cast %add3A_578 : i32 to index
          %get3A_580 = tpu.vector_load %arg6[%get3A_579] {strides = array<i32>} : memref<32832xf32, #tpu.memory_space<vmem>>, vector<16xf32>,
          %gt3A_581 = arith.cmpf ogt, %get3A_580, %while3A_231 : vector<16xf32>
          %lt3A_582 = arith.cmpi slt, %add3A_530, %broadcast_in_dim3A_246 : vector<16xi32>
          %and3A_583 = arith.andi %gt3A_581, %lt3A_582 : vector<16xi1>
          %select_n3A_584 = arith.select %and3A_583, %get3A_580, %broadcast_in_dim3A_3 : vector<16xi1>, vector<16xf32>
          %add3A_585 = arith.addf %while3A_525, %select_n3A_584 : vector<16xf32>
          %jit3A_586 = arith.constant 1 : i32
          %jit3A_587 = arith.constant 0 : i32
          %broadcast_in_dim3A_588 = vector.broadcast %jit3A_586 : i32 to vector<16xi32>
          %broadcast_in_dim3A_589 = vector.broadcast %jit3A_587 : i32 to vector<16xi32>
          %select_n3A_590 = arith.select %and3A_583, %broadcast_in_dim3A_588, %broadcast_in_dim3A_589 : vector<16xi1>, vector<16xi32>
          %broadcast_in_dim3A_591 = arith.constant true
          %broadcast_in_dim3A_592 = vector.broadcast %broadcast_in_dim3A_591 : i1 to vector<16xi1>
          %masked_cumsum3A_593 = tpu.scan <sum>, %select_n3A_590 masked %broadcast_in_dim3A_592 : vector<16xi32>, vector<16xi1> -> vector<16xi32>
          %add3A_594 = arith.addi %while3A_521, %masked_cumsum3A_593 : vector<16xi32>
          %sub3A_595 = arith.constant 1 : i32
          %sub3A_596 = vector.broadcast %sub3A_595 : i32 to vector<16xi32>
          %sub3A_597 = arith.subi %add3A_594, %sub3A_596 : vector<16xi32>
          tpu.vector_store_idx %arg5[%sub3A_597], %get3A_580 masked %and3A_583 : memref<32832xf32, #tpu.memory_space<vmem>>[vector<16xi32>], vector<16xf32>, vector<16xi1>
          %all_reduce_population_count3A_598 = tpu.all_reduce %and3A_583 {dim = 0 : i64, kind = #tpu.reduction_kind<sum>} : vector<16xi1> -> vector<16xi32>
          %add3A_599 = arith.addi %while3A_521, %all_reduce_population_count3A_598 : vector<16xi32>
          %mul3A_600 = arith.constant 16 : i32
          %mul3A_601 = arith.muli %while3A_518, %mul3A_600 : i32
          %add3A_602 = arith.constant 24624 : i32
          %add3A_603 = arith.addi %mul3A_601, %add3A_602 : i32
          %get3A_604 = arith.index_cast %add3A_603 : i32 to index
          %get3A_605 = tpu.vector_load %arg6[%get3A_604] {strides = array<i32>} : memref<32832xf32, #tpu.memory_space<vmem>>, vector<16xf32>,
          %gt3A_606 = arith.cmpf ogt, %get3A_605, %while3A_232 : vector<16xf32>
          %lt3A_607 = arith.cmpi slt, %add3A_530, %broadcast_in_dim3A_247 : vector<16xi32>
          %and3A_608 = arith.andi %gt3A_606, %lt3A_607 : vector<16xi1>
          %select_n3A_609 = arith.select %and3A_608, %get3A_605, %broadcast_in_dim3A_3 : vector<16xi1>, vector<16xf32>
          %add3A_610 = arith.addf %while3A_526, %select_n3A_609 : vector<16xf32>
          %jit3A_611 = arith.constant 1 : i32
          %jit3A_612 = arith.constant 0 : i32
          %broadcast_in_dim3A_613 = vector.broadcast %jit3A_611 : i32 to vector<16xi32>
          %broadcast_in_dim3A_614 = vector.broadcast %jit3A_612 : i32 to vector<16xi32>
          %select_n3A_615 = arith.select %and3A_608, %broadcast_in_dim3A_613, %broadcast_in_dim3A_614 : vector<16xi1>, vector<16xi32>
          %broadcast_in_dim3A_616 = arith.constant true
          %broadcast_in_dim3A_617 = vector.broadcast %broadcast_in_dim3A_616 : i1 to vector<16xi1>
          %masked_cumsum3A_618 = tpu.scan <sum>, %select_n3A_615 masked %broadcast_in_dim3A_617 : vector<16xi32>, vector<16xi1> -> vector<16xi32>
          %add3A_619 = arith.addi %while3A_522, %masked_cumsum3A_618 : vector<16xi32>
          %sub3A_620 = arith.constant 1 : i32
          %sub3A_621 = vector.broadcast %sub3A_620 : i32 to vector<16xi32>
          %sub3A_622 = arith.subi %add3A_619, %sub3A_621 : vector<16xi32>
          tpu.vector_store_idx %arg5[%sub3A_622], %get3A_605 masked %and3A_608 : memref<32832xf32, #tpu.memory_space<vmem>>[vector<16xi32>], vector<16xf32>, vector<16xi1>
          %all_reduce_population_count3A_623 = tpu.all_reduce %and3A_608 {dim = 0 : i64, kind = #tpu.reduction_kind<sum>} : vector<16xi1> -> vector<16xi32>
          %add3A_624 = arith.addi %while3A_522, %all_reduce_population_count3A_623 : vector<16xi32>
          scf.yield %add3A_549, %add3A_574, %add3A_599, %add3A_624, %add3A_538, %add3A_560, %add3A_585, %add3A_610 : vector<16xi32>, vector<16xi32>, vector<16xi32>, vector<16xi32>, vector<16xf32>, vector<16xf32>, vector<16xf32>, vector<16xf32>
        }
        %while3A_265 = arith.constant 1 : i32
        %while3A_266:8 = scf.for %while3A_518 = %while3A_262 to %while3A_258 step %while3A_265 iter_args(%while3A_519 = %while3A_264#0, %while3A_520 = %while3A_264#1, %while3A_521 = %while3A_264#2, %while3A_522 = %while3A_264#3, %while3A_523 = %while3A_264#4, %while3A_524 = %while3A_264#5, %while3A_525 = %while3A_264#6, %while3A_526 = %while3A_264#7) -> (vector<16xi32>, vector<16xi32>, vector<16xi32>, vector<16xi32>, vector<16xf32>, vector<16xf32>, vector<16xf32>, vector<16xf32>)  : i32 {
          %mul3A_527 = arith.constant 16 : i32
          %mul3A_528 = arith.muli %while3A_518, %mul3A_527 : i32
          %add3A_529 = vector.broadcast %mul3A_528 : i32 to vector<16xi32>
          %add3A_530 = arith.addi %iota3A, %add3A_529 : vector<16xi32>
          %mul3A_531 = arith.constant 16 : i32
          %mul3A_532 = arith.muli %while3A_518, %mul3A_531 : i32
          %add3A_533 = arith.constant 0 : i32
          %add3A_534 = arith.addi %mul3A_532, %add3A_533 : i32
          %get3A_535 = arith.index_cast %add3A_534 : i32 to index
          %get3A_536 = tpu.vector_load %arg6[%get3A_535] {strides = array<i32>} : memref<32832xf32, #tpu.memory_space<vmem>>, vector<16xf32>,
          %gt3A = arith.cmpf ogt, %get3A_536, %while3A_229 : vector<16xf32>
          %lt3A = arith.cmpi slt, %add3A_530, %broadcast_in_dim3A_244 : vector<16xi32>
          %and3A_537 = arith.andi %gt3A, %lt3A : vector<16xi1>
          %select_n3A = arith.select %and3A_537, %get3A_536, %broadcast_in_dim3A_3 : vector<16xi1>, vector<16xf32>
          %add3A_538 = arith.addf %while3A_523, %select_n3A : vector<16xf32>
          %jit3A = arith.constant 1 : i32
          %jit3A_539 = arith.constant 0 : i32
          %broadcast_in_dim3A_540 = vector.broadcast %jit3A : i32 to vector<16xi32>
          %broadcast_in_dim3A_541 = vector.broadcast %jit3A_539 : i32 to vector<16xi32>
          %select_n3A_542 = arith.select %and3A_537, %broadcast_in_dim3A_540, %broadcast_in_dim3A_541 : vector<16xi1>, vector<16xi32>
          %broadcast_in_dim3A_543 = arith.constant true
          %broadcast_in_dim3A_544 = vector.broadcast %broadcast_in_dim3A_543 : i1 to vector<16xi1>
          %masked_cumsum3A = tpu.scan <sum>, %select_n3A_542 masked %broadcast_in_dim3A_544 : vector<16xi32>, vector<16xi1> -> vector<16xi32>
          %add3A_545 = arith.addi %while3A_519, %masked_cumsum3A : vector<16xi32>
          %sub3A_546 = arith.constant 1 : i32
          %sub3A_547 = vector.broadcast %sub3A_546 : i32 to vector<16xi32>
          %sub3A_548 = arith.subi %add3A_545, %sub3A_547 : vector<16xi32>
          tpu.vector_store_idx %arg5[%sub3A_548], %get3A_536 masked %and3A_537 : memref<32832xf32, #tpu.memory_space<vmem>>[vector<16xi32>], vector<16xf32>, vector<16xi1>
          %all_reduce_population_count3A = tpu.all_reduce %and3A_537 {dim = 0 : i64, kind = #tpu.reduction_kind<sum>} : vector<16xi1> -> vector<16xi32>
          %add3A_549 = arith.addi %while3A_519, %all_reduce_population_count3A : vector<16xi32>
          %mul3A_550 = arith.constant 16 : i32
          %mul3A_551 = arith.muli %while3A_518, %mul3A_550 : i32
          %add3A_552 = arith.constant 8208 : i32
          %add3A_553 = arith.addi %mul3A_551, %add3A_552 : i32
          %get3A_554 = arith.index_cast %add3A_553 : i32 to index
          %get3A_555 = tpu.vector_load %arg6[%get3A_554] {strides = array<i32>} : memref<32832xf32, #tpu.memory_space<vmem>>, vector<16xf32>,
          %gt3A_556 = arith.cmpf ogt, %get3A_555, %while3A_230 : vector<16xf32>
          %lt3A_557 = arith.cmpi slt, %add3A_530, %broadcast_in_dim3A_245 : vector<16xi32>
          %and3A_558 = arith.andi %gt3A_556, %lt3A_557 : vector<16xi1>
          %select_n3A_559 = arith.select %and3A_558, %get3A_555, %broadcast_in_dim3A_3 : vector<16xi1>, vector<16xf32>
          %add3A_560 = arith.addf %while3A_524, %select_n3A_559 : vector<16xf32>
          %jit3A_561 = arith.constant 1 : i32
          %jit3A_562 = arith.constant 0 : i32
          %broadcast_in_dim3A_563 = vector.broadcast %jit3A_561 : i32 to vector<16xi32>
          %broadcast_in_dim3A_564 = vector.broadcast %jit3A_562 : i32 to vector<16xi32>
          %select_n3A_565 = arith.select %and3A_558, %broadcast_in_dim3A_563, %broadcast_in_dim3A_564 : vector<16xi1>, vector<16xi32>
          %broadcast_in_dim3A_566 = arith.constant true
          %broadcast_in_dim3A_567 = vector.broadcast %broadcast_in_dim3A_566 : i1 to vector<16xi1>
          %masked_cumsum3A_568 = tpu.scan <sum>, %select_n3A_565 masked %broadcast_in_dim3A_567 : vector<16xi32>, vector<16xi1> -> vector<16xi32>
          %add3A_569 = arith.addi %while3A_520, %masked_cumsum3A_568 : vector<16xi32>
          %sub3A_570 = arith.constant 1 : i32
          %sub3A_571 = vector.broadcast %sub3A_570 : i32 to vector<16xi32>
          %sub3A_572 = arith.subi %add3A_569, %sub3A_571 : vector<16xi32>
          tpu.vector_store_idx %arg5[%sub3A_572], %get3A_555 masked %and3A_558 : memref<32832xf32, #tpu.memory_space<vmem>>[vector<16xi32>], vector<16xf32>, vector<16xi1>
          %all_reduce_population_count3A_573 = tpu.all_reduce %and3A_558 {dim = 0 : i64, kind = #tpu.reduction_kind<sum>} : vector<16xi1> -> vector<16xi32>
          %add3A_574 = arith.addi %while3A_520, %all_reduce_population_count3A_573 : vector<16xi32>
          %mul3A_575 = arith.constant 16 : i32
          %mul3A_576 = arith.muli %while3A_518, %mul3A_575 : i32
          %add3A_577 = arith.constant 16416 : i32
          %add3A_578 = arith.addi %mul3A_576, %add3A_577 : i32
          %get3A_579 = arith.index_cast %add3A_578 : i32 to index
          %get3A_580 = tpu.vector_load %arg6[%get3A_579] {strides = array<i32>} : memref<32832xf32, #tpu.memory_space<vmem>>, vector<16xf32>,
          %gt3A_581 = arith.cmpf ogt, %get3A_580, %while3A_231 : vector<16xf32>
          %lt3A_582 = arith.cmpi slt, %add3A_530, %broadcast_in_dim3A_246 : vector<16xi32>
          %and3A_583 = arith.andi %gt3A_581, %lt3A_582 : vector<16xi1>
          %select_n3A_584 = arith.select %and3A_583, %get3A_580, %broadcast_in_dim3A_3 : vector<16xi1>, vector<16xf32>
          %add3A_585 = arith.addf %while3A_525, %select_n3A_584 : vector<16xf32>
          %jit3A_586 = arith.constant 1 : i32
          %jit3A_587 = arith.constant 0 : i32
          %broadcast_in_dim3A_588 = vector.broadcast %jit3A_586 : i32 to vector<16xi32>
          %broadcast_in_dim3A_589 = vector.broadcast %jit3A_587 : i32 to vector<16xi32>
          %select_n3A_590 = arith.select %and3A_583, %broadcast_in_dim3A_588, %broadcast_in_dim3A_589 : vector<16xi1>, vector<16xi32>
          %broadcast_in_dim3A_591 = arith.constant true
          %broadcast_in_dim3A_592 = vector.broadcast %broadcast_in_dim3A_591 : i1 to vector<16xi1>
          %masked_cumsum3A_593 = tpu.scan <sum>, %select_n3A_590 masked %broadcast_in_dim3A_592 : vector<16xi32>, vector<16xi1> -> vector<16xi32>
          %add3A_594 = arith.addi %while3A_521, %masked_cumsum3A_593 : vector<16xi32>
          %sub3A_595 = arith.constant 1 : i32
          %sub3A_596 = vector.broadcast %sub3A_595 : i32 to vector<16xi32>
          %sub3A_597 = arith.subi %add3A_594, %sub3A_596 : vector<16xi32>
          tpu.vector_store_idx %arg5[%sub3A_597], %get3A_580 masked %and3A_583 : memref<32832xf32, #tpu.memory_space<vmem>>[vector<16xi32>], vector<16xf32>, vector<16xi1>
          %all_reduce_population_count3A_598 = tpu.all_reduce %and3A_583 {dim = 0 : i64, kind = #tpu.reduction_kind<sum>} : vector<16xi1> -> vector<16xi32>
          %add3A_599 = arith.addi %while3A_521, %all_reduce_population_count3A_598 : vector<16xi32>
          %mul3A_600 = arith.constant 16 : i32
          %mul3A_601 = arith.muli %while3A_518, %mul3A_600 : i32
          %add3A_602 = arith.constant 24624 : i32
          %add3A_603 = arith.addi %mul3A_601, %add3A_602 : i32
          %get3A_604 = arith.index_cast %add3A_603 : i32 to index
          %get3A_605 = tpu.vector_load %arg6[%get3A_604] {strides = array<i32>} : memref<32832xf32, #tpu.memory_space<vmem>>, vector<16xf32>,
          %gt3A_606 = arith.cmpf ogt, %get3A_605, %while3A_232 : vector<16xf32>
          %lt3A_607 = arith.cmpi slt, %add3A_530, %broadcast_in_dim3A_247 : vector<16xi32>
          %and3A_608 = arith.andi %gt3A_606, %lt3A_607 : vector<16xi1>
          %select_n3A_609 = arith.select %and3A_608, %get3A_605, %broadcast_in_dim3A_3 : vector<16xi1>, vector<16xf32>
          %add3A_610 = arith.addf %while3A_526, %select_n3A_609 : vector<16xf32>
          %jit3A_611 = arith.constant 1 : i32
          %jit3A_612 = arith.constant 0 : i32
          %broadcast_in_dim3A_613 = vector.broadcast %jit3A_611 : i32 to vector<16xi32>
          %broadcast_in_dim3A_614 = vector.broadcast %jit3A_612 : i32 to vector<16xi32>
          %select_n3A_615 = arith.select %and3A_608, %broadcast_in_dim3A_613, %broadcast_in_dim3A_614 : vector<16xi1>, vector<16xi32>
          %broadcast_in_dim3A_616 = arith.constant true
          %broadcast_in_dim3A_617 = vector.broadcast %broadcast_in_dim3A_616 : i1 to vector<16xi1>
          %masked_cumsum3A_618 = tpu.scan <sum>, %select_n3A_615 masked %broadcast_in_dim3A_617 : vector<16xi32>, vector<16xi1> -> vector<16xi32>
          %add3A_619 = arith.addi %while3A_522, %masked_cumsum3A_618 : vector<16xi32>
          %sub3A_620 = arith.constant 1 : i32
          %sub3A_621 = vector.broadcast %sub3A_620 : i32 to vector<16xi32>
          %sub3A_622 = arith.subi %add3A_619, %sub3A_621 : vector<16xi32>
          tpu.vector_store_idx %arg5[%sub3A_622], %get3A_605 masked %and3A_608 : memref<32832xf32, #tpu.memory_space<vmem>>[vector<16xi32>], vector<16xf32>, vector<16xi1>
          %all_reduce_population_count3A_623 = tpu.all_reduce %and3A_608 {dim = 0 : i64, kind = #tpu.reduction_kind<sum>} : vector<16xi1> -> vector<16xi32>
          %add3A_624 = arith.addi %while3A_522, %all_reduce_population_count3A_623 : vector<16xi32>
          scf.yield %add3A_549, %add3A_574, %add3A_599, %add3A_624, %add3A_538, %add3A_560, %add3A_585, %add3A_610 : vector<16xi32>, vector<16xi32>, vector<16xi32>, vector<16xi32>, vector<16xf32>, vector<16xf32>, vector<16xf32>, vector<16xf32>
        }
        %reduce_max3A_267 = arith.constant true
        %reduce_max3A_268 = vector.broadcast %reduce_max3A_267 : i1 to vector<16xi1>
        %reduce_max3A_269 = arith.constant -2147483648 : i32
        %reduce_max3A_270 = vector.broadcast %reduce_max3A_269 : i32 to vector<16xi32>
        %reduce_max3A_271 = arith.xori %while3A_266#0, %reduce_max3A_270 : vector<16xi32>
        %reduce_max3A_272 = tpu.scan <max>, %reduce_max3A_271 masked %reduce_max3A_268 : vector<16xi32>, vector<16xi1> -> vector<16xi32>
        %reduce_max3A_273 = arith.xori %reduce_max3A_272, %reduce_max3A_270 : vector<16xi32>
        %reduce_max3A_274 = vector.extract %reduce_max3A_273[15] : i32 from vector<16xi32>
        %sub3A_275 = arith.constant 0 : i32
        %sub3A_276 = arith.subi %reduce_max3A_274, %sub3A_275 : i32
        %reduce_max3A_277 = arith.constant true
        %reduce_max3A_278 = vector.broadcast %reduce_max3A_277 : i1 to vector<16xi1>
        %reduce_max3A_279 = arith.constant -2147483648 : i32
        %reduce_max3A_280 = vector.broadcast %reduce_max3A_279 : i32 to vector<16xi32>
        %reduce_max3A_281 = arith.xori %while3A_266#1, %reduce_max3A_280 : vector<16xi32>
        %reduce_max3A_282 = tpu.scan <max>, %reduce_max3A_281 masked %reduce_max3A_278 : vector<16xi32>, vector<16xi1> -> vector<16xi32>
        %reduce_max3A_283 = arith.xori %reduce_max3A_282, %reduce_max3A_280 : vector<16xi32>
        %reduce_max3A_284 = vector.extract %reduce_max3A_283[15] : i32 from vector<16xi32>
        %sub3A_285 = arith.constant 8208 : i32
        %sub3A_286 = arith.subi %reduce_max3A_284, %sub3A_285 : i32
        %reduce_max3A_287 = arith.constant true
        %reduce_max3A_288 = vector.broadcast %reduce_max3A_287 : i1 to vector<16xi1>
        %reduce_max3A_289 = arith.constant -2147483648 : i32
        %reduce_max3A_290 = vector.broadcast %reduce_max3A_289 : i32 to vector<16xi32>
        %reduce_max3A_291 = arith.xori %while3A_266#2, %reduce_max3A_290 : vector<16xi32>
        %reduce_max3A_292 = tpu.scan <max>, %reduce_max3A_291 masked %reduce_max3A_288 : vector<16xi32>, vector<16xi1> -> vector<16xi32>
        %reduce_max3A_293 = arith.xori %reduce_max3A_292, %reduce_max3A_290 : vector<16xi32>
        %reduce_max3A_294 = vector.extract %reduce_max3A_293[15] : i32 from vector<16xi32>
        %sub3A_295 = arith.constant 16416 : i32
        %sub3A_296 = arith.subi %reduce_max3A_294, %sub3A_295 : i32
        %reduce_max3A_297 = arith.constant true
        %reduce_max3A_298 = vector.broadcast %reduce_max3A_297 : i1 to vector<16xi1>
        %reduce_max3A_299 = arith.constant -2147483648 : i32
        %reduce_max3A_300 = vector.broadcast %reduce_max3A_299 : i32 to vector<16xi32>
        %reduce_max3A_301 = arith.xori %while3A_266#3, %reduce_max3A_300 : vector<16xi32>
        %reduce_max3A_302 = tpu.scan <max>, %reduce_max3A_301 masked %reduce_max3A_298 : vector<16xi32>, vector<16xi1> -> vector<16xi32>
        %reduce_max3A_303 = arith.xori %reduce_max3A_302, %reduce_max3A_300 : vector<16xi32>
        %reduce_max3A_304 = vector.extract %reduce_max3A_303[15] : i32 from vector<16xi32>
        %sub3A_305 = arith.constant 24624 : i32
        %sub3A_306 = arith.subi %reduce_max3A_304, %sub3A_305 : i32
        %reduce_sum3A_307 = arith.constant true
        %reduce_sum3A_308 = vector.broadcast %reduce_sum3A_307 : i1 to vector<16xi1>
        %reduce_sum3A_309 = tpu.scan <sum>, %while3A_266#4 masked %reduce_sum3A_308 : vector<16xf32>, vector<16xi1> -> vector<16xf32>
        %reduce_sum3A_310 = vector.extract %reduce_sum3A_309[15] : f32 from vector<16xf32>
        %broadcast_in_dim3A_311 = vector.broadcast %reduce_sum3A_310 : f32 to vector<16xf32>
        %sub3A_312 = arith.constant 1.000000e+00 : f32
        %sub3A_313 = vector.broadcast %sub3A_312 : f32 to vector<16xf32>
        %sub3A_314 = arith.subf %broadcast_in_dim3A_311, %sub3A_313 : vector<16xf32>
        %convert_element_type3A_315 = arith.sitofp %sub3A_276 : i32 to f32
        %broadcast_in_dim3A_316 = vector.broadcast %convert_element_type3A_315 : f32 to vector<16xf32>
        %div3A_317 = arith.divf %sub3A_314, %broadcast_in_dim3A_316 : vector<16xf32>
        %reduce_sum3A_318 = arith.constant true
        %reduce_sum3A_319 = vector.broadcast %reduce_sum3A_318 : i1 to vector<16xi1>
        %reduce_sum3A_320 = tpu.scan <sum>, %while3A_266#5 masked %reduce_sum3A_319 : vector<16xf32>, vector<16xi1> -> vector<16xf32>
        %reduce_sum3A_321 = vector.extract %reduce_sum3A_320[15] : f32 from vector<16xf32>
        %broadcast_in_dim3A_322 = vector.broadcast %reduce_sum3A_321 : f32 to vector<16xf32>
        %sub3A_323 = arith.constant 1.000000e+00 : f32
        %sub3A_324 = vector.broadcast %sub3A_323 : f32 to vector<16xf32>
        %sub3A_325 = arith.subf %broadcast_in_dim3A_322, %sub3A_324 : vector<16xf32>
        %convert_element_type3A_326 = arith.sitofp %sub3A_286 : i32 to f32
        %broadcast_in_dim3A_327 = vector.broadcast %convert_element_type3A_326 : f32 to vector<16xf32>
        %div3A_328 = arith.divf %sub3A_325, %broadcast_in_dim3A_327 : vector<16xf32>
        %reduce_sum3A_329 = arith.constant true
        %reduce_sum3A_330 = vector.broadcast %reduce_sum3A_329 : i1 to vector<16xi1>
        %reduce_sum3A_331 = tpu.scan <sum>, %while3A_266#6 masked %reduce_sum3A_330 : vector<16xf32>, vector<16xi1> -> vector<16xf32>
        %reduce_sum3A_332 = vector.extract %reduce_sum3A_331[15] : f32 from vector<16xf32>
        %broadcast_in_dim3A_333 = vector.broadcast %reduce_sum3A_332 : f32 to vector<16xf32>
        %sub3A_334 = arith.constant 1.000000e+00 : f32
        %sub3A_335 = vector.broadcast %sub3A_334 : f32 to vector<16xf32>
        %sub3A_336 = arith.subf %broadcast_in_dim3A_333, %sub3A_335 : vector<16xf32>
        %convert_element_type3A_337 = arith.sitofp %sub3A_296 : i32 to f32
        %broadcast_in_dim3A_338 = vector.broadcast %convert_element_type3A_337 : f32 to vector<16xf32>
        %div3A_339 = arith.divf %sub3A_336, %broadcast_in_dim3A_338 : vector<16xf32>
        %reduce_sum3A_340 = arith.constant true
        %reduce_sum3A_341 = vector.broadcast %reduce_sum3A_340 : i1 to vector<16xi1>
        %reduce_sum3A_342 = tpu.scan <sum>, %while3A_266#7 masked %reduce_sum3A_341 : vector<16xf32>, vector<16xi1> -> vector<16xf32>
        %reduce_sum3A_343 = vector.extract %reduce_sum3A_342[15] : f32 from vector<16xf32>
        %broadcast_in_dim3A_344 = vector.broadcast %reduce_sum3A_343 : f32 to vector<16xf32>
        %sub3A_345 = arith.constant 1.000000e+00 : f32
        %sub3A_346 = vector.broadcast %sub3A_345 : f32 to vector<16xf32>
        %sub3A_347 = arith.subf %broadcast_in_dim3A_344, %sub3A_346 : vector<16xf32>
        %convert_element_type3A_348 = arith.sitofp %sub3A_306 : i32 to f32
        %broadcast_in_dim3A_349 = vector.broadcast %convert_element_type3A_348 : f32 to vector<16xf32>
        %div3A_350 = arith.divf %sub3A_347, %broadcast_in_dim3A_349 : vector<16xf32>
        %max3A_351 = arith.maxsi %sub3A_276, %sub3A_286 : i32
        %max3A_352 = arith.maxsi %max3A_351, %sub3A_296 : i32
        %max3A_353 = arith.maxsi %max3A_352, %sub3A_306 : i32
        %add3A_354 = arith.constant 15 : i32
        %add3A_355 = arith.addi %max3A_353, %add3A_354 : i32
        %shift_right_logical3A_356 = arith.constant 4 : i32
        %shift_right_logical3A_357 = arith.shrui %add3A_355, %shift_right_logical3A_356 : i32
        %broadcast_in_dim3A_358 = vector.broadcast %sub3A_276 : i32 to vector<16xi32>
        %broadcast_in_dim3A_359 = vector.broadcast %sub3A_286 : i32 to vector<16xi32>
        %broadcast_in_dim3A_360 = vector.broadcast %sub3A_296 : i32 to vector<16xi32>
        %broadcast_in_dim3A_361 = vector.broadcast %sub3A_306 : i32 to vector<16xi32>
        %broadcast_in_dim3A_362 = arith.constant 0 : i32
        %broadcast_in_dim3A_363 = vector.broadcast %broadcast_in_dim3A_362 : i32 to vector<16xi32>
        %broadcast_in_dim3A_364 = arith.constant 8208 : i32
        %broadcast_in_dim3A_365 = vector.broadcast %broadcast_in_dim3A_364 : i32 to vector<16xi32>
        %broadcast_in_dim3A_366 = arith.constant 16416 : i32
        %broadcast_in_dim3A_367 = vector.broadcast %broadcast_in_dim3A_366 : i32 to vector<16xi32>
        %broadcast_in_dim3A_368 = arith.constant 24624 : i32
        %broadcast_in_dim3A_369 = vector.broadcast %broadcast_in_dim3A_368 : i32 to vector<16xi32>
        %while3A_370 = arith.constant 0 : i32
        %while3A_371 = arith.subi %shift_right_logical3A_357, %while3A_370 : i32
        %while3A_372 = arith.addi %while3A_370, %while3A_371 : i32
        %while3A_373 = arith.constant 1 : i32
        %while3A_374 = arith.divsi %while3A_371, %while3A_373 : i32
        %while3A_375 = arith.muli %while3A_374, %while3A_373 : i32
        %while3A_376 = arith.addi %while3A_370, %while3A_375 : i32
        %while3A_377 = arith.constant 1 : i32
        %while3A_378:8 = scf.for %while3A_518 = %while3A_370 to %while3A_376 step %while3A_377 iter_args(%while3A_519 = %broadcast_in_dim3A_363, %while3A_520 = %broadcast_in_dim3A_365, %while3A_521 = %broadcast_in_dim3A_367, %while3A_522 = %broadcast_in_dim3A_369, %while3A_523 = %broadcast_in_dim3A_3, %while3A_524 = %broadcast_in_dim3A_3, %while3A_525 = %broadcast_in_dim3A_3, %while3A_526 = %broadcast_in_dim3A_3) -> (vector<16xi32>, vector<16xi32>, vector<16xi32>, vector<16xi32>, vector<16xf32>, vector<16xf32>, vector<16xf32>, vector<16xf32>)  : i32 {
          %mul3A_527 = arith.constant 16 : i32
          %mul3A_528 = arith.muli %while3A_518, %mul3A_527 : i32
          %add3A_529 = vector.broadcast %mul3A_528 : i32 to vector<16xi32>
          %add3A_530 = arith.addi %iota3A, %add3A_529 : vector<16xi32>
          %mul3A_531 = arith.constant 16 : i32
          %mul3A_532 = arith.muli %while3A_518, %mul3A_531 : i32
          %add3A_533 = arith.constant 0 : i32
          %add3A_534 = arith.addi %mul3A_532, %add3A_533 : i32
          %get3A_535 = arith.index_cast %add3A_534 : i32 to index
          %get3A_536 = tpu.vector_load %arg5[%get3A_535] {strides = array<i32>} : memref<32832xf32, #tpu.memory_space<vmem>>, vector<16xf32>,
          %gt3A = arith.cmpf ogt, %get3A_536, %div3A_317 : vector<16xf32>
          %lt3A = arith.cmpi slt, %add3A_530, %broadcast_in_dim3A_358 : vector<16xi32>
          %and3A_537 = arith.andi %gt3A, %lt3A : vector<16xi1>
          %select_n3A = arith.select %and3A_537, %get3A_536, %broadcast_in_dim3A_3 : vector<16xi1>, vector<16xf32>
          %add3A_538 = arith.addf %while3A_523, %select_n3A : vector<16xf32>
          %jit3A = arith.constant 1 : i32
          %jit3A_539 = arith.constant 0 : i32
          %broadcast_in_dim3A_540 = vector.broadcast %jit3A : i32 to vector<16xi32>
          %broadcast_in_dim3A_541 = vector.broadcast %jit3A_539 : i32 to vector<16xi32>
          %select_n3A_542 = arith.select %and3A_537, %broadcast_in_dim3A_540, %broadcast_in_dim3A_541 : vector<16xi1>, vector<16xi32>
          %broadcast_in_dim3A_543 = arith.constant true
          %broadcast_in_dim3A_544 = vector.broadcast %broadcast_in_dim3A_543 : i1 to vector<16xi1>
          %masked_cumsum3A = tpu.scan <sum>, %select_n3A_542 masked %broadcast_in_dim3A_544 : vector<16xi32>, vector<16xi1> -> vector<16xi32>
          %add3A_545 = arith.addi %while3A_519, %masked_cumsum3A : vector<16xi32>
          %sub3A_546 = arith.constant 1 : i32
          %sub3A_547 = vector.broadcast %sub3A_546 : i32 to vector<16xi32>
          %sub3A_548 = arith.subi %add3A_545, %sub3A_547 : vector<16xi32>
          tpu.vector_store_idx %arg6[%sub3A_548], %get3A_536 masked %and3A_537 : memref<32832xf32, #tpu.memory_space<vmem>>[vector<16xi32>], vector<16xf32>, vector<16xi1>
          %all_reduce_population_count3A = tpu.all_reduce %and3A_537 {dim = 0 : i64, kind = #tpu.reduction_kind<sum>} : vector<16xi1> -> vector<16xi32>
          %add3A_549 = arith.addi %while3A_519, %all_reduce_population_count3A : vector<16xi32>
          %mul3A_550 = arith.constant 16 : i32
          %mul3A_551 = arith.muli %while3A_518, %mul3A_550 : i32
          %add3A_552 = arith.constant 8208 : i32
          %add3A_553 = arith.addi %mul3A_551, %add3A_552 : i32
          %get3A_554 = arith.index_cast %add3A_553 : i32 to index
          %get3A_555 = tpu.vector_load %arg5[%get3A_554] {strides = array<i32>} : memref<32832xf32, #tpu.memory_space<vmem>>, vector<16xf32>,
          %gt3A_556 = arith.cmpf ogt, %get3A_555, %div3A_328 : vector<16xf32>
          %lt3A_557 = arith.cmpi slt, %add3A_530, %broadcast_in_dim3A_359 : vector<16xi32>
          %and3A_558 = arith.andi %gt3A_556, %lt3A_557 : vector<16xi1>
          %select_n3A_559 = arith.select %and3A_558, %get3A_555, %broadcast_in_dim3A_3 : vector<16xi1>, vector<16xf32>
          %add3A_560 = arith.addf %while3A_524, %select_n3A_559 : vector<16xf32>
          %jit3A_561 = arith.constant 1 : i32
          %jit3A_562 = arith.constant 0 : i32
          %broadcast_in_dim3A_563 = vector.broadcast %jit3A_561 : i32 to vector<16xi32>
          %broadcast_in_dim3A_564 = vector.broadcast %jit3A_562 : i32 to vector<16xi32>
          %select_n3A_565 = arith.select %and3A_558, %broadcast_in_dim3A_563, %broadcast_in_dim3A_564 : vector<16xi1>, vector<16xi32>
          %broadcast_in_dim3A_566 = arith.constant true
          %broadcast_in_dim3A_567 = vector.broadcast %broadcast_in_dim3A_566 : i1 to vector<16xi1>
          %masked_cumsum3A_568 = tpu.scan <sum>, %select_n3A_565 masked %broadcast_in_dim3A_567 : vector<16xi32>, vector<16xi1> -> vector<16xi32>
          %add3A_569 = arith.addi %while3A_520, %masked_cumsum3A_568 : vector<16xi32>
          %sub3A_570 = arith.constant 1 : i32
          %sub3A_571 = vector.broadcast %sub3A_570 : i32 to vector<16xi32>
          %sub3A_572 = arith.subi %add3A_569, %sub3A_571 : vector<16xi32>
          tpu.vector_store_idx %arg6[%sub3A_572], %get3A_555 masked %and3A_558 : memref<32832xf32, #tpu.memory_space<vmem>>[vector<16xi32>], vector<16xf32>, vector<16xi1>
          %all_reduce_population_count3A_573 = tpu.all_reduce %and3A_558 {dim = 0 : i64, kind = #tpu.reduction_kind<sum>} : vector<16xi1> -> vector<16xi32>
          %add3A_574 = arith.addi %while3A_520, %all_reduce_population_count3A_573 : vector<16xi32>
          %mul3A_575 = arith.constant 16 : i32
          %mul3A_576 = arith.muli %while3A_518, %mul3A_575 : i32
          %add3A_577 = arith.constant 16416 : i32
          %add3A_578 = arith.addi %mul3A_576, %add3A_577 : i32
          %get3A_579 = arith.index_cast %add3A_578 : i32 to index
          %get3A_580 = tpu.vector_load %arg5[%get3A_579] {strides = array<i32>} : memref<32832xf32, #tpu.memory_space<vmem>>, vector<16xf32>,
          %gt3A_581 = arith.cmpf ogt, %get3A_580, %div3A_339 : vector<16xf32>
          %lt3A_582 = arith.cmpi slt, %add3A_530, %broadcast_in_dim3A_360 : vector<16xi32>
          %and3A_583 = arith.andi %gt3A_581, %lt3A_582 : vector<16xi1>
          %select_n3A_584 = arith.select %and3A_583, %get3A_580, %broadcast_in_dim3A_3 : vector<16xi1>, vector<16xf32>
          %add3A_585 = arith.addf %while3A_525, %select_n3A_584 : vector<16xf32>
          %jit3A_586 = arith.constant 1 : i32
          %jit3A_587 = arith.constant 0 : i32
          %broadcast_in_dim3A_588 = vector.broadcast %jit3A_586 : i32 to vector<16xi32>
          %broadcast_in_dim3A_589 = vector.broadcast %jit3A_587 : i32 to vector<16xi32>
          %select_n3A_590 = arith.select %and3A_583, %broadcast_in_dim3A_588, %broadcast_in_dim3A_589 : vector<16xi1>, vector<16xi32>
          %broadcast_in_dim3A_591 = arith.constant true
          %broadcast_in_dim3A_592 = vector.broadcast %broadcast_in_dim3A_591 : i1 to vector<16xi1>
          %masked_cumsum3A_593 = tpu.scan <sum>, %select_n3A_590 masked %broadcast_in_dim3A_592 : vector<16xi32>, vector<16xi1> -> vector<16xi32>
          %add3A_594 = arith.addi %while3A_521, %masked_cumsum3A_593 : vector<16xi32>
          %sub3A_595 = arith.constant 1 : i32
          %sub3A_596 = vector.broadcast %sub3A_595 : i32 to vector<16xi32>
          %sub3A_597 = arith.subi %add3A_594, %sub3A_596 : vector<16xi32>
          tpu.vector_store_idx %arg6[%sub3A_597], %get3A_580 masked %and3A_583 : memref<32832xf32, #tpu.memory_space<vmem>>[vector<16xi32>], vector<16xf32>, vector<16xi1>
          %all_reduce_population_count3A_598 = tpu.all_reduce %and3A_583 {dim = 0 : i64, kind = #tpu.reduction_kind<sum>} : vector<16xi1> -> vector<16xi32>
          %add3A_599 = arith.addi %while3A_521, %all_reduce_population_count3A_598 : vector<16xi32>
          %mul3A_600 = arith.constant 16 : i32
          %mul3A_601 = arith.muli %while3A_518, %mul3A_600 : i32
          %add3A_602 = arith.constant 24624 : i32
          %add3A_603 = arith.addi %mul3A_601, %add3A_602 : i32
          %get3A_604 = arith.index_cast %add3A_603 : i32 to index
          %get3A_605 = tpu.vector_load %arg5[%get3A_604] {strides = array<i32>} : memref<32832xf32, #tpu.memory_space<vmem>>, vector<16xf32>,
          %gt3A_606 = arith.cmpf ogt, %get3A_605, %div3A_350 : vector<16xf32>
          %lt3A_607 = arith.cmpi slt, %add3A_530, %broadcast_in_dim3A_361 : vector<16xi32>
          %and3A_608 = arith.andi %gt3A_606, %lt3A_607 : vector<16xi1>
          %select_n3A_609 = arith.select %and3A_608, %get3A_605, %broadcast_in_dim3A_3 : vector<16xi1>, vector<16xf32>
          %add3A_610 = arith.addf %while3A_526, %select_n3A_609 : vector<16xf32>
          %jit3A_611 = arith.constant 1 : i32
          %jit3A_612 = arith.constant 0 : i32
          %broadcast_in_dim3A_613 = vector.broadcast %jit3A_611 : i32 to vector<16xi32>
          %broadcast_in_dim3A_614 = vector.broadcast %jit3A_612 : i32 to vector<16xi32>
          %select_n3A_615 = arith.select %and3A_608, %broadcast_in_dim3A_613, %broadcast_in_dim3A_614 : vector<16xi1>, vector<16xi32>
          %broadcast_in_dim3A_616 = arith.constant true
          %broadcast_in_dim3A_617 = vector.broadcast %broadcast_in_dim3A_616 : i1 to vector<16xi1>
          %masked_cumsum3A_618 = tpu.scan <sum>, %select_n3A_615 masked %broadcast_in_dim3A_617 : vector<16xi32>, vector<16xi1> -> vector<16xi32>
          %add3A_619 = arith.addi %while3A_522, %masked_cumsum3A_618 : vector<16xi32>
          %sub3A_620 = arith.constant 1 : i32
          %sub3A_621 = vector.broadcast %sub3A_620 : i32 to vector<16xi32>
          %sub3A_622 = arith.subi %add3A_619, %sub3A_621 : vector<16xi32>
          tpu.vector_store_idx %arg6[%sub3A_622], %get3A_605 masked %and3A_608 : memref<32832xf32, #tpu.memory_space<vmem>>[vector<16xi32>], vector<16xf32>, vector<16xi1>
          %all_reduce_population_count3A_623 = tpu.all_reduce %and3A_608 {dim = 0 : i64, kind = #tpu.reduction_kind<sum>} : vector<16xi1> -> vector<16xi32>
          %add3A_624 = arith.addi %while3A_522, %all_reduce_population_count3A_623 : vector<16xi32>
          scf.yield %add3A_549, %add3A_574, %add3A_599, %add3A_624, %add3A_538, %add3A_560, %add3A_585, %add3A_610 : vector<16xi32>, vector<16xi32>, vector<16xi32>, vector<16xi32>, vector<16xf32>, vector<16xf32>, vector<16xf32>, vector<16xf32>
        }
        %while3A_379 = arith.constant 1 : i32
        %while3A_380:8 = scf.for %while3A_518 = %while3A_376 to %while3A_372 step %while3A_379 iter_args(%while3A_519 = %while3A_378#0, %while3A_520 = %while3A_378#1, %while3A_521 = %while3A_378#2, %while3A_522 = %while3A_378#3, %while3A_523 = %while3A_378#4, %while3A_524 = %while3A_378#5, %while3A_525 = %while3A_378#6, %while3A_526 = %while3A_378#7) -> (vector<16xi32>, vector<16xi32>, vector<16xi32>, vector<16xi32>, vector<16xf32>, vector<16xf32>, vector<16xf32>, vector<16xf32>)  : i32 {
          %mul3A_527 = arith.constant 16 : i32
          %mul3A_528 = arith.muli %while3A_518, %mul3A_527 : i32
          %add3A_529 = vector.broadcast %mul3A_528 : i32 to vector<16xi32>
          %add3A_530 = arith.addi %iota3A, %add3A_529 : vector<16xi32>
          %mul3A_531 = arith.constant 16 : i32
          %mul3A_532 = arith.muli %while3A_518, %mul3A_531 : i32
          %add3A_533 = arith.constant 0 : i32
          %add3A_534 = arith.addi %mul3A_532, %add3A_533 : i32
          %get3A_535 = arith.index_cast %add3A_534 : i32 to index
          %get3A_536 = tpu.vector_load %arg5[%get3A_535] {strides = array<i32>} : memref<32832xf32, #tpu.memory_space<vmem>>, vector<16xf32>,
          %gt3A = arith.cmpf ogt, %get3A_536, %div3A_317 : vector<16xf32>
          %lt3A = arith.cmpi slt, %add3A_530, %broadcast_in_dim3A_358 : vector<16xi32>
          %and3A_537 = arith.andi %gt3A, %lt3A : vector<16xi1>
          %select_n3A = arith.select %and3A_537, %get3A_536, %broadcast_in_dim3A_3 : vector<16xi1>, vector<16xf32>
          %add3A_538 = arith.addf %while3A_523, %select_n3A : vector<16xf32>
          %jit3A = arith.constant 1 : i32
          %jit3A_539 = arith.constant 0 : i32
          %broadcast_in_dim3A_540 = vector.broadcast %jit3A : i32 to vector<16xi32>
          %broadcast_in_dim3A_541 = vector.broadcast %jit3A_539 : i32 to vector<16xi32>
          %select_n3A_542 = arith.select %and3A_537, %broadcast_in_dim3A_540, %broadcast_in_dim3A_541 : vector<16xi1>, vector<16xi32>
          %broadcast_in_dim3A_543 = arith.constant true
          %broadcast_in_dim3A_544 = vector.broadcast %broadcast_in_dim3A_543 : i1 to vector<16xi1>
          %masked_cumsum3A = tpu.scan <sum>, %select_n3A_542 masked %broadcast_in_dim3A_544 : vector<16xi32>, vector<16xi1> -> vector<16xi32>
          %add3A_545 = arith.addi %while3A_519, %masked_cumsum3A : vector<16xi32>
          %sub3A_546 = arith.constant 1 : i32
          %sub3A_547 = vector.broadcast %sub3A_546 : i32 to vector<16xi32>
          %sub3A_548 = arith.subi %add3A_545, %sub3A_547 : vector<16xi32>
          tpu.vector_store_idx %arg6[%sub3A_548], %get3A_536 masked %and3A_537 : memref<32832xf32, #tpu.memory_space<vmem>>[vector<16xi32>], vector<16xf32>, vector<16xi1>
          %all_reduce_population_count3A = tpu.all_reduce %and3A_537 {dim = 0 : i64, kind = #tpu.reduction_kind<sum>} : vector<16xi1> -> vector<16xi32>
          %add3A_549 = arith.addi %while3A_519, %all_reduce_population_count3A : vector<16xi32>
          %mul3A_550 = arith.constant 16 : i32
          %mul3A_551 = arith.muli %while3A_518, %mul3A_550 : i32
          %add3A_552 = arith.constant 8208 : i32
          %add3A_553 = arith.addi %mul3A_551, %add3A_552 : i32
          %get3A_554 = arith.index_cast %add3A_553 : i32 to index
          %get3A_555 = tpu.vector_load %arg5[%get3A_554] {strides = array<i32>} : memref<32832xf32, #tpu.memory_space<vmem>>, vector<16xf32>,
          %gt3A_556 = arith.cmpf ogt, %get3A_555, %div3A_328 : vector<16xf32>
          %lt3A_557 = arith.cmpi slt, %add3A_530, %broadcast_in_dim3A_359 : vector<16xi32>
          %and3A_558 = arith.andi %gt3A_556, %lt3A_557 : vector<16xi1>
          %select_n3A_559 = arith.select %and3A_558, %get3A_555, %broadcast_in_dim3A_3 : vector<16xi1>, vector<16xf32>
          %add3A_560 = arith.addf %while3A_524, %select_n3A_559 : vector<16xf32>
          %jit3A_561 = arith.constant 1 : i32
          %jit3A_562 = arith.constant 0 : i32
          %broadcast_in_dim3A_563 = vector.broadcast %jit3A_561 : i32 to vector<16xi32>
          %broadcast_in_dim3A_564 = vector.broadcast %jit3A_562 : i32 to vector<16xi32>
          %select_n3A_565 = arith.select %and3A_558, %broadcast_in_dim3A_563, %broadcast_in_dim3A_564 : vector<16xi1>, vector<16xi32>
          %broadcast_in_dim3A_566 = arith.constant true
          %broadcast_in_dim3A_567 = vector.broadcast %broadcast_in_dim3A_566 : i1 to vector<16xi1>
          %masked_cumsum3A_568 = tpu.scan <sum>, %select_n3A_565 masked %broadcast_in_dim3A_567 : vector<16xi32>, vector<16xi1> -> vector<16xi32>
          %add3A_569 = arith.addi %while3A_520, %masked_cumsum3A_568 : vector<16xi32>
          %sub3A_570 = arith.constant 1 : i32
          %sub3A_571 = vector.broadcast %sub3A_570 : i32 to vector<16xi32>
          %sub3A_572 = arith.subi %add3A_569, %sub3A_571 : vector<16xi32>
          tpu.vector_store_idx %arg6[%sub3A_572], %get3A_555 masked %and3A_558 : memref<32832xf32, #tpu.memory_space<vmem>>[vector<16xi32>], vector<16xf32>, vector<16xi1>
          %all_reduce_population_count3A_573 = tpu.all_reduce %and3A_558 {dim = 0 : i64, kind = #tpu.reduction_kind<sum>} : vector<16xi1> -> vector<16xi32>
          %add3A_574 = arith.addi %while3A_520, %all_reduce_population_count3A_573 : vector<16xi32>
          %mul3A_575 = arith.constant 16 : i32
          %mul3A_576 = arith.muli %while3A_518, %mul3A_575 : i32
          %add3A_577 = arith.constant 16416 : i32
          %add3A_578 = arith.addi %mul3A_576, %add3A_577 : i32
          %get3A_579 = arith.index_cast %add3A_578 : i32 to index
          %get3A_580 = tpu.vector_load %arg5[%get3A_579] {strides = array<i32>} : memref<32832xf32, #tpu.memory_space<vmem>>, vector<16xf32>,
          %gt3A_581 = arith.cmpf ogt, %get3A_580, %div3A_339 : vector<16xf32>
          %lt3A_582 = arith.cmpi slt, %add3A_530, %broadcast_in_dim3A_360 : vector<16xi32>
          %and3A_583 = arith.andi %gt3A_581, %lt3A_582 : vector<16xi1>
          %select_n3A_584 = arith.select %and3A_583, %get3A_580, %broadcast_in_dim3A_3 : vector<16xi1>, vector<16xf32>
          %add3A_585 = arith.addf %while3A_525, %select_n3A_584 : vector<16xf32>
          %jit3A_586 = arith.constant 1 : i32
          %jit3A_587 = arith.constant 0 : i32
          %broadcast_in_dim3A_588 = vector.broadcast %jit3A_586 : i32 to vector<16xi32>
          %broadcast_in_dim3A_589 = vector.broadcast %jit3A_587 : i32 to vector<16xi32>
          %select_n3A_590 = arith.select %and3A_583, %broadcast_in_dim3A_588, %broadcast_in_dim3A_589 : vector<16xi1>, vector<16xi32>
          %broadcast_in_dim3A_591 = arith.constant true
          %broadcast_in_dim3A_592 = vector.broadcast %broadcast_in_dim3A_591 : i1 to vector<16xi1>
          %masked_cumsum3A_593 = tpu.scan <sum>, %select_n3A_590 masked %broadcast_in_dim3A_592 : vector<16xi32>, vector<16xi1> -> vector<16xi32>
          %add3A_594 = arith.addi %while3A_521, %masked_cumsum3A_593 : vector<16xi32>
          %sub3A_595 = arith.constant 1 : i32
          %sub3A_596 = vector.broadcast %sub3A_595 : i32 to vector<16xi32>
          %sub3A_597 = arith.subi %add3A_594, %sub3A_596 : vector<16xi32>
          tpu.vector_store_idx %arg6[%sub3A_597], %get3A_580 masked %and3A_583 : memref<32832xf32, #tpu.memory_space<vmem>>[vector<16xi32>], vector<16xf32>, vector<16xi1>
          %all_reduce_population_count3A_598 = tpu.all_reduce %and3A_583 {dim = 0 : i64, kind = #tpu.reduction_kind<sum>} : vector<16xi1> -> vector<16xi32>
          %add3A_599 = arith.addi %while3A_521, %all_reduce_population_count3A_598 : vector<16xi32>
          %mul3A_600 = arith.constant 16 : i32
          %mul3A_601 = arith.muli %while3A_518, %mul3A_600 : i32
          %add3A_602 = arith.constant 24624 : i32
          %add3A_603 = arith.addi %mul3A_601, %add3A_602 : i32
          %get3A_604 = arith.index_cast %add3A_603 : i32 to index
          %get3A_605 = tpu.vector_load %arg5[%get3A_604] {strides = array<i32>} : memref<32832xf32, #tpu.memory_space<vmem>>, vector<16xf32>,
          %gt3A_606 = arith.cmpf ogt, %get3A_605, %div3A_350 : vector<16xf32>
          %lt3A_607 = arith.cmpi slt, %add3A_530, %broadcast_in_dim3A_361 : vector<16xi32>
          %and3A_608 = arith.andi %gt3A_606, %lt3A_607 : vector<16xi1>
          %select_n3A_609 = arith.select %and3A_608, %get3A_605, %broadcast_in_dim3A_3 : vector<16xi1>, vector<16xf32>
          %add3A_610 = arith.addf %while3A_526, %select_n3A_609 : vector<16xf32>
          %jit3A_611 = arith.constant 1 : i32
          %jit3A_612 = arith.constant 0 : i32
          %broadcast_in_dim3A_613 = vector.broadcast %jit3A_611 : i32 to vector<16xi32>
          %broadcast_in_dim3A_614 = vector.broadcast %jit3A_612 : i32 to vector<16xi32>
          %select_n3A_615 = arith.select %and3A_608, %broadcast_in_dim3A_613, %broadcast_in_dim3A_614 : vector<16xi1>, vector<16xi32>
          %broadcast_in_dim3A_616 = arith.constant true
          %broadcast_in_dim3A_617 = vector.broadcast %broadcast_in_dim3A_616 : i1 to vector<16xi1>
          %masked_cumsum3A_618 = tpu.scan <sum>, %select_n3A_615 masked %broadcast_in_dim3A_617 : vector<16xi32>, vector<16xi1> -> vector<16xi32>
          %add3A_619 = arith.addi %while3A_522, %masked_cumsum3A_618 : vector<16xi32>
          %sub3A_620 = arith.constant 1 : i32
          %sub3A_621 = vector.broadcast %sub3A_620 : i32 to vector<16xi32>
          %sub3A_622 = arith.subi %add3A_619, %sub3A_621 : vector<16xi32>
          tpu.vector_store_idx %arg6[%sub3A_622], %get3A_605 masked %and3A_608 : memref<32832xf32, #tpu.memory_space<vmem>>[vector<16xi32>], vector<16xf32>, vector<16xi1>
          %all_reduce_population_count3A_623 = tpu.all_reduce %and3A_608 {dim = 0 : i64, kind = #tpu.reduction_kind<sum>} : vector<16xi1> -> vector<16xi32>
          %add3A_624 = arith.addi %while3A_522, %all_reduce_population_count3A_623 : vector<16xi32>
          scf.yield %add3A_549, %add3A_574, %add3A_599, %add3A_624, %add3A_538, %add3A_560, %add3A_585, %add3A_610 : vector<16xi32>, vector<16xi32>, vector<16xi32>, vector<16xi32>, vector<16xf32>, vector<16xf32>, vector<16xf32>, vector<16xf32>
        }
        %reduce_max3A_381 = arith.constant true
        %reduce_max3A_382 = vector.broadcast %reduce_max3A_381 : i1 to vector<16xi1>
        %reduce_max3A_383 = arith.constant -2147483648 : i32
        %reduce_max3A_384 = vector.broadcast %reduce_max3A_383 : i32 to vector<16xi32>
        %reduce_max3A_385 = arith.xori %while3A_380#0, %reduce_max3A_384 : vector<16xi32>
        %reduce_max3A_386 = tpu.scan <max>, %reduce_max3A_385 masked %reduce_max3A_382 : vector<16xi32>, vector<16xi1> -> vector<16xi32>
        %reduce_max3A_387 = arith.xori %reduce_max3A_386, %reduce_max3A_384 : vector<16xi32>
        %reduce_max3A_388 = vector.extract %reduce_max3A_387[15] : i32 from vector<16xi32>
        %sub3A_389 = arith.constant 0 : i32
        %sub3A_390 = arith.subi %reduce_max3A_388, %sub3A_389 : i32
        %reduce_max3A_391 = arith.constant true
        %reduce_max3A_392 = vector.broadcast %reduce_max3A_391 : i1 to vector<16xi1>
        %reduce_max3A_393 = arith.constant -2147483648 : i32
        %reduce_max3A_394 = vector.broadcast %reduce_max3A_393 : i32 to vector<16xi32>
        %reduce_max3A_395 = arith.xori %while3A_380#1, %reduce_max3A_394 : vector<16xi32>
        %reduce_max3A_396 = tpu.scan <max>, %reduce_max3A_395 masked %reduce_max3A_392 : vector<16xi32>, vector<16xi1> -> vector<16xi32>
        %reduce_max3A_397 = arith.xori %reduce_max3A_396, %reduce_max3A_394 : vector<16xi32>
        %reduce_max3A_398 = vector.extract %reduce_max3A_397[15] : i32 from vector<16xi32>
        %sub3A_399 = arith.constant 8208 : i32
        %sub3A_400 = arith.subi %reduce_max3A_398, %sub3A_399 : i32
        %reduce_max3A_401 = arith.constant true
        %reduce_max3A_402 = vector.broadcast %reduce_max3A_401 : i1 to vector<16xi1>
        %reduce_max3A_403 = arith.constant -2147483648 : i32
        %reduce_max3A_404 = vector.broadcast %reduce_max3A_403 : i32 to vector<16xi32>
        %reduce_max3A_405 = arith.xori %while3A_380#2, %reduce_max3A_404 : vector<16xi32>
        %reduce_max3A_406 = tpu.scan <max>, %reduce_max3A_405 masked %reduce_max3A_402 : vector<16xi32>, vector<16xi1> -> vector<16xi32>
        %reduce_max3A_407 = arith.xori %reduce_max3A_406, %reduce_max3A_404 : vector<16xi32>
        %reduce_max3A_408 = vector.extract %reduce_max3A_407[15] : i32 from vector<16xi32>
        %sub3A_409 = arith.constant 16416 : i32
        %sub3A_410 = arith.subi %reduce_max3A_408, %sub3A_409 : i32
        %reduce_max3A_411 = arith.constant true
        %reduce_max3A_412 = vector.broadcast %reduce_max3A_411 : i1 to vector<16xi1>
        %reduce_max3A_413 = arith.constant -2147483648 : i32
        %reduce_max3A_414 = vector.broadcast %reduce_max3A_413 : i32 to vector<16xi32>
        %reduce_max3A_415 = arith.xori %while3A_380#3, %reduce_max3A_414 : vector<16xi32>
        %reduce_max3A_416 = tpu.scan <max>, %reduce_max3A_415 masked %reduce_max3A_412 : vector<16xi32>, vector<16xi1> -> vector<16xi32>
        %reduce_max3A_417 = arith.xori %reduce_max3A_416, %reduce_max3A_414 : vector<16xi32>
        %reduce_max3A_418 = vector.extract %reduce_max3A_417[15] : i32 from vector<16xi32>
        %sub3A_419 = arith.constant 24624 : i32
        %sub3A_420 = arith.subi %reduce_max3A_418, %sub3A_419 : i32
        %reduce_sum3A_421 = arith.constant true
        %reduce_sum3A_422 = vector.broadcast %reduce_sum3A_421 : i1 to vector<16xi1>
        %reduce_sum3A_423 = tpu.scan <sum>, %while3A_380#4 masked %reduce_sum3A_422 : vector<16xf32>, vector<16xi1> -> vector<16xf32>
        %reduce_sum3A_424 = vector.extract %reduce_sum3A_423[15] : f32 from vector<16xf32>
        %broadcast_in_dim3A_425 = vector.broadcast %reduce_sum3A_424 : f32 to vector<16xf32>
        %sub3A_426 = arith.constant 1.000000e+00 : f32
        %sub3A_427 = vector.broadcast %sub3A_426 : f32 to vector<16xf32>
        %sub3A_428 = arith.subf %broadcast_in_dim3A_425, %sub3A_427 : vector<16xf32>
        %convert_element_type3A_429 = arith.sitofp %sub3A_390 : i32 to f32
        %broadcast_in_dim3A_430 = vector.broadcast %convert_element_type3A_429 : f32 to vector<16xf32>
        %div3A_431 = arith.divf %sub3A_428, %broadcast_in_dim3A_430 : vector<16xf32>
        %reduce_sum3A_432 = arith.constant true
        %reduce_sum3A_433 = vector.broadcast %reduce_sum3A_432 : i1 to vector<16xi1>
        %reduce_sum3A_434 = tpu.scan <sum>, %while3A_380#5 masked %reduce_sum3A_433 : vector<16xf32>, vector<16xi1> -> vector<16xf32>
        %reduce_sum3A_435 = vector.extract %reduce_sum3A_434[15] : f32 from vector<16xf32>
        %broadcast_in_dim3A_436 = vector.broadcast %reduce_sum3A_435 : f32 to vector<16xf32>
        %sub3A_437 = arith.constant 1.000000e+00 : f32
        %sub3A_438 = vector.broadcast %sub3A_437 : f32 to vector<16xf32>
        %sub3A_439 = arith.subf %broadcast_in_dim3A_436, %sub3A_438 : vector<16xf32>
        %convert_element_type3A_440 = arith.sitofp %sub3A_400 : i32 to f32
        %broadcast_in_dim3A_441 = vector.broadcast %convert_element_type3A_440 : f32 to vector<16xf32>
        %div3A_442 = arith.divf %sub3A_439, %broadcast_in_dim3A_441 : vector<16xf32>
        %reduce_sum3A_443 = arith.constant true
        %reduce_sum3A_444 = vector.broadcast %reduce_sum3A_443 : i1 to vector<16xi1>
        %reduce_sum3A_445 = tpu.scan <sum>, %while3A_380#6 masked %reduce_sum3A_444 : vector<16xf32>, vector<16xi1> -> vector<16xf32>
        %reduce_sum3A_446 = vector.extract %reduce_sum3A_445[15] : f32 from vector<16xf32>
        %broadcast_in_dim3A_447 = vector.broadcast %reduce_sum3A_446 : f32 to vector<16xf32>
        %sub3A_448 = arith.constant 1.000000e+00 : f32
        %sub3A_449 = vector.broadcast %sub3A_448 : f32 to vector<16xf32>
        %sub3A_450 = arith.subf %broadcast_in_dim3A_447, %sub3A_449 : vector<16xf32>
        %convert_element_type3A_451 = arith.sitofp %sub3A_410 : i32 to f32
        %broadcast_in_dim3A_452 = vector.broadcast %convert_element_type3A_451 : f32 to vector<16xf32>
        %div3A_453 = arith.divf %sub3A_450, %broadcast_in_dim3A_452 : vector<16xf32>
        %reduce_sum3A_454 = arith.constant true
        %reduce_sum3A_455 = vector.broadcast %reduce_sum3A_454 : i1 to vector<16xi1>
        %reduce_sum3A_456 = tpu.scan <sum>, %while3A_380#7 masked %reduce_sum3A_455 : vector<16xf32>, vector<16xi1> -> vector<16xf32>
        %reduce_sum3A_457 = vector.extract %reduce_sum3A_456[15] : f32 from vector<16xf32>
        %broadcast_in_dim3A_458 = vector.broadcast %reduce_sum3A_457 : f32 to vector<16xf32>
        %sub3A_459 = arith.constant 1.000000e+00 : f32
        %sub3A_460 = vector.broadcast %sub3A_459 : f32 to vector<16xf32>
        %sub3A_461 = arith.subf %broadcast_in_dim3A_458, %sub3A_460 : vector<16xf32>
        %convert_element_type3A_462 = arith.sitofp %sub3A_420 : i32 to f32
        %broadcast_in_dim3A_463 = vector.broadcast %convert_element_type3A_462 : f32 to vector<16xf32>
        %div3A_464 = arith.divf %sub3A_461, %broadcast_in_dim3A_463 : vector<16xf32>
        %eq3A = arith.cmpf oeq, %div3A_431, %div3A_317 : vector<16xf32>
        %reduce_and3A = arith.constant 1.000000e+00 : f32
        %reduce_and3A_465 = arith.constant 0.000000e+00 : f32
        %reduce_and3A_466 = vector.broadcast %reduce_and3A : f32 to vector<16xf32>
        %reduce_and3A_467 = vector.broadcast %reduce_and3A_465 : f32 to vector<16xf32>
        %reduce_and3A_468 = arith.select %eq3A, %reduce_and3A_466, %reduce_and3A_467 : vector<16xi1>, vector<16xf32>
        %reduce_and3A_469 = arith.constant true
        %reduce_and3A_470 = vector.broadcast %reduce_and3A_469 : i1 to vector<16xi1>
        %reduce_and3A_471 = tpu.scan <min>, %reduce_and3A_468 masked %reduce_and3A_470 : vector<16xf32>, vector<16xi1> -> vector<16xf32>
        %reduce_and3A_472 = vector.extract %reduce_and3A_471[15] : f32 from vector<16xf32>
        %reduce_and3A_473 = arith.constant 0.000000e+00 : f32
        %reduce_and3A_474 = arith.cmpf ogt, %reduce_and3A_472, %reduce_and3A_473 : f32
        %and3A_475 = arith.constant true
        %and3A_476 = arith.andi %and3A_475, %reduce_and3A_474 : i1
        %eq3A_477 = arith.cmpf oeq, %div3A_442, %div3A_328 : vector<16xf32>
        %reduce_and3A_478 = arith.constant 1.000000e+00 : f32
        %reduce_and3A_479 = arith.constant 0.000000e+00 : f32
        %reduce_and3A_480 = vector.broadcast %reduce_and3A_478 : f32 to vector<16xf32>
        %reduce_and3A_481 = vector.broadcast %reduce_and3A_479 : f32 to vector<16xf32>
        %reduce_and3A_482 = arith.select %eq3A_477, %reduce_and3A_480, %reduce_and3A_481 : vector<16xi1>, vector<16xf32>
        %reduce_and3A_483 = arith.constant true
        %reduce_and3A_484 = vector.broadcast %reduce_and3A_483 : i1 to vector<16xi1>
        %reduce_and3A_485 = tpu.scan <min>, %reduce_and3A_482 masked %reduce_and3A_484 : vector<16xf32>, vector<16xi1> -> vector<16xf32>
        %reduce_and3A_486 = vector.extract %reduce_and3A_485[15] : f32 from vector<16xf32>
        %reduce_and3A_487 = arith.constant 0.000000e+00 : f32
        %reduce_and3A_488 = arith.cmpf ogt, %reduce_and3A_486, %reduce_and3A_487 : f32
        %and3A_489 = arith.andi %and3A_476, %reduce_and3A_488 : i1
        %eq3A_490 = arith.cmpf oeq, %div3A_453, %div3A_339 : vector<16xf32>
        %reduce_and3A_491 = arith.constant 1.000000e+00 : f32
        %reduce_and3A_492 = arith.constant 0.000000e+00 : f32
        %reduce_and3A_493 = vector.broadcast %reduce_and3A_491 : f32 to vector<16xf32>
        %reduce_and3A_494 = vector.broadcast %reduce_and3A_492 : f32 to vector<16xf32>
        %reduce_and3A_495 = arith.select %eq3A_490, %reduce_and3A_493, %reduce_and3A_494 : vector<16xi1>, vector<16xf32>
        %reduce_and3A_496 = arith.constant true
        %reduce_and3A_497 = vector.broadcast %reduce_and3A_496 : i1 to vector<16xi1>
        %reduce_and3A_498 = tpu.scan <min>, %reduce_and3A_495 masked %reduce_and3A_497 : vector<16xf32>, vector<16xi1> -> vector<16xf32>
        %reduce_and3A_499 = vector.extract %reduce_and3A_498[15] : f32 from vector<16xf32>
        %reduce_and3A_500 = arith.constant 0.000000e+00 : f32
        %reduce_and3A_501 = arith.cmpf ogt, %reduce_and3A_499, %reduce_and3A_500 : f32
        %and3A_502 = arith.andi %and3A_489, %reduce_and3A_501 : i1
        %eq3A_503 = arith.cmpf oeq, %div3A_464, %div3A_350 : vector<16xf32>
        %reduce_and3A_504 = arith.constant 1.000000e+00 : f32
        %reduce_and3A_505 = arith.constant 0.000000e+00 : f32
        %reduce_and3A_506 = vector.broadcast %reduce_and3A_504 : f32 to vector<16xf32>
        %reduce_and3A_507 = vector.broadcast %reduce_and3A_505 : f32 to vector<16xf32>
        %reduce_and3A_508 = arith.select %eq3A_503, %reduce_and3A_506, %reduce_and3A_507 : vector<16xi1>, vector<16xf32>
        %reduce_and3A_509 = arith.constant true
        %reduce_and3A_510 = vector.broadcast %reduce_and3A_509 : i1 to vector<16xi1>
        %reduce_and3A_511 = tpu.scan <min>, %reduce_and3A_508 masked %reduce_and3A_510 : vector<16xf32>, vector<16xi1> -> vector<16xf32>
        %reduce_and3A_512 = vector.extract %reduce_and3A_511[15] : f32 from vector<16xf32>
        %reduce_and3A_513 = arith.constant 0.000000e+00 : f32
        %reduce_and3A_514 = arith.cmpf ogt, %reduce_and3A_512, %reduce_and3A_513 : f32
        %and3A_515 = arith.andi %and3A_502, %reduce_and3A_514 : i1
        %add3A_516 = arith.constant 1 : i32
        %add3A_517 = arith.addi %while3A_227, %add3A_516 : i32
        scf.yield %add3A_517, %and3A_515, %div3A_431, %div3A_442, %div3A_453, %div3A_464, %sub3A_390, %sub3A_400, %sub3A_410, %sub3A_420 : i32, i1, vector<16xf32>, vector<16xf32>, vector<16xf32>, vector<16xf32>, i32, i32, i32, i32
      }
      scf.yield %while3A_226#2, %while3A_226#3, %while3A_226#4, %while3A_226#5 : vector<16xf32>, vector<16xf32>, vector<16xf32>, vector<16xf32>
    }
    %scan3A_218 = arith.constant 0 : i32
    %scan3A_219 = arith.constant 0 : i32
    %scan3A_220 = arith.constant 64 : i32
    %scan3A_221 = arith.addi %scan3A_219, %scan3A_220 : i32
    %scan3A_222 = arith.constant 1 : i32
    scf.for %scan3A_224 = %scan3A_219 to %scan3A_221 step %scan3A_222  : i32 {
      %mul3A_225 = arith.constant 8 : i32
      %mul3A_226 = arith.muli %scan3A_224, %mul3A_225 : i32
      %add3A_227 = arith.constant 0 : i32
      %add3A_228 = arith.addi %mul3A_226, %add3A_227 : i32
      %mul3A_229 = arith.constant 16 : i32
      %mul3A_230 = arith.muli %add3A_228, %mul3A_229 : i32
      %get3A_231 = arith.constant 0 : i32
      %get3A_232 = arith.index_cast %get3A_231 : i32 to index
      %get3A_233 = arith.index_cast %mul3A_230 : i32 to index
      %get3A_234 = tpu.vector_load %arg4[%get3A_232, %get3A_233] {strides = array<i32>} : memref<4x8192xf32, #tpu.memory_space<vmem>>, vector<16xf32>,
      %mul3A_235 = arith.constant 8 : i32
      %mul3A_236 = arith.muli %scan3A_224, %mul3A_235 : i32
      %add3A_237 = arith.constant 0 : i32
      %add3A_238 = arith.addi %mul3A_236, %add3A_237 : i32
      %mul3A_239 = arith.constant 16 : i32
      %mul3A_240 = arith.muli %add3A_238, %mul3A_239 : i32
      %get3A_241 = arith.constant 1 : i32
      %get3A_242 = arith.index_cast %get3A_241 : i32 to index
      %get3A_243 = arith.index_cast %mul3A_240 : i32 to index
      %get3A_244 = tpu.vector_load %arg4[%get3A_242, %get3A_243] {strides = array<i32>} : memref<4x8192xf32, #tpu.memory_space<vmem>>, vector<16xf32>,
      %mul3A_245 = arith.constant 8 : i32
      %mul3A_246 = arith.muli %scan3A_224, %mul3A_245 : i32
      %add3A_247 = arith.constant 0 : i32
      %add3A_248 = arith.addi %mul3A_246, %add3A_247 : i32
      %mul3A_249 = arith.constant 16 : i32
      %mul3A_250 = arith.muli %add3A_248, %mul3A_249 : i32
      %get3A_251 = arith.constant 2 : i32
      %get3A_252 = arith.index_cast %get3A_251 : i32 to index
      %get3A_253 = arith.index_cast %mul3A_250 : i32 to index
      %get3A_254 = tpu.vector_load %arg4[%get3A_252, %get3A_253] {strides = array<i32>} : memref<4x8192xf32, #tpu.memory_space<vmem>>, vector<16xf32>,
      %mul3A_255 = arith.constant 8 : i32
      %mul3A_256 = arith.muli %scan3A_224, %mul3A_255 : i32
      %add3A_257 = arith.constant 0 : i32
      %add3A_258 = arith.addi %mul3A_256, %add3A_257 : i32
      %mul3A_259 = arith.constant 16 : i32
      %mul3A_260 = arith.muli %add3A_258, %mul3A_259 : i32
      %get3A_261 = arith.constant 3 : i32
      %get3A_262 = arith.index_cast %get3A_261 : i32 to index
      %get3A_263 = arith.index_cast %mul3A_260 : i32 to index
      %get3A_264 = tpu.vector_load %arg4[%get3A_262, %get3A_263] {strides = array<i32>} : memref<4x8192xf32, #tpu.memory_space<vmem>>, vector<16xf32>,
      %mul3A_265 = arith.constant 8 : i32
      %mul3A_266 = arith.muli %scan3A_224, %mul3A_265 : i32
      %add3A_267 = arith.constant 1 : i32
      %add3A_268 = arith.addi %mul3A_266, %add3A_267 : i32
      %mul3A_269 = arith.constant 16 : i32
      %mul3A_270 = arith.muli %add3A_268, %mul3A_269 : i32
      %get3A_271 = arith.constant 0 : i32
      %get3A_272 = arith.index_cast %get3A_271 : i32 to index
      %get3A_273 = arith.index_cast %mul3A_270 : i32 to index
      %get3A_274 = tpu.vector_load %arg4[%get3A_272, %get3A_273] {strides = array<i32>} : memref<4x8192xf32, #tpu.memory_space<vmem>>, vector<16xf32>,
      %mul3A_275 = arith.constant 8 : i32
      %mul3A_276 = arith.muli %scan3A_224, %mul3A_275 : i32
      %add3A_277 = arith.constant 1 : i32
      %add3A_278 = arith.addi %mul3A_276, %add3A_277 : i32
      %mul3A_279 = arith.constant 16 : i32
      %mul3A_280 = arith.muli %add3A_278, %mul3A_279 : i32
      %get3A_281 = arith.constant 1 : i32
      %get3A_282 = arith.index_cast %get3A_281 : i32 to index
      %get3A_283 = arith.index_cast %mul3A_280 : i32 to index
      %get3A_284 = tpu.vector_load %arg4[%get3A_282, %get3A_283] {strides = array<i32>} : memref<4x8192xf32, #tpu.memory_space<vmem>>, vector<16xf32>,
      %mul3A_285 = arith.constant 8 : i32
      %mul3A_286 = arith.muli %scan3A_224, %mul3A_285 : i32
      %add3A_287 = arith.constant 1 : i32
      %add3A_288 = arith.addi %mul3A_286, %add3A_287 : i32
      %mul3A_289 = arith.constant 16 : i32
      %mul3A_290 = arith.muli %add3A_288, %mul3A_289 : i32
      %get3A_291 = arith.constant 2 : i32
      %get3A_292 = arith.index_cast %get3A_291 : i32 to index
      %get3A_293 = arith.index_cast %mul3A_290 : i32 to index
      %get3A_294 = tpu.vector_load %arg4[%get3A_292, %get3A_293] {strides = array<i32>} : memref<4x8192xf32, #tpu.memory_space<vmem>>, vector<16xf32>,
      %mul3A_295 = arith.constant 8 : i32
      %mul3A_296 = arith.muli %scan3A_224, %mul3A_295 : i32
      %add3A_297 = arith.constant 1 : i32
      %add3A_298 = arith.addi %mul3A_296, %add3A_297 : i32
      %mul3A_299 = arith.constant 16 : i32
      %mul3A_300 = arith.muli %add3A_298, %mul3A_299 : i32
      %get3A_301 = arith.constant 3 : i32
      %get3A_302 = arith.index_cast %get3A_301 : i32 to index
      %get3A_303 = arith.index_cast %mul3A_300 : i32 to index
      %get3A_304 = tpu.vector_load %arg4[%get3A_302, %get3A_303] {strides = array<i32>} : memref<4x8192xf32, #tpu.memory_space<vmem>>, vector<16xf32>,
      %mul3A_305 = arith.constant 8 : i32
      %mul3A_306 = arith.muli %scan3A_224, %mul3A_305 : i32
      %add3A_307 = arith.constant 2 : i32
      %add3A_308 = arith.addi %mul3A_306, %add3A_307 : i32
      %mul3A_309 = arith.constant 16 : i32
      %mul3A_310 = arith.muli %add3A_308, %mul3A_309 : i32
      %get3A_311 = arith.constant 0 : i32
      %get3A_312 = arith.index_cast %get3A_311 : i32 to index
      %get3A_313 = arith.index_cast %mul3A_310 : i32 to index
      %get3A_314 = tpu.vector_load %arg4[%get3A_312, %get3A_313] {strides = array<i32>} : memref<4x8192xf32, #tpu.memory_space<vmem>>, vector<16xf32>,
      %mul3A_315 = arith.constant 8 : i32
      %mul3A_316 = arith.muli %scan3A_224, %mul3A_315 : i32
      %add3A_317 = arith.constant 2 : i32
      %add3A_318 = arith.addi %mul3A_316, %add3A_317 : i32
      %mul3A_319 = arith.constant 16 : i32
      %mul3A_320 = arith.muli %add3A_318, %mul3A_319 : i32
      %get3A_321 = arith.constant 1 : i32
      %get3A_322 = arith.index_cast %get3A_321 : i32 to index
      %get3A_323 = arith.index_cast %mul3A_320 : i32 to index
      %get3A_324 = tpu.vector_load %arg4[%get3A_322, %get3A_323] {strides = array<i32>} : memref<4x8192xf32, #tpu.memory_space<vmem>>, vector<16xf32>,
      %mul3A_325 = arith.constant 8 : i32
      %mul3A_326 = arith.muli %scan3A_224, %mul3A_325 : i32
      %add3A_327 = arith.constant 2 : i32
      %add3A_328 = arith.addi %mul3A_326, %add3A_327 : i32
      %mul3A_329 = arith.constant 16 : i32
      %mul3A_330 = arith.muli %add3A_328, %mul3A_329 : i32
      %get3A_331 = arith.constant 2 : i32
      %get3A_332 = arith.index_cast %get3A_331 : i32 to index
      %get3A_333 = arith.index_cast %mul3A_330 : i32 to index
      %get3A_334 = tpu.vector_load %arg4[%get3A_332, %get3A_333] {strides = array<i32>} : memref<4x8192xf32, #tpu.memory_space<vmem>>, vector<16xf32>,
      %mul3A_335 = arith.constant 8 : i32
      %mul3A_336 = arith.muli %scan3A_224, %mul3A_335 : i32
      %add3A_337 = arith.constant 2 : i32
      %add3A_338 = arith.addi %mul3A_336, %add3A_337 : i32
      %mul3A_339 = arith.constant 16 : i32
      %mul3A_340 = arith.muli %add3A_338, %mul3A_339 : i32
      %get3A_341 = arith.constant 3 : i32
      %get3A_342 = arith.index_cast %get3A_341 : i32 to index
      %get3A_343 = arith.index_cast %mul3A_340 : i32 to index
      %get3A_344 = tpu.vector_load %arg4[%get3A_342, %get3A_343] {strides = array<i32>} : memref<4x8192xf32, #tpu.memory_space<vmem>>, vector<16xf32>,
      %mul3A_345 = arith.constant 8 : i32
      %mul3A_346 = arith.muli %scan3A_224, %mul3A_345 : i32
      %add3A_347 = arith.constant 3 : i32
      %add3A_348 = arith.addi %mul3A_346, %add3A_347 : i32
      %mul3A_349 = arith.constant 16 : i32
      %mul3A_350 = arith.muli %add3A_348, %mul3A_349 : i32
      %get3A_351 = arith.constant 0 : i32
      %get3A_352 = arith.index_cast %get3A_351 : i32 to index
      %get3A_353 = arith.index_cast %mul3A_350 : i32 to index
      %get3A_354 = tpu.vector_load %arg4[%get3A_352, %get3A_353] {strides = array<i32>} : memref<4x8192xf32, #tpu.memory_space<vmem>>, vector<16xf32>,
      %mul3A_355 = arith.constant 8 : i32
      %mul3A_356 = arith.muli %scan3A_224, %mul3A_355 : i32
      %add3A_357 = arith.constant 3 : i32
      %add3A_358 = arith.addi %mul3A_356, %add3A_357 : i32
      %mul3A_359 = arith.constant 16 : i32
      %mul3A_360 = arith.muli %add3A_358, %mul3A_359 : i32
      %get3A_361 = arith.constant 1 : i32
      %get3A_362 = arith.index_cast %get3A_361 : i32 to index
      %get3A_363 = arith.index_cast %mul3A_360 : i32 to index
      %get3A_364 = tpu.vector_load %arg4[%get3A_362, %get3A_363] {strides = array<i32>} : memref<4x8192xf32, #tpu.memory_space<vmem>>, vector<16xf32>,
      %mul3A_365 = arith.constant 8 : i32
      %mul3A_366 = arith.muli %scan3A_224, %mul3A_365 : i32
      %add3A_367 = arith.constant 3 : i32
      %add3A_368 = arith.addi %mul3A_366, %add3A_367 : i32
      %mul3A_369 = arith.constant 16 : i32
      %mul3A_370 = arith.muli %add3A_368, %mul3A_369 : i32
      %get3A_371 = arith.constant 2 : i32
      %get3A_372 = arith.index_cast %get3A_371 : i32 to index
      %get3A_373 = arith.index_cast %mul3A_370 : i32 to index
      %get3A_374 = tpu.vector_load %arg4[%get3A_372, %get3A_373] {strides = array<i32>} : memref<4x8192xf32, #tpu.memory_space<vmem>>, vector<16xf32>,
      %mul3A_375 = arith.constant 8 : i32
      %mul3A_376 = arith.muli %scan3A_224, %mul3A_375 : i32
      %add3A_377 = arith.constant 3 : i32
      %add3A_378 = arith.addi %mul3A_376, %add3A_377 : i32
      %mul3A_379 = arith.constant 16 : i32
      %mul3A_380 = arith.muli %add3A_378, %mul3A_379 : i32
      %get3A_381 = arith.constant 3 : i32
      %get3A_382 = arith.index_cast %get3A_381 : i32 to index
      %get3A_383 = arith.index_cast %mul3A_380 : i32 to index
      %get3A_384 = tpu.vector_load %arg4[%get3A_382, %get3A_383] {strides = array<i32>} : memref<4x8192xf32, #tpu.memory_space<vmem>>, vector<16xf32>,
      %mul3A_385 = arith.constant 8 : i32
      %mul3A_386 = arith.muli %scan3A_224, %mul3A_385 : i32
      %add3A_387 = arith.constant 4 : i32
      %add3A_388 = arith.addi %mul3A_386, %add3A_387 : i32
      %mul3A_389 = arith.constant 16 : i32
      %mul3A_390 = arith.muli %add3A_388, %mul3A_389 : i32
      %get3A_391 = arith.constant 0 : i32
      %get3A_392 = arith.index_cast %get3A_391 : i32 to index
      %get3A_393 = arith.index_cast %mul3A_390 : i32 to index
      %get3A_394 = tpu.vector_load %arg4[%get3A_392, %get3A_393] {strides = array<i32>} : memref<4x8192xf32, #tpu.memory_space<vmem>>, vector<16xf32>,
      %mul3A_395 = arith.constant 8 : i32
      %mul3A_396 = arith.muli %scan3A_224, %mul3A_395 : i32
      %add3A_397 = arith.constant 4 : i32
      %add3A_398 = arith.addi %mul3A_396, %add3A_397 : i32
      %mul3A_399 = arith.constant 16 : i32
      %mul3A_400 = arith.muli %add3A_398, %mul3A_399 : i32
      %get3A_401 = arith.constant 1 : i32
      %get3A_402 = arith.index_cast %get3A_401 : i32 to index
      %get3A_403 = arith.index_cast %mul3A_400 : i32 to index
      %get3A_404 = tpu.vector_load %arg4[%get3A_402, %get3A_403] {strides = array<i32>} : memref<4x8192xf32, #tpu.memory_space<vmem>>, vector<16xf32>,
      %mul3A_405 = arith.constant 8 : i32
      %mul3A_406 = arith.muli %scan3A_224, %mul3A_405 : i32
      %add3A_407 = arith.constant 4 : i32
      %add3A_408 = arith.addi %mul3A_406, %add3A_407 : i32
      %mul3A_409 = arith.constant 16 : i32
      %mul3A_410 = arith.muli %add3A_408, %mul3A_409 : i32
      %get3A_411 = arith.constant 2 : i32
      %get3A_412 = arith.index_cast %get3A_411 : i32 to index
      %get3A_413 = arith.index_cast %mul3A_410 : i32 to index
      %get3A_414 = tpu.vector_load %arg4[%get3A_412, %get3A_413] {strides = array<i32>} : memref<4x8192xf32, #tpu.memory_space<vmem>>, vector<16xf32>,
      %mul3A_415 = arith.constant 8 : i32
      %mul3A_416 = arith.muli %scan3A_224, %mul3A_415 : i32
      %add3A_417 = arith.constant 4 : i32
      %add3A_418 = arith.addi %mul3A_416, %add3A_417 : i32
      %mul3A_419 = arith.constant 16 : i32
      %mul3A_420 = arith.muli %add3A_418, %mul3A_419 : i32
      %get3A_421 = arith.constant 3 : i32
      %get3A_422 = arith.index_cast %get3A_421 : i32 to index
      %get3A_423 = arith.index_cast %mul3A_420 : i32 to index
      %get3A_424 = tpu.vector_load %arg4[%get3A_422, %get3A_423] {strides = array<i32>} : memref<4x8192xf32, #tpu.memory_space<vmem>>, vector<16xf32>,
      %mul3A_425 = arith.constant 8 : i32
      %mul3A_426 = arith.muli %scan3A_224, %mul3A_425 : i32
      %add3A_427 = arith.constant 5 : i32
      %add3A_428 = arith.addi %mul3A_426, %add3A_427 : i32
      %mul3A_429 = arith.constant 16 : i32
      %mul3A_430 = arith.muli %add3A_428, %mul3A_429 : i32
      %get3A_431 = arith.constant 0 : i32
      %get3A_432 = arith.index_cast %get3A_431 : i32 to index
      %get3A_433 = arith.index_cast %mul3A_430 : i32 to index
      %get3A_434 = tpu.vector_load %arg4[%get3A_432, %get3A_433] {strides = array<i32>} : memref<4x8192xf32, #tpu.memory_space<vmem>>, vector<16xf32>,
      %mul3A_435 = arith.constant 8 : i32
      %mul3A_436 = arith.muli %scan3A_224, %mul3A_435 : i32
      %add3A_437 = arith.constant 5 : i32
      %add3A_438 = arith.addi %mul3A_436, %add3A_437 : i32
      %mul3A_439 = arith.constant 16 : i32
      %mul3A_440 = arith.muli %add3A_438, %mul3A_439 : i32
      %get3A_441 = arith.constant 1 : i32
      %get3A_442 = arith.index_cast %get3A_441 : i32 to index
      %get3A_443 = arith.index_cast %mul3A_440 : i32 to index
      %get3A_444 = tpu.vector_load %arg4[%get3A_442, %get3A_443] {strides = array<i32>} : memref<4x8192xf32, #tpu.memory_space<vmem>>, vector<16xf32>,
      %mul3A_445 = arith.constant 8 : i32
      %mul3A_446 = arith.muli %scan3A_224, %mul3A_445 : i32
      %add3A_447 = arith.constant 5 : i32
      %add3A_448 = arith.addi %mul3A_446, %add3A_447 : i32
      %mul3A_449 = arith.constant 16 : i32
      %mul3A_450 = arith.muli %add3A_448, %mul3A_449 : i32
      %get3A_451 = arith.constant 2 : i32
      %get3A_452 = arith.index_cast %get3A_451 : i32 to index
      %get3A_453 = arith.index_cast %mul3A_450 : i32 to index
      %get3A_454 = tpu.vector_load %arg4[%get3A_452, %get3A_453] {strides = array<i32>} : memref<4x8192xf32, #tpu.memory_space<vmem>>, vector<16xf32>,
      %mul3A_455 = arith.constant 8 : i32
      %mul3A_456 = arith.muli %scan3A_224, %mul3A_455 : i32
      %add3A_457 = arith.constant 5 : i32
      %add3A_458 = arith.addi %mul3A_456, %add3A_457 : i32
      %mul3A_459 = arith.constant 16 : i32
      %mul3A_460 = arith.muli %add3A_458, %mul3A_459 : i32
      %get3A_461 = arith.constant 3 : i32
      %get3A_462 = arith.index_cast %get3A_461 : i32 to index
      %get3A_463 = arith.index_cast %mul3A_460 : i32 to index
      %get3A_464 = tpu.vector_load %arg4[%get3A_462, %get3A_463] {strides = array<i32>} : memref<4x8192xf32, #tpu.memory_space<vmem>>, vector<16xf32>,
      %mul3A_465 = arith.constant 8 : i32
      %mul3A_466 = arith.muli %scan3A_224, %mul3A_465 : i32
      %add3A_467 = arith.constant 6 : i32
      %add3A_468 = arith.addi %mul3A_466, %add3A_467 : i32
      %mul3A_469 = arith.constant 16 : i32
      %mul3A_470 = arith.muli %add3A_468, %mul3A_469 : i32
      %get3A_471 = arith.constant 0 : i32
      %get3A_472 = arith.index_cast %get3A_471 : i32 to index
      %get3A_473 = arith.index_cast %mul3A_470 : i32 to index
      %get3A_474 = tpu.vector_load %arg4[%get3A_472, %get3A_473] {strides = array<i32>} : memref<4x8192xf32, #tpu.memory_space<vmem>>, vector<16xf32>,
      %mul3A_475 = arith.constant 8 : i32
      %mul3A_476 = arith.muli %scan3A_224, %mul3A_475 : i32
      %add3A_477 = arith.constant 6 : i32
      %add3A_478 = arith.addi %mul3A_476, %add3A_477 : i32
      %mul3A_479 = arith.constant 16 : i32
      %mul3A_480 = arith.muli %add3A_478, %mul3A_479 : i32
      %get3A_481 = arith.constant 1 : i32
      %get3A_482 = arith.index_cast %get3A_481 : i32 to index
      %get3A_483 = arith.index_cast %mul3A_480 : i32 to index
      %get3A_484 = tpu.vector_load %arg4[%get3A_482, %get3A_483] {strides = array<i32>} : memref<4x8192xf32, #tpu.memory_space<vmem>>, vector<16xf32>,
      %mul3A_485 = arith.constant 8 : i32
      %mul3A_486 = arith.muli %scan3A_224, %mul3A_485 : i32
      %add3A_487 = arith.constant 6 : i32
      %add3A_488 = arith.addi %mul3A_486, %add3A_487 : i32
      %mul3A_489 = arith.constant 16 : i32
      %mul3A_490 = arith.muli %add3A_488, %mul3A_489 : i32
      %get3A_491 = arith.constant 2 : i32
      %get3A_492 = arith.index_cast %get3A_491 : i32 to index
      %get3A_493 = arith.index_cast %mul3A_490 : i32 to index
      %get3A_494 = tpu.vector_load %arg4[%get3A_492, %get3A_493] {strides = array<i32>} : memref<4x8192xf32, #tpu.memory_space<vmem>>, vector<16xf32>,
      %mul3A_495 = arith.constant 8 : i32
      %mul3A_496 = arith.muli %scan3A_224, %mul3A_495 : i32
      %add3A_497 = arith.constant 6 : i32
      %add3A_498 = arith.addi %mul3A_496, %add3A_497 : i32
      %mul3A_499 = arith.constant 16 : i32
      %mul3A_500 = arith.muli %add3A_498, %mul3A_499 : i32
      %get3A_501 = arith.constant 3 : i32
      %get3A_502 = arith.index_cast %get3A_501 : i32 to index
      %get3A_503 = arith.index_cast %mul3A_500 : i32 to index
      %get3A_504 = tpu.vector_load %arg4[%get3A_502, %get3A_503] {strides = array<i32>} : memref<4x8192xf32, #tpu.memory_space<vmem>>, vector<16xf32>,
      %mul3A_505 = arith.constant 8 : i32
      %mul3A_506 = arith.muli %scan3A_224, %mul3A_505 : i32
      %add3A_507 = arith.constant 7 : i32
      %add3A_508 = arith.addi %mul3A_506, %add3A_507 : i32
      %mul3A_509 = arith.constant 16 : i32
      %mul3A_510 = arith.muli %add3A_508, %mul3A_509 : i32
      %get3A_511 = arith.constant 0 : i32
      %get3A_512 = arith.index_cast %get3A_511 : i32 to index
      %get3A_513 = arith.index_cast %mul3A_510 : i32 to index
      %get3A_514 = tpu.vector_load %arg4[%get3A_512, %get3A_513] {strides = array<i32>} : memref<4x8192xf32, #tpu.memory_space<vmem>>, vector<16xf32>,
      %mul3A_515 = arith.constant 8 : i32
      %mul3A_516 = arith.muli %scan3A_224, %mul3A_515 : i32
      %add3A_517 = arith.constant 7 : i32
      %add3A_518 = arith.addi %mul3A_516, %add3A_517 : i32
      %mul3A_519 = arith.constant 16 : i32
      %mul3A_520 = arith.muli %add3A_518, %mul3A_519 : i32
      %get3A_521 = arith.constant 1 : i32
      %get3A_522 = arith.index_cast %get3A_521 : i32 to index
      %get3A_523 = arith.index_cast %mul3A_520 : i32 to index
      %get3A_524 = tpu.vector_load %arg4[%get3A_522, %get3A_523] {strides = array<i32>} : memref<4x8192xf32, #tpu.memory_space<vmem>>, vector<16xf32>,
      %mul3A_525 = arith.constant 8 : i32
      %mul3A_526 = arith.muli %scan3A_224, %mul3A_525 : i32
      %add3A_527 = arith.constant 7 : i32
      %add3A_528 = arith.addi %mul3A_526, %add3A_527 : i32
      %mul3A_529 = arith.constant 16 : i32
      %mul3A_530 = arith.muli %add3A_528, %mul3A_529 : i32
      %get3A_531 = arith.constant 2 : i32
      %get3A_532 = arith.index_cast %get3A_531 : i32 to index
      %get3A_533 = arith.index_cast %mul3A_530 : i32 to index
      %get3A_534 = tpu.vector_load %arg4[%get3A_532, %get3A_533] {strides = array<i32>} : memref<4x8192xf32, #tpu.memory_space<vmem>>, vector<16xf32>,
      %mul3A_535 = arith.constant 8 : i32
      %mul3A_536 = arith.muli %scan3A_224, %mul3A_535 : i32
      %add3A_537 = arith.constant 7 : i32
      %add3A_538 = arith.addi %mul3A_536, %add3A_537 : i32
      %mul3A_539 = arith.constant 16 : i32
      %mul3A_540 = arith.muli %add3A_538, %mul3A_539 : i32
      %get3A_541 = arith.constant 3 : i32
      %get3A_542 = arith.index_cast %get3A_541 : i32 to index
      %get3A_543 = arith.index_cast %mul3A_540 : i32 to index
      %get3A_544 = tpu.vector_load %arg4[%get3A_542, %get3A_543] {strides = array<i32>} : memref<4x8192xf32, #tpu.memory_space<vmem>>, vector<16xf32>,
      %mul3A_545 = arith.constant 8 : i32
      %mul3A_546 = arith.muli %scan3A_224, %mul3A_545 : i32
      %add3A_547 = arith.constant 0 : i32
      %add3A_548 = arith.addi %mul3A_546, %add3A_547 : i32
      %mul3A_549 = arith.constant 16 : i32
      %mul3A_550 = arith.muli %add3A_548, %mul3A_549 : i32
      %sub3A_551 = arith.subf %get3A_234, %cond3A_217#0 : vector<16xf32>
      %max3A_552 = arith.constant 0.000000e+00 : f32
      %max3A_553 = vector.broadcast %max3A_552 : f32 to vector<16xf32>
      %max3A_554 = arith.maximumf %sub3A_551, %max3A_553 : vector<16xf32>
      %swap3A = arith.constant 0 : i32
      %swap3A_555 = arith.index_cast %swap3A : i32 to index
      %swap3A_556 = arith.index_cast %mul3A_550 : i32 to index
      %swap3A_557 = tpu.vector_load %arg4[%swap3A_555, %swap3A_556] {strides = array<i32>} : memref<4x8192xf32, #tpu.memory_space<vmem>>, vector<16xf32>,
      tpu.vector_store %arg4[%swap3A_555, %swap3A_556], %max3A_554 {strides = array<i32>} : memref<4x8192xf32, #tpu.memory_space<vmem>>, vector<16xf32>,
      %mul3A_558 = arith.constant 8 : i32
      %mul3A_559 = arith.muli %scan3A_224, %mul3A_558 : i32
      %add3A_560 = arith.constant 0 : i32
      %add3A_561 = arith.addi %mul3A_559, %add3A_560 : i32
      %mul3A_562 = arith.constant 16 : i32
      %mul3A_563 = arith.muli %add3A_561, %mul3A_562 : i32
      %sub3A_564 = arith.subf %get3A_244, %cond3A_217#1 : vector<16xf32>
      %max3A_565 = arith.constant 0.000000e+00 : f32
      %max3A_566 = vector.broadcast %max3A_565 : f32 to vector<16xf32>
      %max3A_567 = arith.maximumf %sub3A_564, %max3A_566 : vector<16xf32>
      %swap3A_568 = arith.constant 1 : i32
      %swap3A_569 = arith.index_cast %swap3A_568 : i32 to index
      %swap3A_570 = arith.index_cast %mul3A_563 : i32 to index
      %swap3A_571 = tpu.vector_load %arg4[%swap3A_569, %swap3A_570] {strides = array<i32>} : memref<4x8192xf32, #tpu.memory_space<vmem>>, vector<16xf32>,
      tpu.vector_store %arg4[%swap3A_569, %swap3A_570], %max3A_567 {strides = array<i32>} : memref<4x8192xf32, #tpu.memory_space<vmem>>, vector<16xf32>,
      %mul3A_572 = arith.constant 8 : i32
      %mul3A_573 = arith.muli %scan3A_224, %mul3A_572 : i32
      %add3A_574 = arith.constant 0 : i32
      %add3A_575 = arith.addi %mul3A_573, %add3A_574 : i32
      %mul3A_576 = arith.constant 16 : i32
      %mul3A_577 = arith.muli %add3A_575, %mul3A_576 : i32
      %sub3A_578 = arith.subf %get3A_254, %cond3A_217#2 : vector<16xf32>
      %max3A_579 = arith.constant 0.000000e+00 : f32
      %max3A_580 = vector.broadcast %max3A_579 : f32 to vector<16xf32>
      %max3A_581 = arith.maximumf %sub3A_578, %max3A_580 : vector<16xf32>
      %swap3A_582 = arith.constant 2 : i32
      %swap3A_583 = arith.index_cast %swap3A_582 : i32 to index
      %swap3A_584 = arith.index_cast %mul3A_577 : i32 to index
      %swap3A_585 = tpu.vector_load %arg4[%swap3A_583, %swap3A_584] {strides = array<i32>} : memref<4x8192xf32, #tpu.memory_space<vmem>>, vector<16xf32>,
      tpu.vector_store %arg4[%swap3A_583, %swap3A_584], %max3A_581 {strides = array<i32>} : memref<4x8192xf32, #tpu.memory_space<vmem>>, vector<16xf32>,
      %mul3A_586 = arith.constant 8 : i32
      %mul3A_587 = arith.muli %scan3A_224, %mul3A_586 : i32
      %add3A_588 = arith.constant 0 : i32
      %add3A_589 = arith.addi %mul3A_587, %add3A_588 : i32
      %mul3A_590 = arith.constant 16 : i32
      %mul3A_591 = arith.muli %add3A_589, %mul3A_590 : i32
      %sub3A_592 = arith.subf %get3A_264, %cond3A_217#3 : vector<16xf32>
      %max3A_593 = arith.constant 0.000000e+00 : f32
      %max3A_594 = vector.broadcast %max3A_593 : f32 to vector<16xf32>
      %max3A_595 = arith.maximumf %sub3A_592, %max3A_594 : vector<16xf32>
      %swap3A_596 = arith.constant 3 : i32
      %swap3A_597 = arith.index_cast %swap3A_596 : i32 to index
      %swap3A_598 = arith.index_cast %mul3A_591 : i32 to index
      %swap3A_599 = tpu.vector_load %arg4[%swap3A_597, %swap3A_598] {strides = array<i32>} : memref<4x8192xf32, #tpu.memory_space<vmem>>, vector<16xf32>,
      tpu.vector_store %arg4[%swap3A_597, %swap3A_598], %max3A_595 {strides = array<i32>} : memref<4x8192xf32, #tpu.memory_space<vmem>>, vector<16xf32>,
      %mul3A_600 = arith.constant 8 : i32
      %mul3A_601 = arith.muli %scan3A_224, %mul3A_600 : i32
      %add3A_602 = arith.constant 1 : i32
      %add3A_603 = arith.addi %mul3A_601, %add3A_602 : i32
      %mul3A_604 = arith.constant 16 : i32
      %mul3A_605 = arith.muli %add3A_603, %mul3A_604 : i32
      %sub3A_606 = arith.subf %get3A_274, %cond3A_217#0 : vector<16xf32>
      %max3A_607 = arith.constant 0.000000e+00 : f32
      %max3A_608 = vector.broadcast %max3A_607 : f32 to vector<16xf32>
      %max3A_609 = arith.maximumf %sub3A_606, %max3A_608 : vector<16xf32>
      %swap3A_610 = arith.constant 0 : i32
      %swap3A_611 = arith.index_cast %swap3A_610 : i32 to index
      %swap3A_612 = arith.index_cast %mul3A_605 : i32 to index
      %swap3A_613 = tpu.vector_load %arg4[%swap3A_611, %swap3A_612] {strides = array<i32>} : memref<4x8192xf32, #tpu.memory_space<vmem>>, vector<16xf32>,
      tpu.vector_store %arg4[%swap3A_611, %swap3A_612], %max3A_609 {strides = array<i32>} : memref<4x8192xf32, #tpu.memory_space<vmem>>, vector<16xf32>,
      %mul3A_614 = arith.constant 8 : i32
      %mul3A_615 = arith.muli %scan3A_224, %mul3A_614 : i32
      %add3A_616 = arith.constant 1 : i32
      %add3A_617 = arith.addi %mul3A_615, %add3A_616 : i32
      %mul3A_618 = arith.constant 16 : i32
      %mul3A_619 = arith.muli %add3A_617, %mul3A_618 : i32
      %sub3A_620 = arith.subf %get3A_284, %cond3A_217#1 : vector<16xf32>
      %max3A_621 = arith.constant 0.000000e+00 : f32
      %max3A_622 = vector.broadcast %max3A_621 : f32 to vector<16xf32>
      %max3A_623 = arith.maximumf %sub3A_620, %max3A_622 : vector<16xf32>
      %swap3A_624 = arith.constant 1 : i32
      %swap3A_625 = arith.index_cast %swap3A_624 : i32 to index
      %swap3A_626 = arith.index_cast %mul3A_619 : i32 to index
      %swap3A_627 = tpu.vector_load %arg4[%swap3A_625, %swap3A_626] {strides = array<i32>} : memref<4x8192xf32, #tpu.memory_space<vmem>>, vector<16xf32>,
      tpu.vector_store %arg4[%swap3A_625, %swap3A_626], %max3A_623 {strides = array<i32>} : memref<4x8192xf32, #tpu.memory_space<vmem>>, vector<16xf32>,
      %mul3A_628 = arith.constant 8 : i32
      %mul3A_629 = arith.muli %scan3A_224, %mul3A_628 : i32
      %add3A_630 = arith.constant 1 : i32
      %add3A_631 = arith.addi %mul3A_629, %add3A_630 : i32
      %mul3A_632 = arith.constant 16 : i32
      %mul3A_633 = arith.muli %add3A_631, %mul3A_632 : i32
      %sub3A_634 = arith.subf %get3A_294, %cond3A_217#2 : vector<16xf32>
      %max3A_635 = arith.constant 0.000000e+00 : f32
      %max3A_636 = vector.broadcast %max3A_635 : f32 to vector<16xf32>
      %max3A_637 = arith.maximumf %sub3A_634, %max3A_636 : vector<16xf32>
      %swap3A_638 = arith.constant 2 : i32
      %swap3A_639 = arith.index_cast %swap3A_638 : i32 to index
      %swap3A_640 = arith.index_cast %mul3A_633 : i32 to index
      %swap3A_641 = tpu.vector_load %arg4[%swap3A_639, %swap3A_640] {strides = array<i32>} : memref<4x8192xf32, #tpu.memory_space<vmem>>, vector<16xf32>,
      tpu.vector_store %arg4[%swap3A_639, %swap3A_640], %max3A_637 {strides = array<i32>} : memref<4x8192xf32, #tpu.memory_space<vmem>>, vector<16xf32>,
      %mul3A_642 = arith.constant 8 : i32
      %mul3A_643 = arith.muli %scan3A_224, %mul3A_642 : i32
      %add3A_644 = arith.constant 1 : i32
      %add3A_645 = arith.addi %mul3A_643, %add3A_644 : i32
      %mul3A_646 = arith.constant 16 : i32
      %mul3A_647 = arith.muli %add3A_645, %mul3A_646 : i32
      %sub3A_648 = arith.subf %get3A_304, %cond3A_217#3 : vector<16xf32>
      %max3A_649 = arith.constant 0.000000e+00 : f32
      %max3A_650 = vector.broadcast %max3A_649 : f32 to vector<16xf32>
      %max3A_651 = arith.maximumf %sub3A_648, %max3A_650 : vector<16xf32>
      %swap3A_652 = arith.constant 3 : i32
      %swap3A_653 = arith.index_cast %swap3A_652 : i32 to index
      %swap3A_654 = arith.index_cast %mul3A_647 : i32 to index
      %swap3A_655 = tpu.vector_load %arg4[%swap3A_653, %swap3A_654] {strides = array<i32>} : memref<4x8192xf32, #tpu.memory_space<vmem>>, vector<16xf32>,
      tpu.vector_store %arg4[%swap3A_653, %swap3A_654], %max3A_651 {strides = array<i32>} : memref<4x8192xf32, #tpu.memory_space<vmem>>, vector<16xf32>,
      %mul3A_656 = arith.constant 8 : i32
      %mul3A_657 = arith.muli %scan3A_224, %mul3A_656 : i32
      %add3A_658 = arith.constant 2 : i32
      %add3A_659 = arith.addi %mul3A_657, %add3A_658 : i32
      %mul3A_660 = arith.constant 16 : i32
      %mul3A_661 = arith.muli %add3A_659, %mul3A_660 : i32
      %sub3A_662 = arith.subf %get3A_314, %cond3A_217#0 : vector<16xf32>
      %max3A_663 = arith.constant 0.000000e+00 : f32
      %max3A_664 = vector.broadcast %max3A_663 : f32 to vector<16xf32>
      %max3A_665 = arith.maximumf %sub3A_662, %max3A_664 : vector<16xf32>
      %swap3A_666 = arith.constant 0 : i32
      %swap3A_667 = arith.index_cast %swap3A_666 : i32 to index
      %swap3A_668 = arith.index_cast %mul3A_661 : i32 to index
      %swap3A_669 = tpu.vector_load %arg4[%swap3A_667, %swap3A_668] {strides = array<i32>} : memref<4x8192xf32, #tpu.memory_space<vmem>>, vector<16xf32>,
      tpu.vector_store %arg4[%swap3A_667, %swap3A_668], %max3A_665 {strides = array<i32>} : memref<4x8192xf32, #tpu.memory_space<vmem>>, vector<16xf32>,
      %mul3A_670 = arith.constant 8 : i32
      %mul3A_671 = arith.muli %scan3A_224, %mul3A_670 : i32
      %add3A_672 = arith.constant 2 : i32
      %add3A_673 = arith.addi %mul3A_671, %add3A_672 : i32
      %mul3A_674 = arith.constant 16 : i32
      %mul3A_675 = arith.muli %add3A_673, %mul3A_674 : i32
      %sub3A_676 = arith.subf %get3A_324, %cond3A_217#1 : vector<16xf32>
      %max3A_677 = arith.constant 0.000000e+00 : f32
      %max3A_678 = vector.broadcast %max3A_677 : f32 to vector<16xf32>
      %max3A_679 = arith.maximumf %sub3A_676, %max3A_678 : vector<16xf32>
      %swap3A_680 = arith.constant 1 : i32
      %swap3A_681 = arith.index_cast %swap3A_680 : i32 to index
      %swap3A_682 = arith.index_cast %mul3A_675 : i32 to index
      %swap3A_683 = tpu.vector_load %arg4[%swap3A_681, %swap3A_682] {strides = array<i32>} : memref<4x8192xf32, #tpu.memory_space<vmem>>, vector<16xf32>,
      tpu.vector_store %arg4[%swap3A_681, %swap3A_682], %max3A_679 {strides = array<i32>} : memref<4x8192xf32, #tpu.memory_space<vmem>>, vector<16xf32>,
      %mul3A_684 = arith.constant 8 : i32
      %mul3A_685 = arith.muli %scan3A_224, %mul3A_684 : i32
      %add3A_686 = arith.constant 2 : i32
      %add3A_687 = arith.addi %mul3A_685, %add3A_686 : i32
      %mul3A_688 = arith.constant 16 : i32
      %mul3A_689 = arith.muli %add3A_687, %mul3A_688 : i32
      %sub3A_690 = arith.subf %get3A_334, %cond3A_217#2 : vector<16xf32>
      %max3A_691 = arith.constant 0.000000e+00 : f32
      %max3A_692 = vector.broadcast %max3A_691 : f32 to vector<16xf32>
      %max3A_693 = arith.maximumf %sub3A_690, %max3A_692 : vector<16xf32>
      %swap3A_694 = arith.constant 2 : i32
      %swap3A_695 = arith.index_cast %swap3A_694 : i32 to index
      %swap3A_696 = arith.index_cast %mul3A_689 : i32 to index
      %swap3A_697 = tpu.vector_load %arg4[%swap3A_695, %swap3A_696] {strides = array<i32>} : memref<4x8192xf32, #tpu.memory_space<vmem>>, vector<16xf32>,
      tpu.vector_store %arg4[%swap3A_695, %swap3A_696], %max3A_693 {strides = array<i32>} : memref<4x8192xf32, #tpu.memory_space<vmem>>, vector<16xf32>,
      %mul3A_698 = arith.constant 8 : i32
      %mul3A_699 = arith.muli %scan3A_224, %mul3A_698 : i32
      %add3A_700 = arith.constant 2 : i32
      %add3A_701 = arith.addi %mul3A_699, %add3A_700 : i32
      %mul3A_702 = arith.constant 16 : i32
      %mul3A_703 = arith.muli %add3A_701, %mul3A_702 : i32
      %sub3A_704 = arith.subf %get3A_344, %cond3A_217#3 : vector<16xf32>
      %max3A_705 = arith.constant 0.000000e+00 : f32
      %max3A_706 = vector.broadcast %max3A_705 : f32 to vector<16xf32>
      %max3A_707 = arith.maximumf %sub3A_704, %max3A_706 : vector<16xf32>
      %swap3A_708 = arith.constant 3 : i32
      %swap3A_709 = arith.index_cast %swap3A_708 : i32 to index
      %swap3A_710 = arith.index_cast %mul3A_703 : i32 to index
      %swap3A_711 = tpu.vector_load %arg4[%swap3A_709, %swap3A_710] {strides = array<i32>} : memref<4x8192xf32, #tpu.memory_space<vmem>>, vector<16xf32>,
      tpu.vector_store %arg4[%swap3A_709, %swap3A_710], %max3A_707 {strides = array<i32>} : memref<4x8192xf32, #tpu.memory_space<vmem>>, vector<16xf32>,
      %mul3A_712 = arith.constant 8 : i32
      %mul3A_713 = arith.muli %scan3A_224, %mul3A_712 : i32
      %add3A_714 = arith.constant 3 : i32
      %add3A_715 = arith.addi %mul3A_713, %add3A_714 : i32
      %mul3A_716 = arith.constant 16 : i32
      %mul3A_717 = arith.muli %add3A_715, %mul3A_716 : i32
      %sub3A_718 = arith.subf %get3A_354, %cond3A_217#0 : vector<16xf32>
      %max3A_719 = arith.constant 0.000000e+00 : f32
      %max3A_720 = vector.broadcast %max3A_719 : f32 to vector<16xf32>
      %max3A_721 = arith.maximumf %sub3A_718, %max3A_720 : vector<16xf32>
      %swap3A_722 = arith.constant 0 : i32
      %swap3A_723 = arith.index_cast %swap3A_722 : i32 to index
      %swap3A_724 = arith.index_cast %mul3A_717 : i32 to index
      %swap3A_725 = tpu.vector_load %arg4[%swap3A_723, %swap3A_724] {strides = array<i32>} : memref<4x8192xf32, #tpu.memory_space<vmem>>, vector<16xf32>,
      tpu.vector_store %arg4[%swap3A_723, %swap3A_724], %max3A_721 {strides = array<i32>} : memref<4x8192xf32, #tpu.memory_space<vmem>>, vector<16xf32>,
      %mul3A_726 = arith.constant 8 : i32
      %mul3A_727 = arith.muli %scan3A_224, %mul3A_726 : i32
      %add3A_728 = arith.constant 3 : i32
      %add3A_729 = arith.addi %mul3A_727, %add3A_728 : i32
      %mul3A_730 = arith.constant 16 : i32
      %mul3A_731 = arith.muli %add3A_729, %mul3A_730 : i32
      %sub3A_732 = arith.subf %get3A_364, %cond3A_217#1 : vector<16xf32>
      %max3A_733 = arith.constant 0.000000e+00 : f32
      %max3A_734 = vector.broadcast %max3A_733 : f32 to vector<16xf32>
      %max3A_735 = arith.maximumf %sub3A_732, %max3A_734 : vector<16xf32>
      %swap3A_736 = arith.constant 1 : i32
      %swap3A_737 = arith.index_cast %swap3A_736 : i32 to index
      %swap3A_738 = arith.index_cast %mul3A_731 : i32 to index
      %swap3A_739 = tpu.vector_load %arg4[%swap3A_737, %swap3A_738] {strides = array<i32>} : memref<4x8192xf32, #tpu.memory_space<vmem>>, vector<16xf32>,
      tpu.vector_store %arg4[%swap3A_737, %swap3A_738], %max3A_735 {strides = array<i32>} : memref<4x8192xf32, #tpu.memory_space<vmem>>, vector<16xf32>,
      %mul3A_740 = arith.constant 8 : i32
      %mul3A_741 = arith.muli %scan3A_224, %mul3A_740 : i32
      %add3A_742 = arith.constant 3 : i32
      %add3A_743 = arith.addi %mul3A_741, %add3A_742 : i32
      %mul3A_744 = arith.constant 16 : i32
      %mul3A_745 = arith.muli %add3A_743, %mul3A_744 : i32
      %sub3A_746 = arith.subf %get3A_374, %cond3A_217#2 : vector<16xf32>
      %max3A_747 = arith.constant 0.000000e+00 : f32
      %max3A_748 = vector.broadcast %max3A_747 : f32 to vector<16xf32>
      %max3A_749 = arith.maximumf %sub3A_746, %max3A_748 : vector<16xf32>
      %swap3A_750 = arith.constant 2 : i32
      %swap3A_751 = arith.index_cast %swap3A_750 : i32 to index
      %swap3A_752 = arith.index_cast %mul3A_745 : i32 to index
      %swap3A_753 = tpu.vector_load %arg4[%swap3A_751, %swap3A_752] {strides = array<i32>} : memref<4x8192xf32, #tpu.memory_space<vmem>>, vector<16xf32>,
      tpu.vector_store %arg4[%swap3A_751, %swap3A_752], %max3A_749 {strides = array<i32>} : memref<4x8192xf32, #tpu.memory_space<vmem>>, vector<16xf32>,
      %mul3A_754 = arith.constant 8 : i32
      %mul3A_755 = arith.muli %scan3A_224, %mul3A_754 : i32
      %add3A_756 = arith.constant 3 : i32
      %add3A_757 = arith.addi %mul3A_755, %add3A_756 : i32
      %mul3A_758 = arith.constant 16 : i32
      %mul3A_759 = arith.muli %add3A_757, %mul3A_758 : i32
      %sub3A_760 = arith.subf %get3A_384, %cond3A_217#3 : vector<16xf32>
      %max3A_761 = arith.constant 0.000000e+00 : f32
      %max3A_762 = vector.broadcast %max3A_761 : f32 to vector<16xf32>
      %max3A_763 = arith.maximumf %sub3A_760, %max3A_762 : vector<16xf32>
      %swap3A_764 = arith.constant 3 : i32
      %swap3A_765 = arith.index_cast %swap3A_764 : i32 to index
      %swap3A_766 = arith.index_cast %mul3A_759 : i32 to index
      %swap3A_767 = tpu.vector_load %arg4[%swap3A_765, %swap3A_766] {strides = array<i32>} : memref<4x8192xf32, #tpu.memory_space<vmem>>, vector<16xf32>,
      tpu.vector_store %arg4[%swap3A_765, %swap3A_766], %max3A_763 {strides = array<i32>} : memref<4x8192xf32, #tpu.memory_space<vmem>>, vector<16xf32>,
      %mul3A_768 = arith.constant 8 : i32
      %mul3A_769 = arith.muli %scan3A_224, %mul3A_768 : i32
      %add3A_770 = arith.constant 4 : i32
      %add3A_771 = arith.addi %mul3A_769, %add3A_770 : i32
      %mul3A_772 = arith.constant 16 : i32
      %mul3A_773 = arith.muli %add3A_771, %mul3A_772 : i32
      %sub3A_774 = arith.subf %get3A_394, %cond3A_217#0 : vector<16xf32>
      %max3A_775 = arith.constant 0.000000e+00 : f32
      %max3A_776 = vector.broadcast %max3A_775 : f32 to vector<16xf32>
      %max3A_777 = arith.maximumf %sub3A_774, %max3A_776 : vector<16xf32>
      %swap3A_778 = arith.constant 0 : i32
      %swap3A_779 = arith.index_cast %swap3A_778 : i32 to index
      %swap3A_780 = arith.index_cast %mul3A_773 : i32 to index
      %swap3A_781 = tpu.vector_load %arg4[%swap3A_779, %swap3A_780] {strides = array<i32>} : memref<4x8192xf32, #tpu.memory_space<vmem>>, vector<16xf32>,
      tpu.vector_store %arg4[%swap3A_779, %swap3A_780], %max3A_777 {strides = array<i32>} : memref<4x8192xf32, #tpu.memory_space<vmem>>, vector<16xf32>,
      %mul3A_782 = arith.constant 8 : i32
      %mul3A_783 = arith.muli %scan3A_224, %mul3A_782 : i32
      %add3A_784 = arith.constant 4 : i32
      %add3A_785 = arith.addi %mul3A_783, %add3A_784 : i32
      %mul3A_786 = arith.constant 16 : i32
      %mul3A_787 = arith.muli %add3A_785, %mul3A_786 : i32
      %sub3A_788 = arith.subf %get3A_404, %cond3A_217#1 : vector<16xf32>
      %max3A_789 = arith.constant 0.000000e+00 : f32
      %max3A_790 = vector.broadcast %max3A_789 : f32 to vector<16xf32>
      %max3A_791 = arith.maximumf %sub3A_788, %max3A_790 : vector<16xf32>
      %swap3A_792 = arith.constant 1 : i32
      %swap3A_793 = arith.index_cast %swap3A_792 : i32 to index
      %swap3A_794 = arith.index_cast %mul3A_787 : i32 to index
      %swap3A_795 = tpu.vector_load %arg4[%swap3A_793, %swap3A_794] {strides = array<i32>} : memref<4x8192xf32, #tpu.memory_space<vmem>>, vector<16xf32>,
      tpu.vector_store %arg4[%swap3A_793, %swap3A_794], %max3A_791 {strides = array<i32>} : memref<4x8192xf32, #tpu.memory_space<vmem>>, vector<16xf32>,
      %mul3A_796 = arith.constant 8 : i32
      %mul3A_797 = arith.muli %scan3A_224, %mul3A_796 : i32
      %add3A_798 = arith.constant 4 : i32
      %add3A_799 = arith.addi %mul3A_797, %add3A_798 : i32
      %mul3A_800 = arith.constant 16 : i32
      %mul3A_801 = arith.muli %add3A_799, %mul3A_800 : i32
      %sub3A_802 = arith.subf %get3A_414, %cond3A_217#2 : vector<16xf32>
      %max3A_803 = arith.constant 0.000000e+00 : f32
      %max3A_804 = vector.broadcast %max3A_803 : f32 to vector<16xf32>
      %max3A_805 = arith.maximumf %sub3A_802, %max3A_804 : vector<16xf32>
      %swap3A_806 = arith.constant 2 : i32
      %swap3A_807 = arith.index_cast %swap3A_806 : i32 to index
      %swap3A_808 = arith.index_cast %mul3A_801 : i32 to index
      %swap3A_809 = tpu.vector_load %arg4[%swap3A_807, %swap3A_808] {strides = array<i32>} : memref<4x8192xf32, #tpu.memory_space<vmem>>, vector<16xf32>,
      tpu.vector_store %arg4[%swap3A_807, %swap3A_808], %max3A_805 {strides = array<i32>} : memref<4x8192xf32, #tpu.memory_space<vmem>>, vector<16xf32>,
      %mul3A_810 = arith.constant 8 : i32
      %mul3A_811 = arith.muli %scan3A_224, %mul3A_810 : i32
      %add3A_812 = arith.constant 4 : i32
      %add3A_813 = arith.addi %mul3A_811, %add3A_812 : i32
      %mul3A_814 = arith.constant 16 : i32
      %mul3A_815 = arith.muli %add3A_813, %mul3A_814 : i32
      %sub3A_816 = arith.subf %get3A_424, %cond3A_217#3 : vector<16xf32>
      %max3A_817 = arith.constant 0.000000e+00 : f32
      %max3A_818 = vector.broadcast %max3A_817 : f32 to vector<16xf32>
      %max3A_819 = arith.maximumf %sub3A_816, %max3A_818 : vector<16xf32>
      %swap3A_820 = arith.constant 3 : i32
      %swap3A_821 = arith.index_cast %swap3A_820 : i32 to index
      %swap3A_822 = arith.index_cast %mul3A_815 : i32 to index
      %swap3A_823 = tpu.vector_load %arg4[%swap3A_821, %swap3A_822] {strides = array<i32>} : memref<4x8192xf32, #tpu.memory_space<vmem>>, vector<16xf32>,
      tpu.vector_store %arg4[%swap3A_821, %swap3A_822], %max3A_819 {strides = array<i32>} : memref<4x8192xf32, #tpu.memory_space<vmem>>, vector<16xf32>,
      %mul3A_824 = arith.constant 8 : i32
      %mul3A_825 = arith.muli %scan3A_224, %mul3A_824 : i32
      %add3A_826 = arith.constant 5 : i32
      %add3A_827 = arith.addi %mul3A_825, %add3A_826 : i32
      %mul3A_828 = arith.constant 16 : i32
      %mul3A_829 = arith.muli %add3A_827, %mul3A_828 : i32
      %sub3A_830 = arith.subf %get3A_434, %cond3A_217#0 : vector<16xf32>
      %max3A_831 = arith.constant 0.000000e+00 : f32
      %max3A_832 = vector.broadcast %max3A_831 : f32 to vector<16xf32>
      %max3A_833 = arith.maximumf %sub3A_830, %max3A_832 : vector<16xf32>
      %swap3A_834 = arith.constant 0 : i32
      %swap3A_835 = arith.index_cast %swap3A_834 : i32 to index
      %swap3A_836 = arith.index_cast %mul3A_829 : i32 to index
      %swap3A_837 = tpu.vector_load %arg4[%swap3A_835, %swap3A_836] {strides = array<i32>} : memref<4x8192xf32, #tpu.memory_space<vmem>>, vector<16xf32>,
      tpu.vector_store %arg4[%swap3A_835, %swap3A_836], %max3A_833 {strides = array<i32>} : memref<4x8192xf32, #tpu.memory_space<vmem>>, vector<16xf32>,
      %mul3A_838 = arith.constant 8 : i32
      %mul3A_839 = arith.muli %scan3A_224, %mul3A_838 : i32
      %add3A_840 = arith.constant 5 : i32
      %add3A_841 = arith.addi %mul3A_839, %add3A_840 : i32
      %mul3A_842 = arith.constant 16 : i32
      %mul3A_843 = arith.muli %add3A_841, %mul3A_842 : i32
      %sub3A_844 = arith.subf %get3A_444, %cond3A_217#1 : vector<16xf32>
      %max3A_845 = arith.constant 0.000000e+00 : f32
      %max3A_846 = vector.broadcast %max3A_845 : f32 to vector<16xf32>
      %max3A_847 = arith.maximumf %sub3A_844, %max3A_846 : vector<16xf32>
      %swap3A_848 = arith.constant 1 : i32
      %swap3A_849 = arith.index_cast %swap3A_848 : i32 to index
      %swap3A_850 = arith.index_cast %mul3A_843 : i32 to index
      %swap3A_851 = tpu.vector_load %arg4[%swap3A_849, %swap3A_850] {strides = array<i32>} : memref<4x8192xf32, #tpu.memory_space<vmem>>, vector<16xf32>,
      tpu.vector_store %arg4[%swap3A_849, %swap3A_850], %max3A_847 {strides = array<i32>} : memref<4x8192xf32, #tpu.memory_space<vmem>>, vector<16xf32>,
      %mul3A_852 = arith.constant 8 : i32
      %mul3A_853 = arith.muli %scan3A_224, %mul3A_852 : i32
      %add3A_854 = arith.constant 5 : i32
      %add3A_855 = arith.addi %mul3A_853, %add3A_854 : i32
      %mul3A_856 = arith.constant 16 : i32
      %mul3A_857 = arith.muli %add3A_855, %mul3A_856 : i32
      %sub3A_858 = arith.subf %get3A_454, %cond3A_217#2 : vector<16xf32>
      %max3A_859 = arith.constant 0.000000e+00 : f32
      %max3A_860 = vector.broadcast %max3A_859 : f32 to vector<16xf32>
      %max3A_861 = arith.maximumf %sub3A_858, %max3A_860 : vector<16xf32>
      %swap3A_862 = arith.constant 2 : i32
      %swap3A_863 = arith.index_cast %swap3A_862 : i32 to index
      %swap3A_864 = arith.index_cast %mul3A_857 : i32 to index
      %swap3A_865 = tpu.vector_load %arg4[%swap3A_863, %swap3A_864] {strides = array<i32>} : memref<4x8192xf32, #tpu.memory_space<vmem>>, vector<16xf32>,
      tpu.vector_store %arg4[%swap3A_863, %swap3A_864], %max3A_861 {strides = array<i32>} : memref<4x8192xf32, #tpu.memory_space<vmem>>, vector<16xf32>,
      %mul3A_866 = arith.constant 8 : i32
      %mul3A_867 = arith.muli %scan3A_224, %mul3A_866 : i32
      %add3A_868 = arith.constant 5 : i32
      %add3A_869 = arith.addi %mul3A_867, %add3A_868 : i32
      %mul3A_870 = arith.constant 16 : i32
      %mul3A_871 = arith.muli %add3A_869, %mul3A_870 : i32
      %sub3A_872 = arith.subf %get3A_464, %cond3A_217#3 : vector<16xf32>
      %max3A_873 = arith.constant 0.000000e+00 : f32
      %max3A_874 = vector.broadcast %max3A_873 : f32 to vector<16xf32>
      %max3A_875 = arith.maximumf %sub3A_872, %max3A_874 : vector<16xf32>
      %swap3A_876 = arith.constant 3 : i32
      %swap3A_877 = arith.index_cast %swap3A_876 : i32 to index
      %swap3A_878 = arith.index_cast %mul3A_871 : i32 to index
      %swap3A_879 = tpu.vector_load %arg4[%swap3A_877, %swap3A_878] {strides = array<i32>} : memref<4x8192xf32, #tpu.memory_space<vmem>>, vector<16xf32>,
      tpu.vector_store %arg4[%swap3A_877, %swap3A_878], %max3A_875 {strides = array<i32>} : memref<4x8192xf32, #tpu.memory_space<vmem>>, vector<16xf32>,
      %mul3A_880 = arith.constant 8 : i32
      %mul3A_881 = arith.muli %scan3A_224, %mul3A_880 : i32
      %add3A_882 = arith.constant 6 : i32
      %add3A_883 = arith.addi %mul3A_881, %add3A_882 : i32
      %mul3A_884 = arith.constant 16 : i32
      %mul3A_885 = arith.muli %add3A_883, %mul3A_884 : i32
      %sub3A_886 = arith.subf %get3A_474, %cond3A_217#0 : vector<16xf32>
      %max3A_887 = arith.constant 0.000000e+00 : f32
      %max3A_888 = vector.broadcast %max3A_887 : f32 to vector<16xf32>
      %max3A_889 = arith.maximumf %sub3A_886, %max3A_888 : vector<16xf32>
      %swap3A_890 = arith.constant 0 : i32
      %swap3A_891 = arith.index_cast %swap3A_890 : i32 to index
      %swap3A_892 = arith.index_cast %mul3A_885 : i32 to index
      %swap3A_893 = tpu.vector_load %arg4[%swap3A_891, %swap3A_892] {strides = array<i32>} : memref<4x8192xf32, #tpu.memory_space<vmem>>, vector<16xf32>,
      tpu.vector_store %arg4[%swap3A_891, %swap3A_892], %max3A_889 {strides = array<i32>} : memref<4x8192xf32, #tpu.memory_space<vmem>>, vector<16xf32>,
      %mul3A_894 = arith.constant 8 : i32
      %mul3A_895 = arith.muli %scan3A_224, %mul3A_894 : i32
      %add3A_896 = arith.constant 6 : i32
      %add3A_897 = arith.addi %mul3A_895, %add3A_896 : i32
      %mul3A_898 = arith.constant 16 : i32
      %mul3A_899 = arith.muli %add3A_897, %mul3A_898 : i32
      %sub3A_900 = arith.subf %get3A_484, %cond3A_217#1 : vector<16xf32>
      %max3A_901 = arith.constant 0.000000e+00 : f32
      %max3A_902 = vector.broadcast %max3A_901 : f32 to vector<16xf32>
      %max3A_903 = arith.maximumf %sub3A_900, %max3A_902 : vector<16xf32>
      %swap3A_904 = arith.constant 1 : i32
      %swap3A_905 = arith.index_cast %swap3A_904 : i32 to index
      %swap3A_906 = arith.index_cast %mul3A_899 : i32 to index
      %swap3A_907 = tpu.vector_load %arg4[%swap3A_905, %swap3A_906] {strides = array<i32>} : memref<4x8192xf32, #tpu.memory_space<vmem>>, vector<16xf32>,
      tpu.vector_store %arg4[%swap3A_905, %swap3A_906], %max3A_903 {strides = array<i32>} : memref<4x8192xf32, #tpu.memory_space<vmem>>, vector<16xf32>,
      %mul3A_908 = arith.constant 8 : i32
      %mul3A_909 = arith.muli %scan3A_224, %mul3A_908 : i32
      %add3A_910 = arith.constant 6 : i32
      %add3A_911 = arith.addi %mul3A_909, %add3A_910 : i32
      %mul3A_912 = arith.constant 16 : i32
      %mul3A_913 = arith.muli %add3A_911, %mul3A_912 : i32
      %sub3A_914 = arith.subf %get3A_494, %cond3A_217#2 : vector<16xf32>
      %max3A_915 = arith.constant 0.000000e+00 : f32
      %max3A_916 = vector.broadcast %max3A_915 : f32 to vector<16xf32>
      %max3A_917 = arith.maximumf %sub3A_914, %max3A_916 : vector<16xf32>
      %swap3A_918 = arith.constant 2 : i32
      %swap3A_919 = arith.index_cast %swap3A_918 : i32 to index
      %swap3A_920 = arith.index_cast %mul3A_913 : i32 to index
      %swap3A_921 = tpu.vector_load %arg4[%swap3A_919, %swap3A_920] {strides = array<i32>} : memref<4x8192xf32, #tpu.memory_space<vmem>>, vector<16xf32>,
      tpu.vector_store %arg4[%swap3A_919, %swap3A_920], %max3A_917 {strides = array<i32>} : memref<4x8192xf32, #tpu.memory_space<vmem>>, vector<16xf32>,
      %mul3A_922 = arith.constant 8 : i32
      %mul3A_923 = arith.muli %scan3A_224, %mul3A_922 : i32
      %add3A_924 = arith.constant 6 : i32
      %add3A_925 = arith.addi %mul3A_923, %add3A_924 : i32
      %mul3A_926 = arith.constant 16 : i32
      %mul3A_927 = arith.muli %add3A_925, %mul3A_926 : i32
      %sub3A_928 = arith.subf %get3A_504, %cond3A_217#3 : vector<16xf32>
      %max3A_929 = arith.constant 0.000000e+00 : f32
      %max3A_930 = vector.broadcast %max3A_929 : f32 to vector<16xf32>
      %max3A_931 = arith.maximumf %sub3A_928, %max3A_930 : vector<16xf32>
      %swap3A_932 = arith.constant 3 : i32
      %swap3A_933 = arith.index_cast %swap3A_932 : i32 to index
      %swap3A_934 = arith.index_cast %mul3A_927 : i32 to index
      %swap3A_935 = tpu.vector_load %arg4[%swap3A_933, %swap3A_934] {strides = array<i32>} : memref<4x8192xf32, #tpu.memory_space<vmem>>, vector<16xf32>,
      tpu.vector_store %arg4[%swap3A_933, %swap3A_934], %max3A_931 {strides = array<i32>} : memref<4x8192xf32, #tpu.memory_space<vmem>>, vector<16xf32>,
      %mul3A_936 = arith.constant 8 : i32
      %mul3A_937 = arith.muli %scan3A_224, %mul3A_936 : i32
      %add3A_938 = arith.constant 7 : i32
      %add3A_939 = arith.addi %mul3A_937, %add3A_938 : i32
      %mul3A_940 = arith.constant 16 : i32
      %mul3A_941 = arith.muli %add3A_939, %mul3A_940 : i32
      %sub3A_942 = arith.subf %get3A_514, %cond3A_217#0 : vector<16xf32>
      %max3A_943 = arith.constant 0.000000e+00 : f32
      %max3A_944 = vector.broadcast %max3A_943 : f32 to vector<16xf32>
      %max3A_945 = arith.maximumf %sub3A_942, %max3A_944 : vector<16xf32>
      %swap3A_946 = arith.constant 0 : i32
      %swap3A_947 = arith.index_cast %swap3A_946 : i32 to index
      %swap3A_948 = arith.index_cast %mul3A_941 : i32 to index
      %swap3A_949 = tpu.vector_load %arg4[%swap3A_947, %swap3A_948] {strides = array<i32>} : memref<4x8192xf32, #tpu.memory_space<vmem>>, vector<16xf32>,
      tpu.vector_store %arg4[%swap3A_947, %swap3A_948], %max3A_945 {strides = array<i32>} : memref<4x8192xf32, #tpu.memory_space<vmem>>, vector<16xf32>,
      %mul3A_950 = arith.constant 8 : i32
      %mul3A_951 = arith.muli %scan3A_224, %mul3A_950 : i32
      %add3A_952 = arith.constant 7 : i32
      %add3A_953 = arith.addi %mul3A_951, %add3A_952 : i32
      %mul3A_954 = arith.constant 16 : i32
      %mul3A_955 = arith.muli %add3A_953, %mul3A_954 : i32
      %sub3A_956 = arith.subf %get3A_524, %cond3A_217#1 : vector<16xf32>
      %max3A_957 = arith.constant 0.000000e+00 : f32
      %max3A_958 = vector.broadcast %max3A_957 : f32 to vector<16xf32>
      %max3A_959 = arith.maximumf %sub3A_956, %max3A_958 : vector<16xf32>
      %swap3A_960 = arith.constant 1 : i32
      %swap3A_961 = arith.index_cast %swap3A_960 : i32 to index
      %swap3A_962 = arith.index_cast %mul3A_955 : i32 to index
      %swap3A_963 = tpu.vector_load %arg4[%swap3A_961, %swap3A_962] {strides = array<i32>} : memref<4x8192xf32, #tpu.memory_space<vmem>>, vector<16xf32>,
      tpu.vector_store %arg4[%swap3A_961, %swap3A_962], %max3A_959 {strides = array<i32>} : memref<4x8192xf32, #tpu.memory_space<vmem>>, vector<16xf32>,
      %mul3A_964 = arith.constant 8 : i32
      %mul3A_965 = arith.muli %scan3A_224, %mul3A_964 : i32
      %add3A_966 = arith.constant 7 : i32
      %add3A_967 = arith.addi %mul3A_965, %add3A_966 : i32
      %mul3A_968 = arith.constant 16 : i32
      %mul3A_969 = arith.muli %add3A_967, %mul3A_968 : i32
      %sub3A_970 = arith.subf %get3A_534, %cond3A_217#2 : vector<16xf32>
      %max3A_971 = arith.constant 0.000000e+00 : f32
      %max3A_972 = vector.broadcast %max3A_971 : f32 to vector<16xf32>
      %max3A_973 = arith.maximumf %sub3A_970, %max3A_972 : vector<16xf32>
      %swap3A_974 = arith.constant 2 : i32
      %swap3A_975 = arith.index_cast %swap3A_974 : i32 to index
      %swap3A_976 = arith.index_cast %mul3A_969 : i32 to index
      %swap3A_977 = tpu.vector_load %arg4[%swap3A_975, %swap3A_976] {strides = array<i32>} : memref<4x8192xf32, #tpu.memory_space<vmem>>, vector<16xf32>,
      tpu.vector_store %arg4[%swap3A_975, %swap3A_976], %max3A_973 {strides = array<i32>} : memref<4x8192xf32, #tpu.memory_space<vmem>>, vector<16xf32>,
      %mul3A_978 = arith.constant 8 : i32
      %mul3A_979 = arith.muli %scan3A_224, %mul3A_978 : i32
      %add3A_980 = arith.constant 7 : i32
      %add3A_981 = arith.addi %mul3A_979, %add3A_980 : i32
      %mul3A_982 = arith.constant 16 : i32
      %mul3A_983 = arith.muli %add3A_981, %mul3A_982 : i32
      %sub3A_984 = arith.subf %get3A_544, %cond3A_217#3 : vector<16xf32>
      %max3A_985 = arith.constant 0.000000e+00 : f32
      %max3A_986 = vector.broadcast %max3A_985 : f32 to vector<16xf32>
      %max3A_987 = arith.maximumf %sub3A_984, %max3A_986 : vector<16xf32>
      %swap3A_988 = arith.constant 3 : i32
      %swap3A_989 = arith.index_cast %swap3A_988 : i32 to index
      %swap3A_990 = arith.index_cast %mul3A_983 : i32 to index
      %swap3A_991 = tpu.vector_load %arg4[%swap3A_989, %swap3A_990] {strides = array<i32>} : memref<4x8192xf32, #tpu.memory_space<vmem>>, vector<16xf32>,
      tpu.vector_store %arg4[%swap3A_989, %swap3A_990], %max3A_987 {strides = array<i32>} : memref<4x8192xf32, #tpu.memory_space<vmem>>, vector<16xf32>,
    }
    %scan3A_223 = arith.constant 64 : i32
    "tpu.region"() ({
      %run_scoped3A = tpu.sem_alloc : memref<!tpu.dma_semaphore, #tpu.memory_space<semaphore_mem>>
      %dma_start3A = arith.constant 0 : i32
      %dma_start3A_224 = tpu.memref_slice %arg3[%mul3A_2, %dma_start3A] : memref<128x8192xf32, #tpu.memory_space<hbm>> -> memref<4x8192xf32, #tpu.memory_space<hbm>>
      %dma_start3A_225 = arith.constant 0 : i32
      %dma_start3A_226 = tpu.memref_slice %arg3[%mul3A_2, %dma_start3A_225] : memref<128x8192xf32, #tpu.memory_space<hbm>> -> memref<4x8192xf32, #tpu.memory_space<hbm>>
      tpu.enqueue_dma source(%arg4 : memref<4x8192xf32, #tpu.memory_space<vmem>>) target(%dma_start3A_226 : memref<4x8192xf32, #tpu.memory_space<hbm>>) target_semaphore(%run_scoped3A : memref<!tpu.dma_semaphore, #tpu.memory_space<semaphore_mem>>)
      %dma_wait3A = arith.constant 0 : i32
      %dma_wait3A_227 = tpu.memref_slice %arg3[%mul3A_2, %dma_wait3A] : memref<128x8192xf32, #tpu.memory_space<hbm>> -> memref<4x8192xf32, #tpu.memory_space<hbm>>
      %dma_wait3A_228 = arith.constant 0 : i32
      %dma_wait3A_229 = tpu.memref_slice %arg3[%mul3A_2, %dma_wait3A_228] : memref<128x8192xf32, #tpu.memory_space<hbm>> -> memref<4x8192xf32, #tpu.memory_space<hbm>>
      tpu.wait_dma2 semaphore(%run_scoped3A : memref<!tpu.dma_semaphore, #tpu.memory_space<semaphore_mem>>) src(%arg4 : memref<4x8192xf32, #tpu.memory_space<vmem>>) dst(%dma_wait3A_229 : memref<4x8192xf32, #tpu.memory_space<hbm>>)
      tpu.yield
    }) : () -> ()
    return
  }
}

</mosaic_0001>

<sc_bundles>
// kernel: kernel.3.cloned.1.call-start
scs
__scs_entry_jumppad:
0x0: {  	(pc) =	sbr.rel $0x88, $3  }
0x1: {  	(tag) =	ssettag $0x0;
	lr =	simm.s32 $0x1  }
0x2: {  	[smem:$0x3FA0] =	sst lr;
	_ =	strace $0xD0000000  }
0x3: {  	_ = 	snop  }
0x4: {  	_ = 	snop  }
0x5: {  	_ = 	snop  }
0x6: {  	_ = 	snop  }
0x7: {  	_ = 	snop  }
__scs_overlays_trampoline_lowered:
0x8: {  	[smem:$0x3FAF] =	sst s0  }
0x9: {  	[smem:$0x3FB0] =	sst s1  }
0xa: {  	[smem:$0x3FB1] =	sst s2  }
0xb: {  	[smem:$0x3FB2] =	sst s3  }
0xc: {  	[smem:$0x3FB3] =	sst s4  }
0xd: {  	[smem:$0x3FB4] =	sst s5  }
0xe: {  	[smem:$0x3FB5] =	sst s6  }
0xf: {  	[smem:$0x3FB6] =	sst s7  }
0x10: {  	[smem:$0x3FB7] =	sst s8  }
0x11: {  	[smem:$0x3FB8] =	sst s9;
	s0 =	simm.s32 @!p0 $0x0  }
0x12: {  	s1 =	sld [smem:$0x3F9E];
	s0 =	simm.s32 @p0 $0x1  }
0x13: {  	[smem:$0x3FB9] =	sst s0;
	s0 =	simm.s32 @!p1 $0x0  }
0x14: {  	s2 =	sld [smem:$0x3F9D];
	s0 =	simm.s32 @p1 $0x1  }
0x15: {  	[smem:$0x3FBA] =	sst s0;
	s0 =	simm.s32 @!p2 $0x0  }
0x16: {  	s3 =	sld [smem:$0x3FDB];
	s0 =	simm.s32 @p2 $0x1  }
0x17: {  	s4 =	simm.s32 $0x1BF5;
	[smem:$0x3FBC] =	sst s0  }
0x18: {  	s0 =	sld [smem:$0x3F9F];
	_ =	swait.ge [sflag:s4], $0x0  }
0x19: {  	s7 =	sld [smem:$0x3FA0]  }
0x1a: {  	s8 =	sadd.s32 $0xFFFFE003, lr  }
0x1b: {  	s9 =	sadd.s32 $0xFFFFFEF7, lr;
	s5 =	simm.s32 $0xFFFFFFFF;
	p2 =	slt.u32 s8, $0xFFFFF086  }
0x1c: {  	p1 =	slt.u32 s9, $0xF7A;
	s5 =	simm.s32 @!p2 $0x0  }
0x1d: {  	s5 =	simm.s32 @p1 $0x1;
	p0 =	seq.s32 s7, s2  }
0x1e: {  	s7 =	smul.u32 @!p0 $0xF7A, s2;
	p2 =	seq.s32 @!p0 s5, $0x0  }
0x1f: {  	s9 =	smul.u32 $0xF7A, s1;
	s8 =	simm.s32 @!p0 $0x1BF5;
	p2 =	por !p2, p0  }
0x20: {  	[sflag:s8] =	ssyncset.s32 @!p0 $0xFFFFF086;
	s6 =	sadd.s32 @!p0 s3, s7;
	s7 =	simm.s32 @!p0 $0x108  }
0x21: {  	s3 =	sadd.s32 s3, s9;
	s6 =	sadd.s32 @!p0 $0x88, s6;
	s7 =	simm.s32 @p2 $0x1082  }
0x22: {  	[simem:s7], [sflag:s8] =	dma.local @!p0 [hbm:s6], $0xF7A  }
0x23: {  	s9 =	sor.u32 $0xD0000000, s2;
	s6 =	simm.s32 $0x108;
	_ =	swait.ge @!p0 [sflag:s8], $0x0  }
0x24: {  	s3 =	sadd.s32 $0x88, s3;
	s6 =	simm.s32 @!p1 $0x1082;
	[sflag:s4] =	ssyncset.s32 $0xFFFFF086  }
0x25: {  	[simem:s6], [sflag:s4] =	dma.local [hbm:s3], $0xF7A  }
0x26: {  	[smem:$0x3FA0] =	sst s1;
	(tag) =	ssettag s2;
	_ =	strace s9  }
0x27: {  	s1 =	sld [smem:$0x3FB0]  }
0x28: {  	s2 =	sld [smem:$0x3FB1]  }
0x29: {  	s4 =	sld [smem:$0x3FB3]  }
0x2a: {  	p0 =	seq.s32 s5, $0x0;
	s5 =	sld [smem:$0x3FB4]  }
0x2b: {  	s6 =	sld [smem:$0x3FB5]  }
0x2c: {  	s7 =	sld [smem:$0x3FB6]  }
0x2d: {  	s3 =	simm.s32 $0x108;
	s8 =	sld [smem:$0x3FB7]  }
0x2e: {  	s3 =	simm.s32 @!p0 $0x1082;
	s9 =	sld [smem:$0x3FB8]  }
0x2f: {  	lr =	sadd.s32 s0, s3;
	s0 =	sld [smem:$0x3FAF]  }
0x30: {  	s3 =	sld [smem:$0x3FB2]  }
0x31: {  	[smem:$0x3FBB] =	sst s10  }
0x32: {  	s10 =	sld [smem:$0x3FB9];
	_ =	sdelay $0x3  }
0x33: {  	p0 =	seq.s32 s10, $0x1;
	s10 =	sld [smem:$0x3FBB];
	_ =	sdelay $0x3  }
0x34: {  	[smem:$0x3FBB] =	sst s10  }
0x35: {  	s10 =	sld [smem:$0x3FBA];
	_ =	sdelay $0x3  }
0x36: {  	p1 =	seq.s32 s10, $0x1;
	s10 =	sld [smem:$0x3FBB];
	_ =	sdelay $0x3  }
0x37: {  	[smem:$0x3FBB] =	sst s10  }
0x38: {  	s10 =	sld [smem:$0x3FBC]  }
0x39: {  	_ = 	snop;
	(pc) =	sbr.ind lr, $3  }
0x3a: {  	_ = 	snop  }
0x3b: {  	_ = 	snop  }
0x3c: {  	p2 =	seq.s32 s10, $0x1;
	s10 =	sld [smem:$0x3FBB]  }
0x3d: {  	_ =	shalt  }
0x3e: {  	_ =	shalt  }
0x3f: {  	_ =	shalt  }
0x40: {  	_ =	shalt  }
0x41: {  	_ =	shalt  }
0x42: {  	_ =	shalt  }
0x43: {  	_ =	shalt  }
0x44: {  	_ =	shalt  }
0x45: {  	_ =	shalt  }
0x46: {  	_ =	shalt  }
0x47: {  	_ =	shalt  }
0x48: {  	_ =	shalt  }
0x49: {  	_ =	shalt  }
0x4a: {  	_ =	shalt  }
0x4b: {  	_ =	shalt  }
0x4c: {  	_ =	shalt  }
0x4d: {  	_ =	shalt  }
0x4e: {  	_ =	shalt  }
0x4f: {  	_ =	shalt  }
0x50: {  	_ =	shalt  }
0x51: {  	_ =	shalt  }
0x52: {  	_ =	shalt  }
0x53: {  	_ =	shalt  }
0x54: {  	_ =	shalt  }
0x55: {  	_ =	shalt  }
0x56: {  	_ =	shalt  }
0x57: {  	_ =	shalt  }
0x58: {  	_ =	shalt  }
0x59: {  	_ =	shalt  }
0x5a: {  	_ =	shalt  }
0x5b: {  	_ =	shalt  }
0x5c: {  	_ =	shalt  }
0x5d: {  	_ =	shalt  }
0x5e: {  	_ =	shalt  }
0x5f: {  	_ =	shalt  }
0x60: {  	_ =	shalt  }
0x61: {  	_ =	shalt  }
0x62: {  	_ =	shalt  }
0x63: {  	_ =	shalt  }
0x64: {  	_ =	shalt  }
0x65: {  	_ =	shalt  }
0x66: {  	_ =	shalt  }
0x67: {  	_ =	shalt  }
0x68: {  	_ =	shalt  }
0x69: {  	_ =	shalt  }
0x6a: {  	_ =	shalt  }
0x6b: {  	_ =	shalt  }
0x6c: {  	_ =	shalt  }
0x6d: {  	_ =	shalt  }
0x6e: {  	_ =	shalt  }
0x6f: {  	_ =	shalt  }
0x70: {  	_ =	shalt  }
0x71: {  	_ =	shalt  }
0x72: {  	_ =	shalt  }
0x73: {  	_ =	shalt  }
0x74: {  	_ =	shalt  }
0x75: {  	_ =	shalt  }
0x76: {  	_ =	shalt  }
0x77: {  	_ =	shalt  }
0x78: {  	_ =	shalt  }
0x79: {  	_ =	shalt  }
0x7a: {  	_ =	shalt  }
0x7b: {  	_ =	shalt  }
0x7c: {  	_ =	shalt  }
0x7d: {  	_ =	shalt  }
0x7e: {  	_ =	shalt  }
0x7f: {  	_ =	shalt  }
0x80: {  	_ =	shalt  }
0x81: {  	_ =	shalt  }
0x82: {  	_ =	shalt  }
0x83: {  	_ =	shalt  }
0x84: {  	_ =	shalt  }
0x85: {  	_ =	shalt  }
0x86: {  	_ =	shalt  }
0x87: {  	_ =	shalt  }
.Lfunc_end0:
.L_simem_size_0:
called_computation_lowered:
.L_overlay_start_0:
0x88: {  	s2 =	sld [smem:$0x3FD9]  }
0x89: {  	s3 =	sld [smem:$0x3FFE];
	_ =	sdelay $0x1  }
0x8a: {  	s1 =	srdreg.scid  }
0x8b: {  	s0 =	sand.u32 $0x1, s1  }
0x8c: {  	s18 =	sshll.u32 s0, $0xA;
	s2 =	sadd.s32 s3, s2  }
0x8d: {  	s2 =	sadd.s32 s2, s18  }
0x8e: {  	[smem:$0x3FC7] =	sst s2  }
0x8f: {  	_ = 	snop  }
0x90: {  	s2 =	sld [smem:$0x3FC9]  }
0x91: {  	s19 =	sld [smem:$0x3FD0];
	(tm) =	ssettm $0x1  }
0x92: {  	s4 =	sld [smem:$0x3FFB];
	_ =	sdelay $0x3  }
0x93: {  	_ =	strace s4  }
0x94: {  	s4 =	sld [smem:$0x3FFC];
	_ =	sdelay $0x3  }
0x95: {  	_ =	strace s4  }
0x96: {  	s4 =	sld [smem:$0x3FFD];
	_ =	sdelay $0x3  }
0x97: {  	_ =	strace s4  }
0x98: {  	_ =	strace $0x8FFFFFFF  }
0x99: {  	s20 =	sld [smem:$0x3FDB];
	_ =	sdelay $0x1  }
0x9a: {  	s5 =	simm.s32 $_scs_section_size  }
0x9b: {  	s6 =	simm.s32 $_size__tile_overlayer_lowered;
	s7 =	simm.s32 $_tile_overlayer_lowered  }
0x9c: {  	s23 =	simm.s32 $0x1BFF;
	s22 =	sshll.u32 s7, $0x1;
	s4 =	sadd.s32 s5, s20  }
0x9d: {  	s8 =	simm.s32 $0x0;
	s21 =	sshll.u32 s6, $0x1;
	s6 =	sadd.s32 s22, s4  }
0x9e: {  	[timem:s8], [sflag:s23] =	dma.local [hbm:s6], s21  }
0x9f: {  	_ =	swait.ge [sflag:s23], s21  }
0xa0: {  	s5 =	ssub.s32 $0x0, s21;
	[sflag:s23] =	ssyncset.done $0x0  }
0xa1: {  	[sflag:s23] =	ssyncadd.s32 s5;
	_ =	sdelay $0x1  }
0xa2: {  	s24 =	simm.s32 $0x1B8B  }
0xa3: {  	_ =	swait.ge [sflag:s24], $0x1  }
0xa4: {  	[sflag:s24] =	ssyncset.done $0x0  }
0xa5: {  	s25 =	simm.s32 $0x1B8E;
	[sflag:s24] =	ssyncadd.s32 $0xFFFFFFFF  }
0xa6: {  	s26 =	simm.s32 $execute0_lowered;
	[smem:$0x3FD2] =	sst s25  }
0xa7: {  	s5 =	sshll.u32 s26, $0x1;
	_ =	strace $0x80000046;
	[dreg:$0x1] =	wrdreg $0xFFFFFFFF  }
0xa8: {  	s28 =	simm.s32 $_size_execute0_lowered;
	s4 =	sadd.s32 s4, s5;
	[dreg:$0x0] =	wrdreg $0x0  }
0xa9: {  	s5 =	sshll.u32 s28, $0x1;
	[dreg:$0x2] =	wrdreg s4  }
0xaa: {  	[dreg:$0x3] =	wrdreg s5  }
0xab: {  	[dreg:$0x4] =	wrdreg $0xC0  }
0xac: {  	_ =	task [dreg:s8], $0x5FFFF  }
0xad: {  	[dreg:$0x1] =	wrdreg $0xFFFFFFFF  }
0xae: {  	[dreg:$0x0] =	wrdreg $0x60  }
0xaf: {  	[dreg:$0x2] =	wrdreg s2  }
0xb0: {  	[dreg:$0x3] =	wrdreg s19  }
0xb1: {  	[dreg:$0x4] =	wrdreg $0x9  }
0xb2: {  	_ =	task.clear_ibuf [dreg:s8], $0x5FFFF;
	_ =	strace $0x90000046  }
0xb3: {  	s29 =	simm.s32 $0x9;
	_ =	strace $0x80000048  }
0xb4: {  	_ =	swait.ge [sflag:s29], $0x1  }
0xb5: {  	[sflag:s29] =	ssyncadd.s32 $0xFFFFFFFF  }
0xb6: {  	_ =	strace $0x90000048  }
0xb7: {  	_ =	sfence  }
0xb8: {  	s30 =	sld [smem:$0x0];
	_ =	sdelay $0x2  }
0xb9: {  	s31 =	sshll.u32 s1, $0xD;
	s1 =	sshrl.u32 s1, $0x2  }
0xba: {  	s3 =	sand.u32 $0x4000, s31;
	s1 =	sadd.s32 s1, s30  }
0xbb: {  	s0 =	sor.u32 s3, s0;
	s1 =	sshll.u32 s1, $0x11  }
0xbc: {  	s0 =	sor.u32 s1, s0  }
0xbd: {  	s0 =	sadd.s32 $0x8F2B, s0  }
0xbe: {  	[sflag:s0] =	ssyncadd.remote.s32 $0x1  }
0xbf: {  	_ =	sfence.sel $0xFFFF  }
0xc0: {  	[dreg:$0x0] =	wrdreg $0xFFFFFFFF;
	(pc) =	sbr.abs _section_cstart, $3  }
0xc1: {  	[dreg:$0x1] =	wrdreg $0xFFFFFFFF  }
0xc2: {  	_ =	task.clear_ibuf [dreg:s8], $0x2FFFF;
	_ =	strace $0x9FFFFFFF  }
0xc3: {  	(tm) =	ssettm $0x7FFFFFFF  }
tec
execute0_lowered:
.L_overlay_start_1:
0x0: {  	(tag) =	ssettag $0x1  }
0x1: {  	s3 =	rddreg [dreg:$0x0]  }
0x2: {  	s4 =	rddreg [dreg:$0x1];
	s1 =	srdreg.scid  }
0x3: {  	s0 =	rddreg [dreg:$0x2];
	s2 =	simm.s32 $0x0;
	s9 =	simm.s32 $0x8000  }
0x4: {  	s10 =	simm.s32 $0x10080;
	s11 =	simm.s32 $0x0;
	s5 =	sand.u32 $0x1, s1  }
0x5: {  	[smem:$0x7FF] =	sst s2;
	s1 =	stileid.u32;
	s6 =	ssub.s32 $0x2, s5  }
0x6: {  	s8 =	sshll.u32 s1, $0xD;
	s5 =	sshll.u32 s5, $0x6;
	_ =	strace $0x80000047  }
0x7: {  	s7 =	sshrl.u32 s6, $0x1;
	s5 =	sor.u32 s5, s8;
	s8 =	simm.s32 $0x1  }
0x8: {  	s6 =	ssub.s32 s6, s7;
	s3 =	sadd.s32 s3, s5;
	s4 =	sadd.s32 s4, s5  }
0x9: {  	v0 =	vimm.s32 $0x0;
	v1 =	vlaneseq.u32;
	v2 =	vimm.f32 $0.0e+00;
	s7 =	simm.s32 $0x400;
	s5 =	smax.u32 s6, $0x1;
	s6 =	simm.s32 $0x200  }
.LBB2_1:
0xa: {  	[tilespmem:s2], [sflag:$0x1] =	stream.strided.gather [hbm4b:s3+s6], $0x8000, s7, s6, $0x38;
	[tilespmem:$0x18100] =	vst v63  }
0xb: {  	_ =	swait.ge [sflag:s8], $0x8000  }
0xc: {  	[sflag:s8] =	ssyncset.done $0x0  }
0xd: {  	s13 =	simm.s32 $0x0;
	[sflag:s8] =	ssyncadd.s32 $0xFFFF8000  }
0xe: {  	v3 =	vld [tilespmem:s13+$0x180]  }
0xf: {  	v4 =	vld [tilespmem:s13+$0x190]  }
0x10: {  	v5 =	vld [tilespmem:s13+$0x1A0]  }
0x11: {  	v6 =	vld [tilespmem:s13+$0x1B0]  }
0x12: {  	v7 =	vld [tilespmem:s13+$0x1C0]  }
0x13: {  	v8 =	vld [tilespmem:s13+$0x1D0]  }
0x14: {  	v9 =	vld [tilespmem:s13+$0x1E0]  }
0x15: {  	v10 =	vld [tilespmem:s13+$0x1F0]  }
0x16: {  	v11 =	vld [tilespmem:s13+$0x0]  }
0x17: {  	v12 =	vld [tilespmem:s13+$0x10]  }
0x18: {  	v13 =	vld [tilespmem:s13+$0x20]  }
0x19: {  	v14 =	vld [tilespmem:s13+$0x30]  }
0x1a: {  	v15 =	vld [tilespmem:s13+$0x40]  }
0x1b: {  	v16 =	vld [tilespmem:s13+$0x50]  }
0x1c: {  	v17 =	vld [tilespmem:s13+$0x60]  }
0x1d: {  	v18 =	vld [tilespmem:s13+$0x70]  }
0x1e: {  	v19 =	vld [tilespmem:s13+$0x80]  }
0x1f: {  	v20 =	vld [tilespmem:s13+$0x90]  }
0x20: {  	v21 =	vld [tilespmem:s13+$0xA0]  }
0x21: {  	v22 =	vld [tilespmem:s13+$0xB0]  }
0x22: {  	v23 =	vld [tilespmem:s13+$0xC0]  }
0x23: {  	v24 =	vld [tilespmem:s13+$0xD0]  }
0x24: {  	v25 =	vld [tilespmem:s13+$0xE0]  }
0x25: {  	v26 =	vld [tilespmem:s13+$0xF0]  }
0x26: {  	v27 =	vld [tilespmem:s13+$0x100]  }
0x27: {  	v28 =	vld [tilespmem:s13+$0x110]  }
0x28: {  	v29 =	vld [tilespmem:s13+$0x120]  }
0x29: {  	v30 =	vld [tilespmem:s13+$0x140];
	v3 =	vmax.f32 v3, v4;
	v5 =	vmax.f32 v5, v6  }
0x2a: {  	v4 =	vld [tilespmem:s13+$0x130];
	v6 =	vmax.f32 v7, v8;
	v7 =	vmax.f32 v9, v10;
	v8 =	vmax.f32 v13, v14  }
0x2b: {  	v9 =	vmax.f32 v15, v16;
	v3 =	vmax.f32 v3, v5;
	v5 =	vmax.f32 v6, v7;
	v6 =	vld [tilespmem:s13+$0x150]  }
0x2c: {  	v10 =	vmax.f32 v17, v18;
	v13 =	vmax.f32 v21, v22;
	v7 =	vmax.f32 v11, v12;
	v11 =	vld [tilespmem:s13+$0x170]  }
0x2d: {  	s12 =	simm.s32 $0x200;
	v14 =	vmax.f32 v23, v24;
	v15 =	vmax.f32 v25, v26;
	v3 =	vmax.f32 v3, v5;
	v5 =	vld [tilespmem:s13+$0x160]  }
0x2e: {  	v9 =	vmax.f32 v9, v10;
	v10 =	vmax.f32 v19, v20;
	v12 =	vmax.f32 v7, v8;
	v7 =	vld [tilespmem:s12+$0x180]  }
0x2f: {  	v8 =	vld [tilespmem:s12+$0x190];
	v10 =	vmax.f32 v10, v13;
	v63 =	vmax.f32 v12, v9;
	v12 =	vmax.f32 v14, v15  }
0x30: {  	v9 =	vld [tilespmem:s12+$0x1A0];
	v13 =	vmax.f32 v10, v12  }
0x31: {  	v12 =	vmax.f32 v27, v28;
	v10 =	vld [tilespmem:s12+$0x1B0];
	v14 =	vmax.f32 v29, v4;
	v4 =	vimm.f32 $-3.000000010e+38  }
0x32: {  	v6 =	vmax.f32 v30, v6;
	v14 =	vmax.f32 v12, v14;
	v12 =	vld [tilespmem:s12+$0x1D0];
	v5 =	vmax.f32 v5, v11  }
0x33: {  	v3 =	vmax.f32 v4, v3;
	v11 =	vld [tilespmem:s12+$0x1C0];
	v15 =	vmax.f32 v6, v5  }
0x34: {  	s13 =	simm.s32 $0x1000;
	v6 =	vmax.f32 v4, v63;
	v5 =	vmax.f32 v4, v13;
	v13 =	vld [tilespmem:s12+$0x1E0];
	v14 =	vmax.f32 v14, v15  }
.LBB2_2:
0x35: {  	p0 =	sne.s32 s13, $0x1F800;
	v15 =	vld [tilespmem:s12+$0x1F0];
	v4 =	vmax.f32 v4, v14  }
0x36: {  	v14 =	vld [tilespmem:s12+$0x0]  }
0x37: {  	v16 =	vld [tilespmem:s12+$0x10]  }
0x38: {  	v17 =	vld [tilespmem:s12+$0x20]  }
0x39: {  	v7 =	vmax.f32 v7, v8;
	v18 =	vld [tilespmem:s12+$0x30]  }
0x3a: {  	v9 =	vmax.f32 v9, v10;
	v10 =	vmax.f32 v11, v12;
	v8 =	vld [tilespmem:s12+$0x40];
	v11 =	vmax.f32 v13, v15  }
0x3b: {  	v7 =	vmax.f32 v7, v9;
	v12 =	vld [tilespmem:s12+$0x50];
	v9 =	vmax.f32 v10, v11  }
0x3c: {  	v10 =	vld [tilespmem:s12+$0x60];
	v11 =	vmax.f32 v14, v16;
	v7 =	vmax.f32 v7, v9  }
0x3d: {  	v9 =	vld [tilespmem:s12+$0x70];
	v3 =	vmax.f32 v3, v7  }
0x3e: {  	v7 =	vmax.f32 v17, v18;
	v13 =	vld [tilespmem:s12+$0x80]  }
0x3f: {  	v7 =	vmax.f32 v11, v7;
	v11 =	vld [tilespmem:s12+$0x90]  }
0x40: {  	v8 =	vmax.f32 v8, v12;
	v12 =	vld [tilespmem:s12+$0xA0]  }
0x41: {  	v14 =	vld [tilespmem:s12+$0xB0]  }
0x42: {  	v9 =	vmax.f32 v10, v9;
	v10 =	vld [tilespmem:s12+$0xC0]  }
0x43: {  	v8 =	vmax.f32 v8, v9;
	v9 =	vld [tilespmem:s12+$0xD0]  }
0x44: {  	v7 =	vmax.f32 v7, v8;
	v8 =	vld [tilespmem:s12+$0xE0];
	v11 =	vmax.f32 v13, v11  }
0x45: {  	v6 =	vmax.f32 v6, v7;
	v7 =	vld [tilespmem:s12+$0xF0]  }
0x46: {  	v12 =	vmax.f32 v12, v14;
	v13 =	vld [tilespmem:s12+$0x100]  }
0x47: {  	v11 =	vmax.f32 v11, v12;
	v12 =	vld [tilespmem:s12+$0x110]  }
0x48: {  	v9 =	vmax.f32 v10, v9;
	v10 =	vld [tilespmem:s12+$0x120]  }
0x49: {  	v14 =	vld [tilespmem:s12+$0x130]  }
0x4a: {  	v7 =	vmax.f32 v8, v7;
	v15 =	vld [tilespmem:s12+$0x140]  }
0x4b: {  	v7 =	vmax.f32 v9, v7;
	v16 =	vld [tilespmem:s12+$0x150]  }
0x4c: {  	v7 =	vmax.f32 v11, v7;
	v17 =	vld [tilespmem:s12+$0x160];
	v9 =	vmax.f32 v13, v12  }
0x4d: {  	v5 =	vmax.f32 v5, v7;
	v12 =	vld [tilespmem:s12+$0x170];
	s12 =	sshra.s32 s13, $0x2  }
0x4e: {  	v7 =	vld [tilespmem:s12+$0x180];
	v10 =	vmax.f32 v10, v14  }
0x4f: {  	v8 =	vld [tilespmem:s12+$0x190];
	v14 =	vmax.f32 v9, v10  }
.Ltmp0:
0x50: {  	v9 =	vld [tilespmem:s12+$0x1A0];
	v13 =	vmax.f32 v15, v16;
	(pc) =	sbr.rel @p0 .LBB2_2-.Ltmp0, $4  }
0x51: {  	v10 =	vld [tilespmem:s12+$0x1B0]  }
0x52: {  	v11 =	vld [tilespmem:s12+$0x1C0];
	v15 =	vmax.f32 v17, v12  }
0x53: {  	v12 =	vld [tilespmem:s12+$0x1D0];
	v15 =	vmax.f32 v13, v15  }
0x54: {  	s13 =	sadd.s32 $0x800, s13;
	v13 =	vld [tilespmem:s12+$0x1E0];
	v14 =	vmax.f32 v14, v15  }
0x55: {  	v15 =	vld [tilespmem:s12+$0x0]  }
0x56: {  	v16 =	vld [tilespmem:s12+$0x10]  }
0x57: {  	v17 =	vld [tilespmem:s12+$0x20]  }
0x58: {  	v18 =	vld [tilespmem:s12+$0x30]  }
0x59: {  	v19 =	vld [tilespmem:s12+$0x40]  }
0x5a: {  	v20 =	vld [tilespmem:s12+$0x50]  }
0x5b: {  	v21 =	vld [tilespmem:s12+$0x60]  }
0x5c: {  	v22 =	vld [tilespmem:s12+$0x70]  }
0x5d: {  	v23 =	vld [tilespmem:s12+$0x80]  }
0x5e: {  	v24 =	vld [tilespmem:s12+$0x90]  }
0x5f: {  	v25 =	vld [tilespmem:s12+$0xA0]  }
0x60: {  	v26 =	vld [tilespmem:s12+$0xB0]  }
0x61: {  	v27 =	vld [tilespmem:s12+$0xC0]  }
0x62: {  	v28 =	vld [tilespmem:s12+$0xD0]  }
0x63: {  	v29 =	vld [tilespmem:s12+$0xE0]  }
0x64: {  	v30 =	vld [tilespmem:s12+$0xF0]  }
0x65: {  	v31 =	vld [tilespmem:s12+$0x100]  }
0x66: {  	v32 =	vld [tilespmem:s12+$0x110]  }
0x67: {  	v33 =	vld [tilespmem:s12+$0x120]  }
0x68: {  	v34 =	vld [tilespmem:s12+$0x130]  }
0x69: {  	v35 =	vld [tilespmem:s12+$0x140]  }
0x6a: {  	v15 =	vmax.f32 v15, v16;
	v16 =	vld [tilespmem:s12+$0x150]  }
0x6b: {  	v17 =	vmax.f32 v17, v18;
	v18 =	vmax.f32 v19, v20;
	v19 =	vmax.f32 v21, v22;
	v20 =	vld [tilespmem:s12+$0x160]  }
0x6c: {  	v15 =	vmax.f32 v15, v17;
	v17 =	vmax.f32 v18, v19;
	v18 =	vld [tilespmem:s12+$0x170]  }
0x6d: {  	v4 =	vmax.f32 v4, v14;
	v15 =	vmax.f32 v15, v17  }
0x6e: {  	v17 =	vmax.f32 v23, v24;
	v6 =	vmax.f32 v6, v15;
	v15 =	vmax.f32 v25, v26  }
0x6f: {  	v21 =	vmax.f32 v29, v30;
	v22 =	vld [tilespmem:s12+$0x1F0];
	v19 =	vmax.f32 v27, v28;
	v15 =	vmax.f32 v17, v15  }
0x70: {  	v17 =	vmax.f32 v19, v21;
	v19 =	vmax.f32 v31, v32;
	v21 =	vmax.f32 v33, v34  }
0x71: {  	(xrf0) =	vmax.scan.msk.f32 $0xffff, v6;
	v6 =	vmax.f32 v7, v8;
	v16 =	vmax.f32 v35, v16;
	v18 =	vmax.f32 v20, v18  }
0x72: {  	v15 =	vmax.f32 v15, v17;
	v17 =	vmax.f32 v19, v21;
	v16 =	vmax.f32 v16, v18  }
0x73: {  	v7 =	vmax.f32 v11, v12;
	v5 =	vmax.f32 v5, v15;
	v14 =	vmax.f32 v17, v16  }
0x74: {  	v8 =	vmax.f32 v13, v22;
	(xrf0) =	vmax.scan.msk.f32 $0xffff, v5;
	v5 =	vmax.f32 v9, v10;
	v4 =	vmax.f32 v4, v14  }
0x75: {  	(xrf0) =	vmax.scan.msk.f32 $0xffff, v4;
	v4 =	vmax.f32 v6, v5;
	v5 =	vmax.f32 v7, v8  }
0x76: {  	v4 =	vmax.f32 v4, v5  }
0x77: {  	v3 =	vmax.f32 v3, v4;
	_ =	sdelay $0x1  }
0x78: {  	v4, _, _ =	vpop (xrf0)  }
0x79: {  	(xrf0) =	vmax.scan.msk.f32 $0xffff, v3;
	v3, _, _ =	vpop (xrf0);
	(v2sf) =	vpush v4, $0xF  }
0x7a: {  	v4, _, _ =	vpop (xrf0);
	(v2sf) =	vpush v3, $0xF  }
0x7b: {  	(v2sf) =	vpush v4, $0xF;
	_ =	sdelay $0x6  }
0x7c: {  	v3, _, _ =	vpop (xrf0)  }
0x7d: {  	(v2sf) =	vpush v3, $0xF  }
0x7e: {  	p0 =	por $0x0, $0x0;
	s12 =	simm.s32 $0x0  }
0x7f: {  	s16 =	simm.s32 $0x1;
	s17 =	sand.u32 $0x40, s12;
	s18 =	sand.u32 $0x7E00, s12  }
0x80: {  	s16 =	simm.s32 @!p0 $0x0;
	s20 =	sor.u32 s17, s18  }
0x81: {  	s16 =	sshll.u32 s16, $0x6;
	v7 =	vld [tilespmem:s20+$0x80]  }
0x82: {  	s16 =	sadd.s32 $0x0, s16;
	v8 =	vld [tilespmem:s20+$0x0];
	s19 =	spop (v2sf)  }
0x83: {  	s22 =	sor.u32 $0x100, s16;
	v12 =	vimm.s32 $0x4020;
	v18 =	vld [tilespmem:s20+$0x90];
	s13 =	spop (v2sf);
	s15 =	sadd.f32 $-1.000000000e+00, s19  }
0x84: {  	s24 =	sadd.s32 $0x10, s16;
	v11 =	vimm.s32 $0x0;
	v28 =	vadd.s32 v1, v12;
	v10 =	vld [tilespmem:s22+$0x0];
	v9 =	vimm.s32 $0x6030;
	s14 =	spop (v2sf);
	s19 =	sadd.f32 $-1.000000000e+00, s13  }
0x85: {  	s25 =	sor.u32 $0x100, s24;
	v25 =	vadd.s32 v1, v11;
	v16 =	vimm.s32 $0x2010;
	v29 =	vadd.s32 v1, v9;
	v14 =	vld [tilespmem:s20+$0xA0];
	s14 =	sadd.f32 $-1.000000000e+00, s14  }
0x86: {  	v23 =	vld [tilespmem:s25+$0x0];
	v22 =	vadd.s32 v1, v16;
	v3 =	vmov s15;
	v4 =	vmov s19  }
0x87: {  	v17 =	vld [tilespmem:s20+$0x10];
	vm0 =	vgt.f32 v8, v3;
	v5 =	vmov s14;
	vm1 =	vgt.f32 v7, v4  }
0x88: {  	v27 =	vnsel vm0, $0xFF61B1E6, v8;
	vm4 =	vgt.f32 v18, v4;
	v15 =	vmpcnt.ones.xlane vm1  }
0x89: {  	vm2 =	vgt.f32 v10, v5;
	v30 =	vnsel vm1, $0xFF61B1E6, v7;
	v7 =	vmpcnt.ones.xlane vm0  }
0x8a: {  	s23 =	sor.u32 $0x180, s16;
	vm0 =	vgt.f32 v14, v4;
	v62 =	vmpcnt.ones.xlane vm4;
	v18 =	vnsel vm4, $0xFF61B1E6, v18  }
0x8b: {  	s26 =	sadd.s32 $0x20, s16;
	v13 =	vld [tilespmem:s23+$0x0];
	vm4 =	vgt.f32 v23, v5;
	v19 =	vmpcnt.ones.xlane vm2;
	v61 =	vnsel vm2, $0xFF61B1E6, v10  }
0x8c: {  	s31 =	sor.u32 $0x180, s26;
	s21 =	spop (v2sf);
	vm2 =	vgt.f32 v17, v3;
	v10 =	vnsel vm0, $0xFF61B1E6, v14;
	v24 =	vmpcnt.ones.xlane vm0  }
0x8d: {  	v36 =	vld [tilespmem:s31+$0x0];
	s17 =	sadd.f32 $-1.000000000e+00, s21;
	v39 =	vmpcnt.ones.xlane vm4;
	vm7 =	vgt.s32 v15, $0x0;
	vm9 =	vgt.s32 v7, $0x0  }
0x8e: {  	s29 =	sadd.s32 $0x30, s16;
	s14 =	sor.u32 $0x180, s24;
	v8 =	vmpcnt.ones.xlane vm2;
	v20 =	vnsel vm2, $0xFF61B1E6, v17;
	vm6 =	vgt.s32 v62, $0x0  }
0x8f: {  	s16 =	sor.u32 $0x100, s29;
	v31 =	vld [tilespmem:s14+$0x0];
	v6 =	vmov s17;
	vm11 =	vgt.s32 v19, $0x0;
	v26 =	vsel vm7, $0x10, v0  }
0x90: {  	s30 =	sor.u32 $0x180, s29;
	v7 =	vld [tilespmem:s16+$0x0];
	v14 =	vsel vm9, $0x10, v0;
	v40 =	vsel vm6, $0x10, v0;
	vm1 =	vgt.f32 v13, v6  }
0x91: {  	s28 =	sor.u32 $0x100, s26;
	v15 =	vsel vm11, $0x10, v0;
	vm3 =	vgt.s32 v8, $0x0;
	v8 =	vld [tilespmem:s30+$0x0];
	v37 =	vadd.s32 v11, v14  }
0x92: {  	v38 =	vadd.s32 v16, v26;
	vm13 =	vgt.f32 v36, v6;
	v60 =	vnsel vm1, $0xFF61B1E6, v13;
	v13 =	vld [tilespmem:s28+$0x0]  }
0x93: {  	v11 =	vld [tilespmem:s20+$0xB0];
	v19 =	vmpcnt.ones.xlane vm1;
	v21 =	vadd.s32 v12, v15;
	v63 =	vsel vm3, $0x10, v0  }
0x94: {  	v14 =	vld [tilespmem:s20+$0x20];
	vm1 =	vgt.f32 v31, v6;
	v32 =	vmpcnt.ones.xlane vm13;
	v15 =	vadd.s32 v1, v21  }
0x95: {  	v17 =	vnsel vm1, $0xFF61B1E6, v31;
	v31 =	vmpcnt.ones.xlane vm1;
	v26 =	vadd.s32 v37, v63  }
0x96: {  	vm12 =	vgt.s32 v19, $0x0;
	vm0 =	vgt.f32 v7, v5;
	v19 =	vnsel vm4, $0xFF61B1E6, v23  }
0x97: {  	v23 =	vadd.s32 v1, v38;
	v16 =	vmpcnt.ones.xlane vm0;
	vm8 =	vgt.f32 v13, v5  }
0x98: {  	v33 =	vsel vm12, $0x10, v0;
	vm2 =	vgt.f32 v8, v6;
	v12 =	vnsel vm8, $0xFF61B1E6, v13;
	v13 =	vld [tilespmem:s20+$0x30]  }
0x99: {  	vm4 =	vgt.f32 v11, v4;
	vm10 =	vgt.f32 v14, v3;
	vm1 =	vgt.s32 v16, $0x0  }
0x9a: {  	v16 =	vnsel vm13, $0xFF61B1E6, v36;
	v34 =	vmpcnt.ones.xlane vm10;
	[tilespmem:v25+s9+$0x0] =	vst.idx.msk vm9, v27;
	vm9 =	vgt.s32 v39, $0x0  }
0x9b: {  	v27 =	vmpcnt.ones.xlane vm4;
	v25 =	vsel vm1, $0x10, v0;
	[tilespmem:v22+s9+$0x0] =	vst.idx.msk vm7, v30;
	vm7 =	vgt.s32 v31, $0x0  }
0x9c: {  	v31 =	vmpcnt.ones.xlane vm2;
	v22 =	vadd.s32 v1, v26;
	[tilespmem:v28+s9+$0x0] =	vst.idx.msk vm11, v61;
	v28 =	vadd.s32 v1, v37  }
0x9d: {  	s13 =	simm.s32 $0x40;
	v30 =	vsel vm7, $0x10, v0;
	[tilespmem:v29+s9+$0x0] =	vst.idx.msk vm12, v60;
	v29 =	vadd.s32 v38, v40;
	vm5 =	vgt.f32 v13, v3  }
.LBB2_4:
0x9e: {  	p1 =	sne.s32 s13, $0x1FC0;
	v9 =	vadd.s32 v9, v33;
	v14 =	vnsel vm10, $0xFF61B1E6, v14;
	vm11 =	vgt.s32 v24, $0x0;
	s12 =	sadd.s32 $0x100, s12;
	p0 =	por !p0, !p0  }
0x9f: {  	v24 =	vadd.s32 v1, v29;
	s14 =	smov.u32 s13;
	s13 =	sadd.s32 $0x40, s13;
	vm13 =	vgt.s32 v34, $0x0;
	v33 =	vsel vm11, $0x10, v0  }
0xa0: {  	vm12 =	vgt.s32 v32, $0x0;
	vm10 =	vgt.s32 v31, $0x0;
	v29 =	vadd.s32 v29, v33  }
0xa1: {  	v31 =	vsel vm9, $0x10, v0;
	v32 =	vmpcnt.ones.xlane vm8;
	v33 =	vsel vm12, $0x10, v0  }
0xa2: {  	[tilespmem:v28+s9+$0x0] =	vst.idx.msk vm3, v20;
	v20 =	vadd.s32 v21, v31;
	v21 =	vmpcnt.ones.xlane vm5;
	v28 =	vsel vm10, $0x10, v0  }
0xa3: {  	[tilespmem:v23+s9+$0x0] =	vst.idx.msk vm6, v18;
	v18 =	vadd.s32 v9, v30;
	v23 =	vsel vm13, $0x10, v0;
	v30 =	vadd.s32 v1, v20  }
0xa4: {  	v13 =	vnsel vm5, $0xFF61B1E6, v13;
	v9 =	vadd.s32 v1, v9;
	[tilespmem:v15+s9+$0x0] =	vst.idx.msk vm9, v19;
	v15 =	vadd.s32 v26, v23  }
0xa5: {  	vm3 =	vgt.s32 v21, $0x0;
	v21 =	vadd.s32 v1, v29;
	v19 =	vadd.s32 v1, v15  }
0xa6: {  	vm5 =	vgt.s32 v27, $0x0;
	v23 =	vadd.s32 v1, v18;
	v26 =	vsel vm3, $0x10, v0  }
0xa7: {  	v11 =	vnsel vm4, $0xFF61B1E6, v11;
	vm6 =	vgt.s32 v32, $0x0;
	v15 =	vadd.s32 v15, v26  }
0xa8: {  	v27 =	vsel vm5, $0x10, v0;
	v18 =	vadd.s32 v18, v33;
	v26 =	vsel vm6, $0x10, v0  }
0xa9: {  	[tilespmem:v9+s9+$0x0] =	vst.idx.msk vm7, v17;
	v17 =	vadd.s32 v20, v26;
	v9 =	vadd.s32 v18, v28  }
0xaa: {  	v7 =	vnsel vm0, $0xFF61B1E6, v7;
	v8 =	vnsel vm2, $0xFF61B1E6, v8;
	[tilespmem:v22+s9+$0x0] =	vst.idx.msk vm13, v14;
	v14 =	vadd.s32 v1, v18  }
0xab: {  	v22 =	vadd.s32 v29, v27;
	[tilespmem:v24+s9+$0x0] =	vst.idx.msk vm11, v10;
	v10 =	vadd.s32 v1, v17  }
0xac: {  	v17 =	vadd.s32 v17, v25  }
0xad: {  	[tilespmem:v30+s9+$0x0] =	vst.idx.msk vm6, v12  }
0xae: {  	[tilespmem:v23+s9+$0x0] =	vst.idx.msk vm12, v16  }
0xaf: {  	[tilespmem:v19+s9+$0x0] =	vst.idx.msk vm3, v13  }
0xb0: {  	s15 =	simm.s32 $0x1;
	[tilespmem:v21+s9+$0x0] =	vst.idx.msk vm5, v11  }
0xb1: {  	s15 =	simm.s32 @!p0 $0x0;
	s14 =	sand.u32 $0x40, s14;
	s16 =	sand.u32 $0x7E00, s12;
	[tilespmem:v10+s9+$0x0] =	vst.idx.msk vm1, v7  }
0xb2: {  	s15 =	sshll.u32 s15, $0x6;
	s14 =	sor.u32 s14, s16;
	[tilespmem:v14+s9+$0x0] =	vst.idx.msk vm10, v8  }
0xb3: {  	s15 =	sadd.s32 s15, s12;
	v7 =	vld [tilespmem:s14+$0x80]  }
0xb4: {  	s16 =	sor.u32 $0x100, s15;
	s17 =	sor.u32 $0x180, s15;
	s18 =	sadd.s32 $0x10, s15;
	v8 =	vld [tilespmem:s14+$0x0]  }
0xb5: {  	s19 =	sadd.s32 $0x20, s15;
	v10 =	vld [tilespmem:s16+$0x0];
	s16 =	sor.u32 $0x100, s18;
	s18 =	sor.u32 $0x180, s18  }
0xb6: {  	s15 =	sadd.s32 $0x30, s15;
	v11 =	vld [tilespmem:s17+$0x0];
	s17 =	sor.u32 $0x100, s19;
	s19 =	sor.u32 $0x180, s19  }
0xb7: {  	s20 =	sor.u32 $0x100, s15;
	s15 =	sor.u32 $0x180, s15;
	v16 =	vld [tilespmem:s14+$0x10]  }
0xb8: {  	v18 =	vadd.s32 v1, v22;
	v23 =	vadd.s32 v1, v9;
	v19 =	vadd.s32 v1, v17;
	v12 =	vld [tilespmem:s14+$0xA0]  }
0xb9: {  	v20 =	vadd.s32 v1, v15;
	vm1 =	vgt.f32 v7, v4;
	v25 =	vld [tilespmem:s16+$0x0];
	vm0 =	vgt.f32 v8, v3  }
0xba: {  	v13 =	vmpcnt.ones.xlane vm1;
	v27 =	vnsel vm1, $0xFF61B1E6, v7;
	v26 =	vld [tilespmem:s14+$0x90];
	vm2 =	vgt.f32 v10, v5  }
0xbb: {  	v7 =	vmpcnt.ones.xlane vm0;
	v28 =	vld [tilespmem:s17+$0x0];
	v21 =	vmpcnt.ones.xlane vm2;
	vm3 =	vgt.f32 v11, v6  }
0xbc: {  	v30 =	vnsel vm0, $0xFF61B1E6, v8;
	vm0 =	vgt.s32 v13, $0x0;
	v29 =	vld [tilespmem:s18+$0x0];
	v31 =	vnsel vm3, $0xFF61B1E6, v11  }
0xbd: {  	v32 =	vnsel vm2, $0xFF61B1E6, v10;
	vm4 =	vgt.s32 v7, $0x0;
	v14 =	vld [tilespmem:s14+$0x20];
	vm1 =	vgt.s32 v21, $0x0  }
0xbe: {  	v33 =	vsel vm0, $0x10, v0;
	vm2 =	vgt.f32 v16, v3;
	vm5 =	vgt.f32 v12, v4;
	v8 =	vld [tilespmem:s15+$0x0]  }
0xbf: {  	v13 =	vmpcnt.ones.xlane vm2;
	v21 =	vsel vm1, $0x10, v0;
	v10 =	vnsel vm5, $0xFF61B1E6, v12;
	v7 =	vld [tilespmem:s20+$0x0]  }
0xc0: {  	v12 =	vsel vm4, $0x10, v0;
	v24 =	vmpcnt.ones.xlane vm5;
	vm6 =	vgt.f32 v26, v4;
	v34 =	vld [tilespmem:s19+$0x0]  }
0xc1: {  	v35 =	vmpcnt.ones.xlane vm3;
	vm3 =	vgt.s32 v13, $0x0;
	v36 =	vmpcnt.ones.xlane vm6;
	v11 =	vld [tilespmem:s14+$0xB0]  }
0xc2: {  	v21 =	vadd.s32 v17, v21;
	v37 =	vsel vm3, $0x10, v0;
	v13 =	vld [tilespmem:s14+$0x30]  }
0xc3: {  	vm11 =	vgt.s32 v35, $0x0;
	v38 =	vadd.s32 v15, v12;
	vm8 =	vgt.f32 v28, v5;
	[tilespmem:v20+s9+$0x0] =	vst.idx.msk vm4, v30  }
0xc4: {  	v15 =	vadd.s32 v1, v21;
	v12 =	vnsel vm8, $0xFF61B1E6, v28;
	vm4 =	vgt.f32 v29, v6  }
0xc5: {  	vm5 =	vgt.f32 v25, v5;
	[tilespmem:v18+s9+$0x0] =	vst.idx.msk vm0, v27;
	v18 =	vnsel vm6, $0xFF61B1E6, v26;
	vm0 =	vgt.f32 v7, v5  }
0xc6: {  	v20 =	vnsel vm2, $0xFF61B1E6, v16;
	vm6 =	vgt.s32 v36, $0x0;
	[tilespmem:v19+s9+$0x0] =	vst.idx.msk vm1, v32;
	v19 =	vnsel vm5, $0xFF61B1E6, v25  }
0xc7: {  	v35 =	vadd.s32 v22, v33;
	v16 =	vmpcnt.ones.xlane vm5;
	v22 =	vmpcnt.ones.xlane vm0  }
0xc8: {  	vm2 =	vgt.f32 v8, v6;
	v17 =	vnsel vm4, $0xFF61B1E6, v29;
	v36 =	vsel vm6, $0x10, v0  }
0xc9: {  	v25 =	vmpcnt.ones.xlane vm4;
	vm4 =	vgt.f32 v11, v4;
	[tilespmem:v23+s9+$0x0] =	vst.idx.msk vm11, v31;
	v23 =	vadd.s32 v1, v35  }
0xca: {  	v26 =	vadd.s32 v38, v37;
	vm12 =	vgt.f32 v34, v6;
	vm5 =	vgt.f32 v13, v3  }
.Ltmp1:
0xcb: {  	vm10 =	vgt.f32 v14, v3;
	v27 =	vmpcnt.ones.xlane vm4;
	vm1 =	vgt.s32 v22, $0x0;
	(pc) =	sbr.rel @p1 .LBB2_4-.Ltmp1, $4  }
0xcc: {  	vm9 =	vgt.s32 v16, $0x0;
	vm7 =	vgt.s32 v25, $0x0;
	v25 =	vsel vm1, $0x10, v0  }
0xcd: {  	v32 =	vmpcnt.ones.xlane vm12;
	v16 =	vnsel vm12, $0xFF61B1E6, v34;
	v31 =	vmpcnt.ones.xlane vm2  }
0xce: {  	v33 =	vsel vm11, $0x10, v0;
	v22 =	vadd.s32 v1, v26;
	v30 =	vsel vm7, $0x10, v0  }
0xcf: {  	v28 =	vadd.s32 v1, v38;
	v34 =	vmpcnt.ones.xlane vm10;
	v29 =	vadd.s32 v35, v36  }
0xd0: {  	vm13 =	vgt.s32 v24, $0x0;
	v9 =	vadd.s32 v9, v33  }
0xd1: {  	v40 =	vmpcnt.ones.xlane vm5;
	vm15 =	vgt.s32 v32, $0x0;
	v41 =	vimm.s32 $0x0  }
0xd2: {  	v42 =	vsel vm9, $0x10, v0;
	v43 =	vmpcnt.ones.xlane vm8;
	vm12 =	vgt.s32 v27, $0x0  }
0xd3: {  	v24 =	vsel vm13, $0x10, v0;
	vm14 =	vgt.s32 v34, $0x0;
	v32 =	vsel vm15, $0xFFFFFFFF, v41  }
0xd4: {  	v21 =	vadd.s32 v21, v42;
	v44 =	vsel vm14, $0x10, v0;
	vm11 =	vgt.s32 v40, $0x0  }
0xd5: {  	v47 =	vsel vm12, $0x10, v0;
	v26 =	vadd.s32 v26, v44;
	v45 =	vsel vm11, $0x10, v0  }
0xd6: {  	v24 =	vadd.s32 v29, v24;
	vm8 =	vgt.s32 v43, $0x0;
	v46 =	vadd.s32 v26, v45  }
0xd7: {  	[tilespmem:$0x1FFF0] =	vst v32;
	v48 =	vsel vm8, $0x10, v0;
	v32 =	vadd.s32 v24, v47;
	v27 =	vxor.u32 $0x80000000, v46  }
0xd8: {  	v49 =	vsel vm15, $0x10, v0;
	v33 =	vadd.s32 v21, v48;
	v32 =	vxor.u32 $0x80000000, v32;
	(xrf0) =	vmax.scan.msk.u32 $0xffff, v27  }
0xd9: {  	v30 =	vadd.s32 v9, v30;
	vm15 =	vgt.s32 v31, $0x0;
	v25 =	vadd.s32 v33, v25;
	(xrf0) =	vmax.scan.msk.u32 $0xffff, v32  }
0xda: {  	v31 =	vsel vm15, $0x10, v0;
	v27 =	vadd.s32 v30, v49;
	v25 =	vxor.u32 $0x80000000, v25  }
0xdb: {  	v31 =	vadd.s32 v27, v31;
	(xrf0) =	vmax.scan.msk.u32 $0xffff, v25  }
0xdc: {  	v50 =	vxor.u32 $0x80000000, v31  }
0xdd: {  	(xrf0) =	vmax.scan.msk.u32 $0xffff, v50  }
0xde: {  	v51, _, _ =	vpop (xrf0)  }
0xdf: {  	v52, _, _ =	vpop (xrf0);
	(v2sf) =	vpush v51, $0xF  }
0xe0: {  	(v2sf) =	vpush v52, $0xF  }
0xe1: {  	v53, _, _ =	vpop (xrf0)  }
0xe2: {  	(v2sf) =	vpush v53, $0xF  }
0xe3: {  	v54, _, _ =	vpop (xrf0)  }
0xe4: {  	(v2sf) =	vpush v54, $0xF;
	_ =	sdelay $0x9  }
0xe5: {  	v9 =	vadd.s32 v1, v9;
	s12 =	spop (v2sf)  }
0xe6: {  	v63 =	vld [tilespmem:$0x1FFF0];
	s14 =	spop (v2sf)  }
0xe7: {  	[tilespmem:v28+s9+$0x0] =	vst.idx.msk vm3, v20;
	s13 =	sxor.u32 $0x80000000, s12;
	s14 =	sadd.s32 $0x7FFFDFF0, s14  }
0xe8: {  	[tilespmem:v23+s9+$0x0] =	vst.idx.msk vm6, v18;
	s30 =	spop (v2sf);
	p0 =	sgt.s32 s13, s14;
	s17 =	smov.u32 s14  }
0xe9: {  	[tilespmem:v15+s9+$0x0] =	vst.idx.msk vm9, v19;
	s15 =	sadd.s32 $0x7FFFBFE0, s30;
	s17 =	smov.u32 @p0 s13  }
0xea: {  	v55 =	vadd.s32 v1, v29;
	v14 =	vnsel vm10, $0xFF61B1E6, v14;
	[tilespmem:v9+s9+$0x0] =	vst.idx.msk vm7, v17;
	s31 =	spop (v2sf);
	s18 =	smov.u32 s15;
	p0 =	sgt.s32 s17, s15  }
0xeb: {  	v56 =	vadd.s32 v1, v21;
	[tilespmem:v22+s9+$0x0] =	vst.idx.msk vm14, v14;
	vm14 =	vnez.u8 v63;
	s16 =	sadd.s32 $0x7FFF9FD0, s31;
	s18 =	smov.u32 @p0 s17  }
0xec: {  	v57 =	vadd.s32 v1, v30;
	s12 =	smov.u32 s16;
	p0 =	sgt.s32 s18, s16  }
0xed: {  	v58 =	vadd.s32 v1, v26;
	s12 =	smov.u32 @p0 s18  }
0xee: {  	v59 =	vadd.s32 v1, v24;
	s12 =	sadd.s32 $0xF, s12  }
0xef: {  	v60 =	vadd.s32 v1, v33;
	[tilespmem:v55+s9+$0x0] =	vst.idx.msk vm13, v10;
	s12 =	sshrl.u32 s12, $0x4  }
0xf0: {  	v61 =	vadd.s32 v1, v27;
	[tilespmem:v56+s9+$0x0] =	vst.idx.msk vm8, v12;
	p0 =	seq.s32 s12, $0x0  }
.Ltmp2:
0xf1: {  	v62 =	vnsel vm5, $0xFF61B1E6, v13;
	[tilespmem:v57+s9+$0x0] =	vst.idx.msk vm14, v16;
	(pc) =	sbr.rel @p0 .LBB2_35-.Ltmp2, $4  }
0xf2: {  	v11 =	vnsel vm4, $0xFF61B1E6, v11;
	[tilespmem:v58+s9+$0x0] =	vst.idx.msk vm11, v62  }
0xf3: {  	v7 =	vnsel vm0, $0xFF61B1E6, v7;
	[tilespmem:v59+s9+$0x0] =	vst.idx.msk vm12, v11  }
0xf4: {  	v8 =	vnsel vm2, $0xFF61B1E6, v8;
	[tilespmem:v60+s9+$0x0] =	vst.idx.msk vm1, v7  }
0xf5: {  	v7 =	vimm.f32 $0.0e+00;
	[tilespmem:v61+s9+$0x0] =	vst.idx.msk vm15, v8  }
0xf6: {  	v11 =	vmov s13;
	v12 =	vmov s14  }
0xf7: {  	v13 =	vmov s15;
	v18 =	vmov s16;
	v17 =	vimm.s32 $0x0  }
0xf8: {  	v16 =	vimm.s32 $0x2010;
	v15 =	vimm.s32 $0x4020;
	v14 =	vimm.s32 $0x6030  }
0xf9: {  	s13 =	simm.s32 $0x8000;
	s14 =	simm.s32 $0x0;
	v8 =	vimm.f32 $0.0e+00;
	v9 =	vimm.f32 $0.0e+00;
	v10 =	vimm.f32 $0.0e+00  }
.LBB2_7:
0xfa: {  	v19 =	vld [tilespmem:s13+$0x0];
	_ =	sdelay $0x3  }
0xfb: {  	v20 =	vor.u32 s14, v1  }
0xfc: {  	vm1 =	vlt.s32 v20, v11;
	vm0 =	vgt.f32 v19, v3  }
0xfd: {  	vm0 =	vmand vm1, vm0  }
0xfe: {  	v21 =	vsel vm0, $0x1, v0  }
0xff: {  	(xrf0) =	vadd.scan.msk.s32 $0xffff, v21;
	_ =	sdelay $0x5  }
0x100: {  	v21, _, _ =	vpop (xrf0)  }
0x101: {  	v21 =	vadd.s32 v21, v17  }
0x102: {  	v21 =	vadd.s32 $0xFFFFFFFF, v21;
	_ =	sdelay $0x4  }
0x103: {  	[tilespmem:v21+s10+$0x0] =	vst.idx.msk vm0, v19  }
0x104: {  	v21 =	vld [tilespmem:s13+$0x2010];
	_ =	sdelay $0x4  }
0x105: {  	vm2 =	vlt.s32 v20, v12;
	vm13 =	vgt.f32 v21, v4  }
0x106: {  	vm1 =	vmand vm2, vm13  }
0x107: {  	v22 =	vsel vm1, $0x1, v0  }
0x108: {  	(xrf0) =	vadd.scan.msk.s32 $0xffff, v22;
	_ =	sdelay $0x5  }
0x109: {  	v22, _, _ =	vpop (xrf0)  }
0x10a: {  	v22 =	vadd.s32 v22, v16  }
0x10b: {  	v22 =	vadd.s32 $0xFFFFFFFF, v22;
	_ =	sdelay $0x4  }
0x10c: {  	[tilespmem:v22+s10+$0x0] =	vst.idx.msk vm1, v21  }
0x10d: {  	v22 =	vld [tilespmem:s13+$0x4020];
	_ =	sdelay $0x4  }
0x10e: {  	vm3 =	vlt.s32 v20, v13;
	vm14 =	vgt.f32 v22, v5  }
0x10f: {  	vm2 =	vmand vm3, vm14  }
0x110: {  	v23 =	vsel vm2, $0x1, v0  }
0x111: {  	(xrf0) =	vadd.scan.msk.s32 $0xffff, v23;
	_ =	sdelay $0x5  }
0x112: {  	v23, _, _ =	vpop (xrf0)  }
0x113: {  	v23 =	vadd.s32 v23, v15  }
0x114: {  	v23 =	vadd.s32 $0xFFFFFFFF, v23;
	_ =	sdelay $0x4  }
0x115: {  	[tilespmem:v23+s10+$0x0] =	vst.idx.msk vm2, v22  }
0x116: {  	v23 =	vld [tilespmem:s13+$0x6030];
	_ =	sdelay $0x4  }
0x117: {  	vm4 =	vlt.s32 v20, v18;
	vm15 =	vgt.f32 v23, v6  }
0x118: {  	vm3 =	vmand vm4, vm15  }
0x119: {  	v20 =	vsel vm3, $0x1, v0  }
0x11a: {  	(xrf0) =	vadd.scan.msk.s32 $0xffff, v20;
	_ =	sdelay $0x5  }
0x11b: {  	v20, _, _ =	vpop (xrf0)  }
0x11c: {  	v24 =	vmpcnt.ones.xlane vm0;
	v20 =	vadd.s32 v20, v14  }
0x11d: {  	p0 =	sne.s32 s12, $0x1;
	v19 =	vnsel vm0, $0x0, v19;
	v25 =	vmpcnt.ones.xlane vm1;
	v20 =	vadd.s32 $0xFFFFFFFF, v20  }
.Ltmp3:
0x11e: {  	v17 =	vadd.s32 v17, v24;
	v10 =	vadd.f32 v19, v10;
	(pc) =	sbr.rel @p0 .LBB2_7-.Ltmp3, $4  }
0x11f: {  	v16 =	vadd.s32 v16, v25;
	v21 =	vnsel vm1, $0x0, v21;
	v19 =	vmpcnt.ones.xlane vm2  }
0x120: {  	v9 =	vadd.f32 v21, v9;
	v62 =	vnsel vm2, $0x0, v22;
	v63 =	vmpcnt.ones.xlane vm3  }
0x121: {  	v8 =	vadd.f32 v62, v8;
	v15 =	vadd.s32 v15, v19;
	v19 =	vnsel vm3, $0x0, v23  }
0x122: {  	s14 =	sadd.s32 $0x10, s14;
	s12 =	sadd.s32 $0xFFFFFFFF, s12;
	s13 =	sadd.s32 $0x10, s13;
	v7 =	vadd.f32 v19, v7;
	v14 =	vadd.s32 v14, v63;
	[tilespmem:v20+s10+$0x0] =	vst.idx.msk vm3, v23  }
.Ltmp4:
0x123: {  	(pc) =	sbr.rel .LBB2_9-.Ltmp4, $3  }
0x124: {  	_ =	sdelay $0x1  }
0x125: {  	v3 =	vxor.u32 $0x80000000, v17  }
0x126: {  	v6 =	vxor.u32 $0x80000000, v16;
	v5 =	vxor.u32 $0x80000000, v15;
	v4 =	vxor.u32 $0x80000000, v14  }
.LBB2_35:
0x127: {  	v3 =	vimm.s32 $0x80000000  }
0x128: {  	v4 =	vimm.s32 $0x80006030;
	v5 =	vimm.s32 $0x80004020;
	v6 =	vimm.s32 $0x80002010  }
0x129: {  	v10 =	vimm.f32 $0.0e+00;
	v9 =	vimm.f32 $0.0e+00;
	v8 =	vimm.f32 $0.0e+00  }
.LBB2_9:
0x12a: {  	(xrf0) =	vmax.scan.msk.u32 $0xffff, v3  }
0x12b: {  	(xrf0) =	vmax.scan.msk.u32 $0xffff, v6  }
0x12c: {  	(xrf0) =	vmax.scan.msk.u32 $0xffff, v5  }
0x12d: {  	(xrf0) =	vmax.scan.msk.u32 $0xffff, v4;
	_ =	sdelay $0x2  }
0x12e: {  	v3, _, _ =	vpop (xrf0)  }
0x12f: {  	v4, _, _ =	vpop (xrf0);
	(v2sf) =	vpush v3, $0xF  }
0x130: {  	v3, _, _ =	vpop (xrf0);
	(v2sf) =	vpush v4, $0xF  }
0x131: {  	(v2sf) =	vpush v3, $0xF;
	v3, _, _ =	vpop (xrf0)  }
0x132: {  	(v2sf) =	vpush v3, $0xF;
	_ =	sdelay $0xb  }
0x133: {  	(xrf2) =	vadd.scan.msk.f32 $0xffff, v10;
	s12 =	spop (v2sf)  }
0x134: {  	(xrf2) =	vadd.scan.msk.f32 $0xffff, v9;
	s13 =	spop (v2sf);
	s16 =	sxor.u32 $0x80000000, s12  }
0x135: {  	(xrf2) =	vadd.scan.msk.f32 $0xffff, v8;
	s28 =	spop (v2sf);
	s15 =	sadd.s32 $0x7FFFDFF0, s13;
	s17 =	scvt.s32.f32 s16  }
0x136: {  	(xrf2) =	vadd.scan.msk.f32 $0xffff, v7;
	s14 =	sadd.s32 $0x7FFFBFE0, s28;
	s29 =	spop (v2sf);
	s18 =	scvt.s32.f32 s15  }
0x137: {  	s13 =	sadd.s32 $0x7FFF9FD0, s29;
	v3 =	vmov s17;
	s30 =	scvt.s32.f32 s14  }
0x138: {  	(erf) = vrcp.f32 v3;
	v3 =	vmov s18;
	s31 =	scvt.s32.f32 s13  }
0x139: {  	v4 =	vmov s30;
	(erf) = vrcp.f32 v3  }
0x13a: {  	p0 =	sgt.s32 s16, $0x10;
	(erf) = vrcp.f32 v4;
	v3 =	vmov s31  }
0x13b: {  	p1 =	sgt.s32 @!p0 s15, $0x10;
	(erf) = vrcp.f32 v3  }
0x13c: {  	p1 =	por p0, p1  }
0x13d: {  	p2 =	sgt.s32 @!p1 s14, $0x10;
	v3, _, _ =	vpop (xrf2)  }
0x13e: {  	p2 =	por p1, p2;
	v4, _, _ =	vpop (xrf2)  }
0x13f: {  	p3 =	sgt.s32 @!p2 s13, $0x10;
	v5, _, _ =	vpop (xrf2)  }
0x140: {  	p3 =	por p2, p3;
	v3 =	vadd.f32 $-1.000000000e+00, v3;
	v4 =	vadd.f32 $-1.000000000e+00, v4;
	v6, _, _ =	vpop (xrf2)  }
.Ltmp5:
0x141: {  	v5 =	vadd.f32 $-1.000000000e+00, v5;
	v7 =	vpop (erf);
	v6 =	vadd.f32 $-1.000000000e+00, v6;
	(pc) =	sbr.rel @p3 .LBB2_10-.Ltmp5, $4  }
0x142: {  	v3 =	vbroadcast v3, $0xF;
	v4 =	vbroadcast v4, $0xF;
	v8 =	vpop (erf)  }
0x143: {  	v5 =	vbroadcast v5, $0xF;
	v9 =	vpop (erf);
	v6 =	vbroadcast v6, $0xF  }
0x144: {  	v3 =	vmul.f32 v7, v3;
	v4 =	vmul.f32 v8, v4;
	v7 =	vpop (erf)  }
0x145: {  	v8 =	vmul.f32 v9, v5;
	v7 =	vmul.f32 v7, v6  }
0x146: {  	v10 =	vld [tilespmem:$0x10080]  }
0x147: {  	v9 =	vld [tilespmem:$0x12090]  }
0x148: {  	v5 =	vld [tilespmem:$0x140A0]  }
0x149: {  	v6 =	vld [tilespmem:$0x160B0];
	_ =	sdelay $0x1  }
0x14a: {  	v11 =	vmov s16  }
0x14b: {  	s12 =	simm.s32 $0xF;
	vm0 =	vgt.s32 v11, v1;
	vm1 =	vgt.f32 v10, v3  }
.LBB2_18:
0x14c: {  	p0 =	sne.s32 s12, $0x1;
	vm1 =	vmand vm0, vm1  }
0x14d: {  	v3 =	vnsel vm1, $0x0, v10  }
0x14e: {  	(xrf2) =	vadd.scan.msk.f32 $0xffff, v3  }
0x14f: {  	v3 =	vmpcnt.ones.xlane vm1;
	_ =	sdelay $0x1  }
0x150: {  	v3 =	vcvt.s32.f32 v3;
	_ =	sdelay $0x1  }
0x151: {  	(erf) = vrcp.f32 v3;
	_ =	sdelay $0x4  }
0x152: {  	v3, _, _ =	vpop (xrf2)  }
0x153: {  	v3 =	vadd.f32 $-1.000000000e+00, v3;
	_ =	sdelay $0x1  }
.Ltmp6:
0x154: {  	v3 =	vbroadcast v3, $0xF;
	(pc) =	sbr.rel @p0 .LBB2_18-.Ltmp6, $3  }
0x155: {  	v11 =	vpop (erf)  }
0x156: {  	v3 =	vmul.f32 v11, v3;
	_ =	sdelay $0x1  }
0x157: {  	s12 =	sadd.s32 $0xFFFFFFFF, s12;
	vm1 =	vgt.f32 v10, v3  }
0x158: {  	vm0 =	vmand vm0, vm1  }
0x159: {  	v3 =	vnsel vm0, $0x0, v10  }
0x15a: {  	(xrf2) =	vadd.scan.msk.f32 $0xffff, v3  }
0x15b: {  	v3 =	vmpcnt.ones.xlane vm0;
	_ =	sdelay $0x1  }
0x15c: {  	v3 =	vcvt.s32.f32 v3;
	_ =	sdelay $0x1  }
0x15d: {  	(erf) = vrcp.f32 v3;
	_ =	sdelay $0x4  }
0x15e: {  	v3, _, _ =	vpop (xrf2)  }
0x15f: {  	v3 =	vadd.f32 $-1.000000000e+00, v3;
	_ =	sdelay $0x1  }
0x160: {  	v3 =	vbroadcast v3, $0xF  }
0x161: {  	v11 =	vmov s15;
	v10 =	vpop (erf)  }
0x162: {  	vm1 =	vgt.f32 v9, v4;
	s12 =	simm.s32 $0xF;
	vm0 =	vgt.s32 v11, v1;
	v3 =	vmul.f32 v10, v3  }
.LBB2_20:
0x163: {  	p0 =	sne.s32 s12, $0x1;
	vm1 =	vmand vm0, vm1  }
0x164: {  	v4 =	vnsel vm1, $0x0, v9  }
0x165: {  	(xrf2) =	vadd.scan.msk.f32 $0xffff, v4  }
0x166: {  	v4 =	vmpcnt.ones.xlane vm1;
	_ =	sdelay $0x1  }
0x167: {  	v4 =	vcvt.s32.f32 v4;
	_ =	sdelay $0x1  }
0x168: {  	(erf) = vrcp.f32 v4;
	_ =	sdelay $0x4  }
0x169: {  	v4, _, _ =	vpop (xrf2)  }
0x16a: {  	v4 =	vadd.f32 $-1.000000000e+00, v4;
	_ =	sdelay $0x1  }
.Ltmp7:
0x16b: {  	v4 =	vbroadcast v4, $0xF;
	(pc) =	sbr.rel @p0 .LBB2_20-.Ltmp7, $3  }
0x16c: {  	v10 =	vpop (erf)  }
0x16d: {  	v4 =	vmul.f32 v10, v4;
	_ =	sdelay $0x1  }
0x16e: {  	s12 =	sadd.s32 $0xFFFFFFFF, s12;
	vm1 =	vgt.f32 v9, v4  }
0x16f: {  	vm0 =	vmand vm0, vm1  }
0x170: {  	v4 =	vnsel vm0, $0x0, v9  }
0x171: {  	(xrf2) =	vadd.scan.msk.f32 $0xffff, v4  }
0x172: {  	v4 =	vmpcnt.ones.xlane vm0;
	_ =	sdelay $0x1  }
0x173: {  	v4 =	vcvt.s32.f32 v4;
	_ =	sdelay $0x1  }
0x174: {  	(erf) = vrcp.f32 v4;
	_ =	sdelay $0x4  }
0x175: {  	v4, _, _ =	vpop (xrf2)  }
0x176: {  	v4 =	vadd.f32 $-1.000000000e+00, v4;
	_ =	sdelay $0x1  }
0x177: {  	v4 =	vbroadcast v4, $0xF  }
0x178: {  	v10 =	vmov s14;
	v63 =	vpop (erf)  }
0x179: {  	vm1 =	vgt.f32 v5, v8;
	s12 =	simm.s32 $0xF;
	vm0 =	vgt.s32 v10, v1;
	v4 =	vmul.f32 v63, v4  }
.LBB2_22:
0x17a: {  	p0 =	sne.s32 s12, $0x1;
	vm1 =	vmand vm0, vm1  }
0x17b: {  	v8 =	vnsel vm1, $0x0, v5  }
0x17c: {  	(xrf2) =	vadd.scan.msk.f32 $0xffff, v8  }
0x17d: {  	v8 =	vmpcnt.ones.xlane vm1;
	_ =	sdelay $0x1  }
0x17e: {  	v8 =	vcvt.s32.f32 v8;
	_ =	sdelay $0x1  }
0x17f: {  	(erf) = vrcp.f32 v8;
	_ =	sdelay $0x4  }
0x180: {  	v8, _, _ =	vpop (xrf2)  }
0x181: {  	v8 =	vadd.f32 $-1.000000000e+00, v8;
	_ =	sdelay $0x1  }
.Ltmp8:
0x182: {  	v8 =	vbroadcast v8, $0xF;
	(pc) =	sbr.rel @p0 .LBB2_22-.Ltmp8, $3  }
0x183: {  	v9 =	vpop (erf)  }
0x184: {  	v8 =	vmul.f32 v9, v8;
	_ =	sdelay $0x1  }
0x185: {  	s12 =	sadd.s32 $0xFFFFFFFF, s12;
	vm1 =	vgt.f32 v5, v8  }
0x186: {  	vm0 =	vmand vm0, vm1  }
0x187: {  	v5 =	vnsel vm0, $0x0, v5  }
0x188: {  	(xrf2) =	vadd.scan.msk.f32 $0xffff, v5  }
0x189: {  	v5 =	vmpcnt.ones.xlane vm0;
	_ =	sdelay $0x1  }
0x18a: {  	v5 =	vcvt.s32.f32 v5;
	_ =	sdelay $0x1  }
0x18b: {  	(erf) = vrcp.f32 v5;
	_ =	sdelay $0x4  }
0x18c: {  	v5, _, _ =	vpop (xrf2)  }
0x18d: {  	v5 =	vadd.f32 $-1.000000000e+00, v5;
	_ =	sdelay $0x1  }
0x18e: {  	v5 =	vbroadcast v5, $0xF  }
0x18f: {  	v8 =	vpop (erf)  }
0x190: {  	v9 =	vmov s13;
	v5 =	vmul.f32 v8, v5  }
0x191: {  	vm1 =	vgt.f32 v6, v7;
	s12 =	simm.s32 $0xF;
	vm0 =	vgt.s32 v9, v1  }
.LBB2_24:
0x192: {  	p0 =	seq.s32 s12, $0x1;
	vm1 =	vmand vm0, vm1  }
0x193: {  	v7 =	vnsel vm1, $0x0, v6  }
0x194: {  	(xrf2) =	vadd.scan.msk.f32 $0xffff, v7  }
0x195: {  	v7 =	vmpcnt.ones.xlane vm1;
	_ =	sdelay $0x1  }
0x196: {  	v7 =	vcvt.s32.f32 v7;
	_ =	sdelay $0x1  }
0x197: {  	(erf) = vrcp.f32 v7;
	_ =	sdelay $0x4  }
0x198: {  	v7, _, _ =	vpop (xrf2)  }
0x199: {  	v7 =	vadd.f32 $-1.000000000e+00, v7;
	_ =	sdelay $0x1  }
.Ltmp9:
0x19a: {  	v7 =	vbroadcast v7, $0xF;
	(pc) =	sbr.rel @!p0 .LBB2_24-.Ltmp9, $3  }
0x19b: {  	v8 =	vpop (erf)  }
0x19c: {  	v7 =	vmul.f32 v8, v7;
	_ =	sdelay $0x1  }
0x19d: {  	s12 =	sadd.s32 $0xFFFFFFFF, s12;
	vm1 =	vgt.f32 v6, v7  }
0x19e: {  	vm0 =	vmand vm0, vm1  }
0x19f: {  	v6 =	vnsel vm0, $0x0, v6  }
0x1a0: {  	(xrf2) =	vadd.scan.msk.f32 $0xffff, v6  }
0x1a1: {  	v6 =	vmpcnt.ones.xlane vm0;
	_ =	sdelay $0x1  }
0x1a2: {  	v6 =	vcvt.s32.f32 v6;
	_ =	sdelay $0x1  }
0x1a3: {  	(erf) = vrcp.f32 v6;
	_ =	sdelay $0x4  }
0x1a4: {  	v6, _, _ =	vpop (xrf2)  }
.Ltmp10:
0x1a5: {  	v6 =	vadd.f32 $-1.000000000e+00, v6;
	(pc) =	sbr.rel .LBB2_31-.Ltmp10, $4  }
0x1a6: {  	_ = 	snop  }
0x1a7: {  	v6 =	vbroadcast v6, $0xF  }
0x1a8: {  	v7 =	vpop (erf)  }
0x1a9: {  	v6 =	vmul.f32 v7, v6  }
.LBB2_10:
0x1aa: {  	s12 =	smov.u32 s13  }
0x1ab: {  	s17 =	smov.u32 s14;
	s18 =	smov.u32 s15;
	s19 =	smov.u32 s16  }
0x1ac: {  	s20 =	smov.u32 s13;
	s21 =	smov.u32 s14;
	s22 =	smov.u32 s15  }
0x1ad: {  	s12 =	smov.u32 @p0 s13;
	s17 =	smov.u32 @p0 s14;
	s18 =	smov.u32 @p0 s15  }
.Ltmp11:
0x1ae: {  	s19 =	smov.u32 @p0 s16;
	s20 =	smov.u32 @p1 s12;
	(pc) =	sbr.rel .LBB2_11-.Ltmp11, $4  }
0x1af: {  	v9 =	vpsel p0, v4, v4;
	v10 =	vpsel p0, v3, v3;
	v5 =	vpsel p0, v7, v7;
	s21 =	smov.u32 @p1 s17;
	s12 =	simm.s32 $0x0;
	s17 =	smov.u32 s16  }
0x1b0: {  	v6 =	vpsel p0, v8, v8;
	v11 =	vpsel p1, v9, v4;
	v12 =	vpsel p1, v10, v3;
	s22 =	smov.u32 @p1 s18;
	s12 =	simm.s32 @p0 $0x0;
	s17 =	smov.u32 @p1 s19  }
0x1b1: {  	v5 =	vpsel p1, v5, v7;
	v6 =	vpsel p1, v6, v8;
	v10 =	vpsel p2, v11, v4;
	s13 =	smov.u32 @p2 s20;
	s14 =	smov.u32 @p2 s21;
	s12 =	simm.s32 @!p1 $0x0  }
0x1b2: {  	s15 =	smov.u32 @p2 s22;
	v13 =	vpsel p2, v5, v7;
	v9 =	vpsel p2, v6, v8;
	v8 =	vpsel p2, v12, v3;
	s16 =	smov.u32 @p2 s17;
	s12 =	simm.s32 @!p2 $0x0  }
.LBB2_16:
0x1b3: {  	v10 =	vimm.f32 $0.0e+00;
	v9 =	vimm.f32 $0.0e+00;
	v8 =	vimm.f32 $0.0e+00  }
.LBB2_29:
0x1b4: {  	(xrf0) =	vmax.scan.msk.u32 $0xffff, v7  }
0x1b5: {  	(xrf0) =	vmax.scan.msk.u32 $0xffff, v6;
	_ =	sdelay $0x1  }
0x1b6: {  	(xrf0) =	vmax.scan.msk.u32 $0xffff, v5  }
0x1b7: {  	(xrf0) =	vmax.scan.msk.u32 $0xffff, v4;
	_ =	sdelay $0x1  }
0x1b8: {  	v51, _, _ =	vpop (xrf0)  }
0x1b9: {  	(v2sf) =	vpush v51, $0xF;
	v52, _, _ =	vpop (xrf0)  }
0x1ba: {  	(v2sf) =	vpush v52, $0xF  }
0x1bb: {  	v53, _, _ =	vpop (xrf0)  }
0x1bc: {  	(v2sf) =	vpush v53, $0xF;
	v54, _, _ =	vpop (xrf0)  }
0x1bd: {  	(v2sf) =	vpush v54, $0xF;
	_ =	sdelay $0xa  }
0x1be: {  	(xrf2) =	vadd.scan.msk.f32 $0xffff, v10;
	s13 =	spop (v2sf)  }
0x1bf: {  	(xrf2) =	vadd.scan.msk.f32 $0xffff, v9;
	s16 =	sxor.u32 $0x80000000, s13;
	s23 =	spop (v2sf)  }
0x1c0: {  	(xrf2) =	vadd.scan.msk.f32 $0xffff, v8;
	s15 =	sadd.s32 $0x7FFFDFF0, s23;
	s24 =	scvt.s32.f32 s16  }
0x1c1: {  	(xrf2) =	vadd.scan.msk.f32 $0xffff, v3;
	s14 =	spop (v2sf);
	s17 =	scvt.s32.f32 s15  }
0x1c2: {  	s14 =	sadd.s32 $0x7FFFBFE0, s14;
	s26 =	spop (v2sf);
	v55 =	vmov s24  }
0x1c3: {  	s25 =	scvt.s32.f32 s14;
	s13 =	sadd.s32 $0x7FFF9FD0, s26;
	(erf) = vrcp.f32 v55;
	v56 =	vmov s17  }
0x1c4: {  	s28 =	scvt.s32.f32 s13;
	(erf) = vrcp.f32 v56  }
0x1c5: {  	v3 =	vmov s25  }
0x1c6: {  	(erf) = vrcp.f32 v3;
	v3 =	vmov s28;
	_ =	sdelay $0x1  }
0x1c7: {  	v57, _, _ =	vpop (xrf2);
	(erf) = vrcp.f32 v3  }
0x1c8: {  	v3, _, _ =	vpop (xrf2)  }
0x1c9: {  	v4 =	vadd.f32 $-1.000000000e+00, v57;
	v58, _, _ =	vpop (xrf2);
	v3 =	vadd.f32 $-1.000000000e+00, v3  }
0x1ca: {  	v60, _, _ =	vpop (xrf2)  }
0x1cb: {  	v4 =	vbroadcast v4, $0xF;
	v3 =	vbroadcast v3, $0xF;
	v6 =	vpop (erf)  }
0x1cc: {  	v5 =	vadd.f32 $-1.000000000e+00, v58;
	v7 =	vpop (erf)  }
0x1cd: {  	v8 =	vmul.f32 v6, v4;
	v10 =	vmul.f32 v7, v3;
	v3 =	vadd.f32 $-1.000000000e+00, v60  }
0x1ce: {  	v59 =	vbroadcast v5, $0xF  }
0x1cf: {  	v6 =	vpop (erf);
	vm0 =	veq.f32 v8, v14;
	v3 =	vbroadcast v3, $0xF  }
0x1d0: {  	v9 =	vmul.f32 v6, v59;
	v62 =	vpop (erf);
	v61 =	vsel vm0, $0x3F800000, v2;
	vm13 =	veq.f32 v10, v13  }
0x1d1: {  	(xrf0) =	vmin.scan.msk.f32 $0xffff, v61;
	v63 =	vsel vm13, $0x3F800000, v2;
	v13 =	vmul.f32 v62, v3  }
0x1d2: {  	vm14 =	veq.f32 v9, v12;
	(xrf0) =	vmin.scan.msk.f32 $0xffff, v63  }
0x1d3: {  	v3 =	vsel vm14, $0x3F800000, v2;
	vm15 =	veq.f32 v13, v11  }
0x1d4: {  	(xrf0) =	vmin.scan.msk.f32 $0xffff, v3;
	v3 =	vsel vm15, $0x3F800000, v2;
	_ =	sdelay $0x1  }
0x1d5: {  	(xrf0) =	vmin.scan.msk.f32 $0xffff, v3  }
0x1d6: {  	v3, _, _ =	vpop (xrf0)  }
0x1d7: {  	v4, _, _ =	vpop (xrf0);
	(v2sf) =	vpush v3, $0xF  }
0x1d8: {  	(v2sf) =	vpush v4, $0xF  }
0x1d9: {  	v3, _, _ =	vpop (xrf0)  }
0x1da: {  	(v2sf) =	vpush v3, $0xF  }
0x1db: {  	v3, _, _ =	vpop (xrf0)  }
0x1dc: {  	(v2sf) =	vpush v3, $0xF;
	_ =	sdelay $0x9  }
0x1dd: {  	s29 =	spop (v2sf)  }
0x1de: {  	s18 =	spop (v2sf)  }
0x1df: {  	p0 =	sgt.f32 s29, $0.0e+00;
	p1 =	sgt.f32 s18, $0.0e+00  }
0x1e0: {  	s30 =	spop (v2sf)  }
0x1e1: {  	p5 =	sgt.f32 s30, $0.0e+00;
	p0 =	por !p0, !p1  }
0x1e2: {  	s31 =	spop (v2sf);
	p0 =	por !p0, !p0  }
0x1e3: {  	p6 =	sgt.f32 s31, $0.0e+00;
	p0 =	por !p0, !p5  }
0x1e4: {  	p0 =	por !p0, !p0  }
0x1e5: {  	p0 =	por !p0, !p6  }
0x1e6: {  	p1 =	por !p0, !p0;
	p0 =	sgt.u32 s12, $0xE  }
0x1e7: {  	p1 =	por p0, p1  }
.Ltmp12:
0x1e8: {  	_ = 	snop;
	(pc) =	sbr.rel @p1 .LBB2_30-.Ltmp12, $2  }
0x1e9: {  	_ =	sdelay $0x2  }
0x1ea: {  	s12 =	sadd.s32 $0x1, s12  }
.LBB2_11:
0x1eb: {  	p0 =	sgt.s32 s16, s15;
	s17 =	smov.u32 s15  }
0x1ec: {  	s17 =	smov.u32 @p0 s16  }
0x1ed: {  	s18 =	smov.u32 s14;
	p0 =	sgt.s32 s17, s14  }
0x1ee: {  	s18 =	smov.u32 @p0 s17  }
0x1ef: {  	s17 =	smov.u32 s13;
	p0 =	sgt.s32 s18, s13  }
0x1f0: {  	s17 =	smov.u32 @p0 s18  }
0x1f1: {  	s17 =	sadd.s32 $0xF, s17  }
0x1f2: {  	s17 =	sshrl.u32 s17, $0x4  }
0x1f3: {  	p0 =	seq.s32 s17, $0x0  }
.Ltmp13:
0x1f4: {  	v3 =	vimm.f32 $0.0e+00;
	(pc) =	sbr.rel @p0 .LBB2_15-.Ltmp13, $4  }
0x1f5: {  	v4 =	vimm.s32 $0x80006030;
	v5 =	vimm.s32 $0x80004020;
	v6 =	vimm.s32 $0x80002010  }
0x1f6: {  	v7 =	vimm.s32 $0x80000000;
	v16 =	vimm.s32 $0x80000000;
	v17 =	vimm.s32 $0x80002010  }
0x1f7: {  	v18 =	vimm.s32 $0x80004020;
	v19 =	vimm.s32 $0x80006030;
	v15 =	vimm.f32 $0.0e+00  }
0x1f8: {  	v14 =	vimm.f32 $0.0e+00;
	v12 =	vimm.f32 $0.0e+00;
	v11 =	vimm.f32 $0.0e+00  }
0x1f9: {  	v16 =	vmov s16;
	v17 =	vmov s15;
	v18 =	vmov s14  }
0x1fa: {  	v23 =	vmov s13;
	v22 =	vimm.s32 $0x0;
	v21 =	vimm.s32 $0x2010  }
0x1fb: {  	v20 =	vimm.s32 $0x4020;
	v19 =	vimm.s32 $0x6030;
	v11 =	vimm.f32 $0.0e+00  }
0x1fc: {  	s13 =	simm.s32 $0x10080;
	s14 =	simm.s32 $0x0;
	v12 =	vimm.f32 $0.0e+00;
	v14 =	vimm.f32 $0.0e+00;
	v15 =	vimm.f32 $0.0e+00  }
.LBB2_13:
0x1fd: {  	v24 =	vld [tilespmem:s13+$0x0];
	_ =	sdelay $0x3  }
0x1fe: {  	v25 =	vor.u32 s14, v1  }
0x1ff: {  	vm1 =	vlt.s32 v25, v16;
	vm0 =	vgt.f32 v24, v8  }
0x200: {  	vm0 =	vmand vm1, vm0  }
0x201: {  	v26 =	vsel vm0, $0x1, v0  }
0x202: {  	(xrf0) =	vadd.scan.msk.s32 $0xffff, v26;
	_ =	sdelay $0x5  }
0x203: {  	v26, _, _ =	vpop (xrf0)  }
0x204: {  	v26 =	vadd.s32 v26, v22  }
0x205: {  	v26 =	vadd.s32 $0xFFFFFFFF, v26;
	_ =	sdelay $0x4  }
0x206: {  	[tilespmem:v26+s9+$0x0] =	vst.idx.msk vm0, v24  }
0x207: {  	v26 =	vld [tilespmem:s13+$0x2010];
	_ =	sdelay $0x4  }
0x208: {  	vm2 =	vlt.s32 v25, v17;
	vm13 =	vgt.f32 v26, v10  }
0x209: {  	vm1 =	vmand vm2, vm13  }
0x20a: {  	v27 =	vsel vm1, $0x1, v0  }
0x20b: {  	(xrf0) =	vadd.scan.msk.s32 $0xffff, v27;
	_ =	sdelay $0x5  }
0x20c: {  	v27, _, _ =	vpop (xrf0)  }
0x20d: {  	v27 =	vadd.s32 v27, v21  }
0x20e: {  	v27 =	vadd.s32 $0xFFFFFFFF, v27;
	_ =	sdelay $0x4  }
0x20f: {  	[tilespmem:v27+s9+$0x0] =	vst.idx.msk vm1, v26  }
0x210: {  	v27 =	vld [tilespmem:s13+$0x4020];
	_ =	sdelay $0x4  }
0x211: {  	vm3 =	vlt.s32 v25, v18;
	vm14 =	vgt.f32 v27, v9  }
0x212: {  	vm2 =	vmand vm3, vm14  }
0x213: {  	v28 =	vsel vm2, $0x1, v0  }
0x214: {  	(xrf0) =	vadd.scan.msk.s32 $0xffff, v28;
	_ =	sdelay $0x5  }
0x215: {  	v28, _, _ =	vpop (xrf0)  }
0x216: {  	v28 =	vadd.s32 v28, v20  }
0x217: {  	v28 =	vadd.s32 $0xFFFFFFFF, v28;
	_ =	sdelay $0x4  }
0x218: {  	[tilespmem:v28+s9+$0x0] =	vst.idx.msk vm2, v27  }
0x219: {  	v28 =	vld [tilespmem:s13+$0x6030];
	_ =	sdelay $0x4  }
0x21a: {  	vm4 =	vlt.s32 v25, v23;
	vm15 =	vgt.f32 v28, v13  }
0x21b: {  	vm3 =	vmand vm4, vm15  }
0x21c: {  	v59 =	vsel vm3, $0x1, v0  }
0x21d: {  	(xrf0) =	vadd.scan.msk.s32 $0xffff, v59;
	_ =	sdelay $0x5  }
0x21e: {  	v25, _, _ =	vpop (xrf0)  }
0x21f: {  	v29 =	vmpcnt.ones.xlane vm0;
	v25 =	vadd.s32 v25, v19  }
0x220: {  	p0 =	sne.s32 s17, $0x1;
	v24 =	vnsel vm0, $0x0, v24;
	v30 =	vmpcnt.ones.xlane vm1;
	v25 =	vadd.s32 $0xFFFFFFFF, v25  }
.Ltmp14:
0x221: {  	v22 =	vadd.s32 v22, v29;
	v15 =	vadd.f32 v24, v15;
	(pc) =	sbr.rel @p0 .LBB2_13-.Ltmp14, $4  }
0x222: {  	v21 =	vadd.s32 v21, v30;
	v26 =	vnsel vm1, $0x0, v26;
	v60 =	vmpcnt.ones.xlane vm2  }
0x223: {  	v14 =	vadd.f32 v26, v14;
	v61 =	vnsel vm2, $0x0, v27;
	v62 =	vmpcnt.ones.xlane vm3  }
0x224: {  	v12 =	vadd.f32 v61, v12;
	v20 =	vadd.s32 v20, v60;
	v63 =	vnsel vm3, $0x0, v28  }
0x225: {  	s14 =	sadd.s32 $0x10, s14;
	s17 =	sadd.s32 $0xFFFFFFFF, s17;
	s13 =	sadd.s32 $0x10, s13;
	v11 =	vadd.f32 v63, v11;
	v19 =	vadd.s32 v19, v62;
	[tilespmem:v25+s9+$0x0] =	vst.idx.msk vm3, v28  }
0x226: {  	v16 =	vxor.u32 $0x80000000, v22  }
0x227: {  	v17 =	vxor.u32 $0x80000000, v21;
	v18 =	vxor.u32 $0x80000000, v20;
	v19 =	vxor.u32 $0x80000000, v19  }
.LBB2_15:
0x228: {  	(xrf0) =	vmax.scan.msk.u32 $0xffff, v16  }
0x229: {  	(xrf0) =	vmax.scan.msk.u32 $0xffff, v17  }
0x22a: {  	(xrf0) =	vmax.scan.msk.u32 $0xffff, v18  }
0x22b: {  	(xrf0) =	vmax.scan.msk.u32 $0xffff, v19;
	_ =	sdelay $0x2  }
0x22c: {  	v8, _, _ =	vpop (xrf0)  }
0x22d: {  	v9, _, _ =	vpop (xrf0);
	(v2sf) =	vpush v8, $0xF  }
0x22e: {  	v8, _, _ =	vpop (xrf0);
	(v2sf) =	vpush v9, $0xF  }
0x22f: {  	(v2sf) =	vpush v8, $0xF;
	v8, _, _ =	vpop (xrf0)  }
0x230: {  	(v2sf) =	vpush v8, $0xF;
	_ =	sdelay $0xb  }
0x231: {  	(xrf2) =	vadd.scan.msk.f32 $0xffff, v15;
	s13 =	spop (v2sf)  }
0x232: {  	(xrf2) =	vadd.scan.msk.f32 $0xffff, v14;
	s15 =	spop (v2sf);
	s14 =	sxor.u32 $0x80000000, s13  }
0x233: {  	(xrf2) =	vadd.scan.msk.f32 $0xffff, v12;
	s28 =	spop (v2sf);
	s15 =	sadd.s32 $0x7FFFDFF0, s15;
	s18 =	scvt.s32.f32 s14  }
0x234: {  	(xrf2) =	vadd.scan.msk.f32 $0xffff, v11;
	s16 =	sadd.s32 $0x7FFFBFE0, s28;
	s29 =	spop (v2sf);
	s19 =	scvt.s32.f32 s15  }
0x235: {  	s17 =	sadd.s32 $0x7FFF9FD0, s29;
	v8 =	vmov s18;
	s30 =	scvt.s32.f32 s16  }
0x236: {  	p0 =	sgt.s32 s14, s15;
	s13 =	smov.u32 s15;
	(erf) = vrcp.f32 v8;
	v8 =	vmov s19;
	s31 =	scvt.s32.f32 s17  }
0x237: {  	s13 =	smov.u32 @p0 s14;
	(erf) = vrcp.f32 v8;
	v8 =	vmov s30  }
0x238: {  	s18 =	smov.u32 s16;
	p0 =	sgt.s32 s13, s16;
	(erf) = vrcp.f32 v8;
	v8 =	vmov s31  }
0x239: {  	s18 =	smov.u32 @p0 s13;
	(erf) = vrcp.f32 v8  }
0x23a: {  	s13 =	smov.u32 s17;
	p0 =	sgt.s32 s18, s17  }
0x23b: {  	s13 =	smov.u32 @p0 s18;
	v8, _, _ =	vpop (xrf2)  }
0x23c: {  	s13 =	sadd.s32 $0xF, s13;
	v9, _, _ =	vpop (xrf2);
	v8 =	vadd.f32 $-1.000000000e+00, v8  }
0x23d: {  	s13 =	sshrl.u32 s13, $0x4;
	v10, _, _ =	vpop (xrf2)  }
0x23e: {  	p0 =	seq.s32 s13, $0x0;
	v9 =	vadd.f32 $-1.000000000e+00, v9;
	v11, _, _ =	vpop (xrf2);
	v8 =	vbroadcast v8, $0xF  }
.Ltmp15:
0x23f: {  	v10 =	vadd.f32 $-1.000000000e+00, v10;
	v12 =	vpop (erf);
	v11 =	vadd.f32 $-1.000000000e+00, v11;
	(pc) =	sbr.rel @p0 .LBB2_16-.Ltmp15, $4  }
0x240: {  	v9 =	vbroadcast v9, $0xF;
	v13 =	vpop (erf)  }
0x241: {  	v10 =	vbroadcast v10, $0xF;
	v15 =	vpop (erf);
	v11 =	vbroadcast v11, $0xF  }
0x242: {  	v14 =	vmul.f32 v12, v8;
	v13 =	vmul.f32 v13, v9;
	v8 =	vpop (erf)  }
0x243: {  	v12 =	vmul.f32 v15, v10;
	v11 =	vmul.f32 v8, v11  }
0x244: {  	v4 =	vmov s14;
	v5 =	vmov s15  }
0x245: {  	v6 =	vmov s16;
	v18 =	vmov s17;
	v7 =	vimm.s32 $0x0  }
0x246: {  	v17 =	vimm.s32 $0x2010;
	v16 =	vimm.s32 $0x4020;
	v15 =	vimm.s32 $0x6030  }
0x247: {  	s14 =	simm.s32 $0x8000;
	s15 =	simm.s32 $0x0;
	v8 =	vimm.f32 $0.0e+00;
	v9 =	vimm.f32 $0.0e+00;
	v10 =	vimm.f32 $0.0e+00  }
.LBB2_27:
0x248: {  	v19 =	vld [tilespmem:s14+$0x0];
	_ =	sdelay $0x3  }
0x249: {  	v20 =	vor.u32 s15, v1  }
0x24a: {  	vm1 =	vlt.s32 v20, v4;
	vm0 =	vgt.f32 v19, v14  }
0x24b: {  	vm0 =	vmand vm1, vm0  }
0x24c: {  	v21 =	vsel vm0, $0x1, v0  }
0x24d: {  	(xrf0) =	vadd.scan.msk.s32 $0xffff, v21;
	_ =	sdelay $0x5  }
0x24e: {  	v21, _, _ =	vpop (xrf0)  }
0x24f: {  	v21 =	vadd.s32 v21, v7  }
0x250: {  	v21 =	vadd.s32 $0xFFFFFFFF, v21;
	_ =	sdelay $0x4  }
0x251: {  	[tilespmem:v21+s10+$0x0] =	vst.idx.msk vm0, v19  }
0x252: {  	v21 =	vld [tilespmem:s14+$0x2010];
	_ =	sdelay $0x4  }
0x253: {  	vm2 =	vlt.s32 v20, v5;
	vm13 =	vgt.f32 v21, v13  }
0x254: {  	vm1 =	vmand vm2, vm13  }
0x255: {  	v22 =	vsel vm1, $0x1, v0  }
0x256: {  	(xrf0) =	vadd.scan.msk.s32 $0xffff, v22;
	_ =	sdelay $0x5  }
0x257: {  	v22, _, _ =	vpop (xrf0)  }
0x258: {  	v22 =	vadd.s32 v22, v17  }
0x259: {  	v22 =	vadd.s32 $0xFFFFFFFF, v22;
	_ =	sdelay $0x4  }
0x25a: {  	[tilespmem:v22+s10+$0x0] =	vst.idx.msk vm1, v21  }
0x25b: {  	v22 =	vld [tilespmem:s14+$0x4020];
	_ =	sdelay $0x4  }
0x25c: {  	vm3 =	vlt.s32 v20, v6;
	vm14 =	vgt.f32 v22, v12  }
0x25d: {  	vm2 =	vmand vm3, vm14  }
0x25e: {  	v23 =	vsel vm2, $0x1, v0  }
0x25f: {  	(xrf0) =	vadd.scan.msk.s32 $0xffff, v23;
	_ =	sdelay $0x5  }
0x260: {  	v23, _, _ =	vpop (xrf0)  }
0x261: {  	v23 =	vadd.s32 v23, v16  }
0x262: {  	v23 =	vadd.s32 $0xFFFFFFFF, v23;
	_ =	sdelay $0x4  }
0x263: {  	[tilespmem:v23+s10+$0x0] =	vst.idx.msk vm2, v22  }
0x264: {  	v23 =	vld [tilespmem:s14+$0x6030];
	_ =	sdelay $0x4  }
0x265: {  	vm4 =	vlt.s32 v20, v18;
	vm15 =	vgt.f32 v23, v11  }
0x266: {  	vm3 =	vmand vm4, vm15  }
0x267: {  	v20 =	vsel vm3, $0x1, v0  }
0x268: {  	(xrf0) =	vadd.scan.msk.s32 $0xffff, v20;
	_ =	sdelay $0x5  }
0x269: {  	v20, _, _ =	vpop (xrf0)  }
0x26a: {  	v24 =	vmpcnt.ones.xlane vm0;
	v20 =	vadd.s32 v20, v15  }
0x26b: {  	p0 =	sne.s32 s13, $0x1;
	v19 =	vnsel vm0, $0x0, v19;
	v25 =	vmpcnt.ones.xlane vm1;
	v20 =	vadd.s32 $0xFFFFFFFF, v20  }
.Ltmp16:
0x26c: {  	v7 =	vadd.s32 v7, v24;
	v10 =	vadd.f32 v19, v10;
	(pc) =	sbr.rel @p0 .LBB2_27-.Ltmp16, $4  }
0x26d: {  	v17 =	vadd.s32 v17, v25;
	v21 =	vnsel vm1, $0x0, v21;
	v19 =	vmpcnt.ones.xlane vm2  }
0x26e: {  	v9 =	vadd.f32 v21, v9;
	v62 =	vnsel vm2, $0x0, v22;
	v63 =	vmpcnt.ones.xlane vm3  }
0x26f: {  	v8 =	vadd.f32 v62, v8;
	v16 =	vadd.s32 v16, v19;
	v19 =	vnsel vm3, $0x0, v23  }
0x270: {  	s15 =	sadd.s32 $0x10, s15;
	s13 =	sadd.s32 $0xFFFFFFFF, s13;
	s14 =	sadd.s32 $0x10, s14;
	v3 =	vadd.f32 v19, v3;
	v15 =	vadd.s32 v15, v63;
	[tilespmem:v20+s10+$0x0] =	vst.idx.msk vm3, v23  }
.Ltmp17:
0x271: {  	(pc) =	sbr.rel .LBB2_29-.Ltmp17, $3  }
0x272: {  	_ =	sdelay $0x1  }
0x273: {  	v7 =	vxor.u32 $0x80000000, v7  }
0x274: {  	v6 =	vxor.u32 $0x80000000, v17;
	v5 =	vxor.u32 $0x80000000, v16;
	v4 =	vxor.u32 $0x80000000, v15  }
.LBB2_30:
0x275: {  	v3 =	vpsel p0, v8, v8  }
0x276: {  	v4 =	vpsel p0, v10, v10;
	v5 =	vpsel p0, v9, v9;
	v6 =	vpsel p0, v13, v13  }
.LBB2_31:
0x277: {  	s12 =	simm.s32 $0x0  }
0x278: {  	v7 =	vld [tilespmem:s12+$0x0];
	_ =	sdelay $0x1  }
0x279: {  	v8 =	vld [tilespmem:s12+$0x80]  }
0x27a: {  	v9 =	vld [tilespmem:s12+$0x100];
	_ =	sdelay $0x1  }
0x27b: {  	v10 =	vld [tilespmem:s12+$0x180];
	v7 =	vsub.f32 v7, v3  }
0x27c: {  	v11 =	vld [tilespmem:s12+$0x10]  }
0x27d: {  	v8 =	vsub.f32 v8, v4;
	v7 =	vmax.f32 v7, $0.0e+00  }
0x27e: {  	v12 =	vld [tilespmem:s12+$0x90];
	[tilespmem:s12+$0x0] =	vst v7;
	v7 =	vsub.f32 v9, v5  }
0x27f: {  	v13 =	vld [tilespmem:s12+$0x110];
	v8 =	vmax.f32 v8, $0.0e+00  }
0x280: {  	[tilespmem:s12+$0x80] =	vst v8;
	v8 =	vsub.f32 v10, v6;
	v7 =	vmax.f32 v7, $0.0e+00  }
0x281: {  	v14 =	vld [tilespmem:s12+$0x190];
	[tilespmem:s12+$0x100] =	vst v7;
	v7 =	vsub.f32 v11, v3  }
0x282: {  	v15 =	vld [tilespmem:s12+$0x20];
	v8 =	vmax.f32 v8, $0.0e+00  }
0x283: {  	[tilespmem:s12+$0x180] =	vst v8;
	v8 =	vsub.f32 v12, v4;
	v7 =	vmax.f32 v7, $0.0e+00  }
0x284: {  	v9 =	vld [tilespmem:s12+$0xA0];
	[tilespmem:s12+$0x10] =	vst v7;
	v7 =	vsub.f32 v13, v5  }
0x285: {  	v10 =	vld [tilespmem:s12+$0x120];
	v8 =	vmax.f32 v8, $0.0e+00  }
0x286: {  	[tilespmem:s12+$0x90] =	vst v8;
	v8 =	vsub.f32 v14, v6;
	v7 =	vmax.f32 v7, $0.0e+00  }
0x287: {  	v11 =	vld [tilespmem:s12+$0x1A0];
	[tilespmem:s12+$0x110] =	vst v7;
	v7 =	vsub.f32 v15, v3  }
0x288: {  	v12 =	vld [tilespmem:s12+$0x30];
	v8 =	vmax.f32 v8, $0.0e+00  }
0x289: {  	[tilespmem:s12+$0x190] =	vst v8;
	v8 =	vsub.f32 v9, v4;
	v7 =	vmax.f32 v7, $0.0e+00  }
0x28a: {  	v13 =	vld [tilespmem:s12+$0xB0];
	[tilespmem:s12+$0x20] =	vst v7;
	v7 =	vsub.f32 v10, v5  }
0x28b: {  	v14 =	vld [tilespmem:s12+$0x130];
	v8 =	vmax.f32 v8, $0.0e+00  }
0x28c: {  	[tilespmem:s12+$0xA0] =	vst v8;
	v8 =	vsub.f32 v11, v6;
	v7 =	vmax.f32 v7, $0.0e+00  }
0x28d: {  	v15 =	vld [tilespmem:s12+$0x1B0];
	[tilespmem:s12+$0x120] =	vst v7;
	v7 =	vsub.f32 v12, v3  }
0x28e: {  	v9 =	vld [tilespmem:s12+$0x40];
	v8 =	vmax.f32 v8, $0.0e+00  }
0x28f: {  	[tilespmem:s12+$0x1A0] =	vst v8;
	v8 =	vsub.f32 v13, v4;
	v7 =	vmax.f32 v7, $0.0e+00  }
0x290: {  	v10 =	vld [tilespmem:s12+$0xC0];
	[tilespmem:s12+$0x30] =	vst v7;
	v7 =	vsub.f32 v14, v5  }
0x291: {  	v11 =	vld [tilespmem:s12+$0x140];
	v8 =	vmax.f32 v8, $0.0e+00  }
0x292: {  	[tilespmem:s12+$0xB0] =	vst v8;
	v8 =	vsub.f32 v15, v6;
	v7 =	vmax.f32 v7, $0.0e+00  }
0x293: {  	v12 =	vld [tilespmem:s12+$0x1C0];
	[tilespmem:s12+$0x130] =	vst v7;
	v7 =	vsub.f32 v9, v3  }
0x294: {  	v13 =	vld [tilespmem:s12+$0x50];
	v8 =	vmax.f32 v8, $0.0e+00  }
0x295: {  	[tilespmem:s12+$0x1B0] =	vst v8;
	v8 =	vsub.f32 v10, v4;
	v7 =	vmax.f32 v7, $0.0e+00  }
0x296: {  	v14 =	vld [tilespmem:s12+$0xD0];
	[tilespmem:s12+$0x40] =	vst v7;
	v7 =	vsub.f32 v11, v5  }
0x297: {  	v15 =	vld [tilespmem:s12+$0x150];
	v8 =	vmax.f32 v8, $0.0e+00  }
0x298: {  	v16 =	vld [tilespmem:s12+$0x1D0];
	[tilespmem:s12+$0xC0] =	vst v8;
	v8 =	vsub.f32 v12, v6;
	v9 =	vmax.f32 v7, $0.0e+00  }
0x299: {  	v17 =	vld [tilespmem:s12+$0x60];
	[tilespmem:s12+$0x140] =	vst v9;
	v9 =	vsub.f32 v13, v3  }
0x29a: {  	v18 =	vld [tilespmem:s12+$0xE0];
	v10 =	vmax.f32 v8, $0.0e+00  }
0x29b: {  	v7 =	vld [tilespmem:s12+$0x160];
	[tilespmem:s12+$0x1C0] =	vst v10;
	v10 =	vsub.f32 v14, v4;
	v11 =	vmax.f32 v9, $0.0e+00  }
0x29c: {  	v8 =	vld [tilespmem:s12+$0x1E0];
	[tilespmem:s12+$0x50] =	vst v11;
	v11 =	vsub.f32 v15, v5  }
0x29d: {  	v13 =	vsub.f32 v16, v6;
	v9 =	vld [tilespmem:s12+$0x70];
	v12 =	vmax.f32 v10, $0.0e+00  }
0x29e: {  	v10 =	vld [tilespmem:s12+$0xF0];
	[tilespmem:s12+$0xD0] =	vst v12;
	v12 =	vsub.f32 v17, v3;
	v14 =	vmax.f32 v11, $0.0e+00  }
0x29f: {  	s13 =	simm.s32 $0x800;
	v11 =	vld [tilespmem:s12+$0x170];
	[tilespmem:s12+$0x150] =	vst v14;
	v14 =	vmax.f32 v13, $0.0e+00;
	v13 =	vsub.f32 v18, v4  }
.LBB2_32:
0x2a0: {  	s14 =	sshra.s32 s13, $0x2;
	p0 =	sne.s32 s13, $0x1F800;
	v15 =	vld [tilespmem:s12+$0x1F0];
	[tilespmem:s12+$0x1D0] =	vst v14;
	v12 =	vmax.f32 v12, $0.0e+00;
	v7 =	vsub.f32 v7, v5  }
0x2a1: {  	v14 =	vld [tilespmem:s14+$0x0];
	[tilespmem:s12+$0x60] =	vst v12;
	v12 =	vmax.f32 v13, $0.0e+00;
	v8 =	vsub.f32 v8, v6  }
0x2a2: {  	v13 =	vld [tilespmem:s14+$0x80];
	[tilespmem:s12+$0xE0] =	vst v12;
	v7 =	vmax.f32 v7, $0.0e+00;
	v9 =	vsub.f32 v9, v3  }
0x2a3: {  	v12 =	vld [tilespmem:s14+$0x100];
	[tilespmem:s12+$0x160] =	vst v7;
	v7 =	vmax.f32 v8, $0.0e+00;
	v8 =	vsub.f32 v10, v4  }
0x2a4: {  	v10 =	vld [tilespmem:s14+$0x180];
	[tilespmem:s12+$0x1E0] =	vst v7;
	v7 =	vmax.f32 v9, $0.0e+00;
	v9 =	vsub.f32 v11, v5  }
0x2a5: {  	v11 =	vld [tilespmem:s14+$0x10];
	[tilespmem:s12+$0x70] =	vst v7;
	v7 =	vmax.f32 v8, $0.0e+00;
	v8 =	vsub.f32 v15, v6  }
0x2a6: {  	v15 =	vld [tilespmem:s14+$0x90];
	v14 =	vsub.f32 v14, v3;
	[tilespmem:s12+$0xF0] =	vst v7;
	v7 =	vmax.f32 v9, $0.0e+00  }
0x2a7: {  	v9 =	vld [tilespmem:s14+$0x110];
	v13 =	vsub.f32 v13, v4;
	[tilespmem:s12+$0x170] =	vst v7;
	v7 =	vmax.f32 v8, $0.0e+00  }
0x2a8: {  	v8 =	vld [tilespmem:s14+$0x190];
	v14 =	vmax.f32 v14, $0.0e+00;
	v12 =	vsub.f32 v12, v5;
	[tilespmem:s12+$0x1F0] =	vst v7;
	s12 =	smov.u32 s14  }
0x2a9: {  	v7 =	vld [tilespmem:s12+$0x20];
	[tilespmem:s12+$0x0] =	vst v14;
	v13 =	vmax.f32 v13, $0.0e+00;
	v10 =	vsub.f32 v10, v6  }
0x2aa: {  	v14 =	vld [tilespmem:s12+$0xA0];
	[tilespmem:s12+$0x80] =	vst v13;
	v12 =	vmax.f32 v12, $0.0e+00;
	v11 =	vsub.f32 v11, v3  }
0x2ab: {  	v13 =	vld [tilespmem:s12+$0x120];
	[tilespmem:s12+$0x100] =	vst v12;
	v10 =	vmax.f32 v10, $0.0e+00;
	v12 =	vsub.f32 v15, v4  }
0x2ac: {  	v15 =	vld [tilespmem:s12+$0x1A0];
	[tilespmem:s12+$0x180] =	vst v10;
	v10 =	vmax.f32 v11, $0.0e+00;
	v9 =	vsub.f32 v9, v5  }
0x2ad: {  	v11 =	vld [tilespmem:s12+$0x30];
	[tilespmem:s12+$0x10] =	vst v10;
	v10 =	vmax.f32 v12, $0.0e+00;
	v8 =	vsub.f32 v8, v6  }
0x2ae: {  	v12 =	vld [tilespmem:s12+$0xB0];
	[tilespmem:s12+$0x90] =	vst v10;
	v9 =	vmax.f32 v9, $0.0e+00;
	v7 =	vsub.f32 v7, v3  }
0x2af: {  	v10 =	vld [tilespmem:s12+$0x130];
	[tilespmem:s12+$0x110] =	vst v9;
	v8 =	vmax.f32 v8, $0.0e+00;
	v9 =	vsub.f32 v14, v4  }
0x2b0: {  	v14 =	vld [tilespmem:s12+$0x1B0];
	[tilespmem:s12+$0x190] =	vst v8;
	v7 =	vmax.f32 v7, $0.0e+00;
	v8 =	vsub.f32 v13, v5  }
0x2b1: {  	v13 =	vld [tilespmem:s12+$0x40];
	[tilespmem:s12+$0x20] =	vst v7;
	v7 =	vmax.f32 v9, $0.0e+00;
	v9 =	vsub.f32 v15, v6  }
0x2b2: {  	v15 =	vld [tilespmem:s12+$0xC0];
	[tilespmem:s12+$0xA0] =	vst v7;
	v7 =	vmax.f32 v8, $0.0e+00;
	v8 =	vsub.f32 v11, v3  }
0x2b3: {  	v11 =	vld [tilespmem:s12+$0x140];
	[tilespmem:s12+$0x120] =	vst v7;
	v7 =	vmax.f32 v9, $0.0e+00;
	v9 =	vsub.f32 v12, v4  }
0x2b4: {  	v12 =	vld [tilespmem:s12+$0x1C0];
	[tilespmem:s12+$0x1A0] =	vst v7;
	v7 =	vmax.f32 v8, $0.0e+00;
	v8 =	vsub.f32 v10, v5  }
0x2b5: {  	v10 =	vld [tilespmem:s12+$0x50];
	[tilespmem:s12+$0x30] =	vst v7;
	v7 =	vmax.f32 v9, $0.0e+00;
	v9 =	vsub.f32 v14, v6  }
0x2b6: {  	v14 =	vld [tilespmem:s12+$0xD0];
	[tilespmem:s12+$0xB0] =	vst v7;
	v7 =	vmax.f32 v8, $0.0e+00;
	v8 =	vsub.f32 v13, v3  }
0x2b7: {  	v13 =	vld [tilespmem:s12+$0x150];
	[tilespmem:s12+$0x130] =	vst v7;
	v7 =	vmax.f32 v9, $0.0e+00;
	v9 =	vsub.f32 v15, v4  }
0x2b8: {  	v15 =	vld [tilespmem:s12+$0x1D0];
	[tilespmem:s12+$0x1B0] =	vst v7;
	v7 =	vmax.f32 v8, $0.0e+00;
	v8 =	vsub.f32 v11, v5  }
0x2b9: {  	v11 =	vld [tilespmem:s12+$0x60];
	[tilespmem:s12+$0x40] =	vst v7;
	v7 =	vmax.f32 v9, $0.0e+00;
	v9 =	vsub.f32 v12, v6  }
0x2ba: {  	v16 =	vld [tilespmem:s12+$0xE0];
	[tilespmem:s12+$0xC0] =	vst v7;
	v8 =	vmax.f32 v8, $0.0e+00;
	v10 =	vsub.f32 v10, v3  }
.Ltmp18:
0x2bb: {  	v7 =	vld [tilespmem:s12+$0x160];
	[tilespmem:s12+$0x140] =	vst v8;
	v9 =	vmax.f32 v9, $0.0e+00;
	v12 =	vsub.f32 v14, v4;
	(pc) =	sbr.rel @p0 .LBB2_32-.Ltmp18, $4  }
0x2bc: {  	v8 =	vld [tilespmem:s12+$0x1E0];
	[tilespmem:s12+$0x1C0] =	vst v9;
	v10 =	vmax.f32 v10, $0.0e+00;
	v13 =	vsub.f32 v13, v5  }
0x2bd: {  	v9 =	vld [tilespmem:s12+$0x70];
	[tilespmem:s12+$0x50] =	vst v10;
	v12 =	vmax.f32 v12, $0.0e+00;
	v14 =	vsub.f32 v15, v6  }
0x2be: {  	v10 =	vld [tilespmem:s12+$0xF0];
	[tilespmem:s12+$0xD0] =	vst v12;
	v13 =	vmax.f32 v13, $0.0e+00;
	v12 =	vsub.f32 v11, v3  }
0x2bf: {  	s13 =	sadd.s32 $0x800, s13;
	v11 =	vld [tilespmem:s12+$0x170];
	[tilespmem:s12+$0x150] =	vst v13;
	v14 =	vmax.f32 v14, $0.0e+00;
	v13 =	vsub.f32 v16, v4  }
0x2c0: {  	v15 =	vld [tilespmem:s12+$0x1F0];
	[tilespmem:s12+$0x1D0] =	vst v14;
	v12 =	vmax.f32 v12, $0.0e+00;
	v7 =	vsub.f32 v7, v5  }
0x2c1: {  	[tilespmem:s12+$0x60] =	vst v12;
	v60 =	vmax.f32 v13, $0.0e+00;
	v8 =	vsub.f32 v8, v6  }
0x2c2: {  	[tilespmem:s12+$0xE0] =	vst v60;
	v7 =	vmax.f32 v7, $0.0e+00;
	v3 =	vsub.f32 v9, v3  }
0x2c3: {  	[tilespmem:s12+$0x160] =	vst v7;
	v61 =	vmax.f32 v8, $0.0e+00;
	v4 =	vsub.f32 v10, v4  }
0x2c4: {  	[tilespmem:s12+$0x1E0] =	vst v61;
	v3 =	vmax.f32 v3, $0.0e+00;
	v62 =	vsub.f32 v11, v5  }
0x2c5: {  	[tilespmem:s12+$0x70] =	vst v3;
	v3 =	vmax.f32 v4, $0.0e+00;
	v63 =	vsub.f32 v15, v6  }
0x2c6: {  	s11 =	sadd.s32 $0x1, s11;
	[tilespmem:s12+$0xF0] =	vst v3;
	v3 =	vmax.f32 v62, $0.0e+00  }
0x2c7: {  	p0 =	sne.s32 s11, s5;
	[tilespmem:s12+$0x170] =	vst v3;
	v3 =	vmax.f32 v63, $0.0e+00  }
.Ltmp19:
0x2c8: {  	[tilespmem:s12+$0x1F0] =	vst v3;
	(pc) =	sbr.rel @p0 .LBB2_1-.Ltmp19, $4  }
0x2c9: {  	[hbm4b:s4+s6] =	stream.strided.scatter [tilespmem:s2], [sflag:$0x1], $0x8000, s7, s6, $0x38;
	[tilespmem:$0x18100] =	vst v63  }
0x2ca: {  	_ =	swait.ge [sflag:s8], $0x8000  }
0x2cb: {  	[sflag:s8] =	ssyncset.done $0x0  }
0x2cc: {  	[sflag:s8] =	ssyncadd.s32 $0xFFFF8000  }
0x2cd: {  	_ =	sfence.sel $0x180000  }
0x2ce: {  	[bflag:$0x0] =	sbarrier.arrive $0xFFFF  }
0x2cf: {  	p0 =	sne.s32 s1, $0x0;
	_ =	strace $0x90000047  }
0x2d0: {  	s0 =	sadd.s32 @!p0 $0x100000, s0;
	[bflag:$0x2] =	sbarrier.arrive $0xFFFF  }
0x2d1: {  	[sflag:s0] =	ssyncadd.tile.s32 @!p0 $0x1;
	_ =	shalt  }
.Lfunc_end2:
_tile_overlayer_lowered:
.L_overlay_start_2:
0x2d2: {  	(tag) =	ssettag $0x2  }
0x2d3: {  	s0 =	rddreg [dreg:$0x0];
	s2 =	stileid.u32  }
0x2d4: {  	s1 =	rddreg [dreg:$0x1];
	p0 =	sne.s32 s2, $0x0  }
0x2d5: {  	s3 =	rddreg [dreg:$0x2];
	[bflag:$0x3] =	sbarrier.arrive $0xFFFF;
	s2 =	simm.s32 @!p0 $0x1C01  }
0x2d6: {  	[timem:s3], [sflag:s2] =	dma.local @!p0 [hbm:s0], s1  }
0x2d7: {  	s0 =	simm.s32 @!p0 $0x1  }
0x2d8: {  	_ =	swait.ge @!p0 [sflag:s0], s1  }
0x2d9: {  	s1 =	ssub.s32 @!p0 $0x0, s1;
	[sflag:s0] =	ssyncset.done @!p0 $0x0  }
0x2da: {  	[sflag:s0] =	ssyncadd.s32 @!p0 s1  }
0x2db: {  	[bflag:$0x3] =	sbarrier.arrive $0xFFFF  }
0x2dc: {  	_ =	shalt  }

</sc_bundles>
